<compile_context>
chip_gen: v7x
topology: tpu7x:2x2x1
jax: 0.10.2.dev20260603
libtpu: 0.0.44.dev20260713+nightly
codegen_flags: <defaults>
</compile_context>

<pallas_src>
import functools

import jax
import jax.numpy as jnp
from jax import lax
from jax.experimental import pallas as pl
from jax.experimental.pallas import tpu as pltpu
from jax.experimental.pallas import tpu_sc as plsc

_info = plsc.get_sparse_core_info()
_NC = _info.num_cores
_NS = _info.num_subcores
_NW = _NC * _NS


def _make_sc_broadcast(B, S, D, dtype):
    CH = 32
    NBUF = 2
    rows_per_w = S // _NW
    n_steps = rows_per_w // CH
    mesh = plsc.VectorSubcoreMesh(core_axis_name="c", subcore_axis_name="s")

    @functools.partial(
        pl.kernel,
        mesh=mesh,
        out_type=jax.ShapeDtypeStruct((B, S, D), dtype),
        scratch_types=[pltpu.VMEM((NBUF, CH, D), dtype)]
        + [pltpu.SemaphoreType.DMA] * (2 * NBUF),
    )
    def sc_kernel(table_hbm, out_hbm, buf, *sems):
        rsem = sems[:NBUF]
        wsem = sems[NBUF:]
        w = lax.axis_index("s") * _NC + lax.axis_index("c")
        base = w * rows_per_w

        reads = {}
        writes = {}
        reads[0] = pltpu.async_copy(
            table_hbm.at[pl.ds(base, CH)], buf.at[0], rsem[0]
        )
        for i in range(n_steps):
            reads.pop(i).wait()
            nxt = i + 1
            if nxt < n_steps:
                prev = nxt - NBUF
                if prev in writes:
                    for h in writes.pop(prev):
                        h.wait()
                reads[nxt] = pltpu.async_copy(
                    table_hbm.at[pl.ds(base + nxt * CH, CH)],
                    buf.at[nxt % NBUF],
                    rsem[nxt % NBUF],
                )
            r0 = base + i * CH
            writes[i] = [
                pltpu.async_copy(
                    buf.at[i % NBUF], out_hbm.at[b, pl.ds(r0, CH)], wsem[i % NBUF]
                )
                for b in range(B)
            ]
        for hs in writes.values():
            for h in hs:
                h.wait()

    return sc_kernel


def kernel(inputs, table):
    B = inputs.shape[0]
    S, D = table.shape
    return _make_sc_broadcast(B, S, D, table.dtype)(table)

# --- scband reference (transcript-rebuilt; emitter-appended) ---
"""Pipeline reference for scband-learnable-positional-embedding-50629074485830 (READ-ONLY COPY).

The authoritative reference and input builder live on the scoring server;
editing this copy changes nothing except your own understanding.
"""

import jax, jax.numpy as jnp
import numpy as np


def setup_inputs(seed: int = 0) -> dict:
    key = jax.random.key(seed)
    k1, k2 = jax.random.split(key)
    # forward input (only its shape matters, mirrors token embeddings)
    inputs = jax.random.normal(k1, (4, 8192, 1024), dtype=jnp.float32)
    # learned positional embedding table: [max_length, embedding_dim]
    table = jax.random.normal(k2, (8192, 1024), dtype=jnp.float32) * 0.02
    return {"inputs": inputs, "table": table}


def reference(inputs, table):
    # batch_size, sequence_length = shape(inputs)[0], shape(inputs)[1]
    B = inputs.shape[0]
    S = inputs.shape[1]
    positions = jnp.arange(S, dtype=jnp.int32)            # [S]
    positions = jnp.expand_dims(positions, 0)             # [1, S]
    positions = jnp.tile(positions, (B, 1))               # [B, S]
    pos_embeddings = jnp.take(table, positions, axis=0)   # [B, S, D] embedding gather
    return pos_embeddings

if __name__ == "__main__":
    import jax
    _d = setup_inputs()
    print(jax.jit(kernel)(*tuple(_d.values())))

</pallas_src>

<mosaic_0001>
#map = affine_map<(d0, d1) -> (0, 0)>
#map1 = affine_map<(d0, d1) -> (0, 0, 0)>
module attributes {stable_mosaic.version = 14 : i64} {
  func.func @sc_kernel(%arg0: i32, %arg1: i32, %arg2: memref<8192x1024xf32, #tpu.memory_space<hbm>>, %arg3: memref<4x8192x1024xf32, #tpu.memory_space<hbm>>, %arg4: memref<2x32x1024xf32, #tpu.memory_space<vmem>>, %arg5: memref<!tpu.dma_semaphore, #tpu.memory_space<semaphore_mem>>, %arg6: memref<!tpu.dma_semaphore, #tpu.memory_space<semaphore_mem>>, %arg7: memref<!tpu.dma_semaphore, #tpu.memory_space<semaphore_mem>>, %arg8: memref<!tpu.dma_semaphore, #tpu.memory_space<semaphore_mem>>) attributes {dimension_semantics = [#tpu.dimension_semantics<core_parallel>, #tpu.dimension_semantics<subcore_parallel>], iteration_bounds = array<i64: 2, 16>, scalar_prefetch = 0 : i64, scratch_operands = 5 : i64, tpu.core_type = #tpu.core_type<sc_vector_subcore>, window_params = [{transform_indices = #map}, {transform_indices = #map1}]} {
    %mul3A = arith.constant 2 : i32
    %mul3A_0 = arith.muli %arg1, %mul3A : i32
    %add3A = arith.addi %mul3A_0, %arg0 : i32
    %mul3A_1 = arith.constant 256 : i32
    %mul3A_2 = arith.muli %add3A, %mul3A_1 : i32
    %dma_start3A = arith.constant 0 : i32
    %dma_start3A_3 = arith.constant 0 : i32
    %dma_start3A_4 = arith.constant 0 : i32
    %dma_start3A_5 = tpu.memref_slice %arg4[%dma_start3A, %dma_start3A_3, %dma_start3A_4] : memref<2x32x1024xf32, #tpu.memory_space<vmem>> -> memref<1x32x1024xf32, #tpu.memory_space<vmem>>
    %dma_start3A_6 = tpu.memref_squeeze %dma_start3A_5 : memref<1x32x1024xf32, #tpu.memory_space<vmem>> -> memref<32x1024xf32, #tpu.memory_space<vmem>>
    %dma_start3A_7 = arith.constant 0 : i32
    %dma_start3A_8 = tpu.memref_slice %arg2[%mul3A_2, %dma_start3A_7] : memref<8192x1024xf32, #tpu.memory_space<hbm>> -> memref<32x1024xf32, #tpu.memory_space<hbm>>
    %dma_start3A_9 = arith.constant 0 : i32
    %dma_start3A_10 = arith.constant 0 : i32
    %dma_start3A_11 = tpu.memref_slice %arg4[%dma_start3A, %dma_start3A_9, %dma_start3A_10] : memref<2x32x1024xf32, #tpu.memory_space<vmem>> -> memref<1x32x1024xf32, #tpu.memory_space<vmem>>
    %dma_start3A_12 = tpu.memref_squeeze %dma_start3A_11 : memref<1x32x1024xf32, #tpu.memory_space<vmem>> -> memref<32x1024xf32, #tpu.memory_space<vmem>>
    %dma_start3A_13 = arith.constant 0 : i32
    %dma_start3A_14 = tpu.memref_slice %arg2[%mul3A_2, %dma_start3A_13] : memref<8192x1024xf32, #tpu.memory_space<hbm>> -> memref<32x1024xf32, #tpu.memory_space<hbm>>
    tpu.enqueue_dma source(%dma_start3A_14 : memref<32x1024xf32, #tpu.memory_space<hbm>>) target(%dma_start3A_12 : memref<32x1024xf32, #tpu.memory_space<vmem>>) target_semaphore(%arg5 : memref<!tpu.dma_semaphore, #tpu.memory_space<semaphore_mem>>)
    %dma_wait3A = arith.constant 0 : i32
    %dma_wait3A_15 = arith.constant 0 : i32
    %dma_wait3A_16 = arith.constant 0 : i32
    %dma_wait3A_17 = tpu.memref_slice %arg4[%dma_wait3A, %dma_wait3A_15, %dma_wait3A_16] : memref<2x32x1024xf32, #tpu.memory_space<vmem>> -> memref<1x32x1024xf32, #tpu.memory_space<vmem>>
    %dma_wait3A_18 = tpu.memref_squeeze %dma_wait3A_17 : memref<1x32x1024xf32, #tpu.memory_space<vmem>> -> memref<32x1024xf32, #tpu.memory_space<vmem>>
    %dma_wait3A_19 = arith.constant 0 : i32
    %dma_wait3A_20 = tpu.memref_slice %arg2[%mul3A_2, %dma_wait3A_19] : memref<8192x1024xf32, #tpu.memory_space<hbm>> -> memref<32x1024xf32, #tpu.memory_space<hbm>>
    %dma_wait3A_21 = arith.constant 0 : i32
    %dma_wait3A_22 = arith.constant 0 : i32
    %dma_wait3A_23 = tpu.memref_slice %arg4[%dma_wait3A, %dma_wait3A_21, %dma_wait3A_22] : memref<2x32x1024xf32, #tpu.memory_space<vmem>> -> memref<1x32x1024xf32, #tpu.memory_space<vmem>>
    %dma_wait3A_24 = tpu.memref_squeeze %dma_wait3A_23 : memref<1x32x1024xf32, #tpu.memory_space<vmem>> -> memref<32x1024xf32, #tpu.memory_space<vmem>>
    %dma_wait3A_25 = arith.constant 0 : i32
    %dma_wait3A_26 = tpu.memref_slice %arg2[%mul3A_2, %dma_wait3A_25] : memref<8192x1024xf32, #tpu.memory_space<hbm>> -> memref<32x1024xf32, #tpu.memory_space<hbm>>
    tpu.wait_dma2 semaphore(%arg5 : memref<!tpu.dma_semaphore, #tpu.memory_space<semaphore_mem>>) src(%dma_wait3A_26 : memref<32x1024xf32, #tpu.memory_space<hbm>>) dst(%dma_wait3A_24 : memref<32x1024xf32, #tpu.memory_space<vmem>>)
    %add3A_27 = arith.constant 32 : i32
    %add3A_28 = arith.addi %mul3A_2, %add3A_27 : i32
    %dma_start3A_29 = arith.constant 1 : i32
    %dma_start3A_30 = arith.constant 0 : i32
    %dma_start3A_31 = arith.constant 0 : i32
    %dma_start3A_32 = tpu.memref_slice %arg4[%dma_start3A_29, %dma_start3A_30, %dma_start3A_31] : memref<2x32x1024xf32, #tpu.memory_space<vmem>> -> memref<1x32x1024xf32, #tpu.memory_space<vmem>>
    %dma_start3A_33 = tpu.memref_squeeze %dma_start3A_32 : memref<1x32x1024xf32, #tpu.memory_space<vmem>> -> memref<32x1024xf32, #tpu.memory_space<vmem>>
    %dma_start3A_34 = arith.constant 0 : i32
    %dma_start3A_35 = tpu.memref_slice %arg2[%add3A_28, %dma_start3A_34] : memref<8192x1024xf32, #tpu.memory_space<hbm>> -> memref<32x1024xf32, #tpu.memory_space<hbm>>
    %dma_start3A_36 = arith.constant 0 : i32
    %dma_start3A_37 = arith.constant 0 : i32
    %dma_start3A_38 = tpu.memref_slice %arg4[%dma_start3A_29, %dma_start3A_36, %dma_start3A_37] : memref<2x32x1024xf32, #tpu.memory_space<vmem>> -> memref<1x32x1024xf32, #tpu.memory_space<vmem>>
    %dma_start3A_39 = tpu.memref_squeeze %dma_start3A_38 : memref<1x32x1024xf32, #tpu.memory_space<vmem>> -> memref<32x1024xf32, #tpu.memory_space<vmem>>
    %dma_start3A_40 = arith.constant 0 : i32
    %dma_start3A_41 = tpu.memref_slice %arg2[%add3A_28, %dma_start3A_40] : memref<8192x1024xf32, #tpu.memory_space<hbm>> -> memref<32x1024xf32, #tpu.memory_space<hbm>>
    tpu.enqueue_dma source(%dma_start3A_41 : memref<32x1024xf32, #tpu.memory_space<hbm>>) target(%dma_start3A_39 : memref<32x1024xf32, #tpu.memory_space<vmem>>) target_semaphore(%arg6 : memref<!tpu.dma_semaphore, #tpu.memory_space<semaphore_mem>>)
    %add3A_42 = arith.constant 0 : i32
    %add3A_43 = arith.addi %mul3A_2, %add3A_42 : i32
    %dma_start3A_44 = arith.constant 0 : i32
    %dma_start3A_45 = arith.constant 0 : i32
    %dma_start3A_46 = arith.constant 0 : i32
    %dma_start3A_47 = arith.constant 0 : i32
    %dma_start3A_48 = tpu.memref_slice %arg4[%dma_start3A_44, %dma_start3A_46, %dma_start3A_47] : memref<2x32x1024xf32, #tpu.memory_space<vmem>> -> memref<1x32x1024xf32, #tpu.memory_space<vmem>>
    %dma_start3A_49 = tpu.memref_squeeze %dma_start3A_48 : memref<1x32x1024xf32, #tpu.memory_space<vmem>> -> memref<32x1024xf32, #tpu.memory_space<vmem>>
    %dma_start3A_50 = arith.constant 0 : i32
    %dma_start3A_51 = tpu.memref_slice %arg3[%dma_start3A_45, %add3A_43, %dma_start3A_50] : memref<4x8192x1024xf32, #tpu.memory_space<hbm>> -> memref<1x32x1024xf32, #tpu.memory_space<hbm>>
    %dma_start3A_52 = tpu.memref_squeeze %dma_start3A_51 : memref<1x32x1024xf32, #tpu.memory_space<hbm>> -> memref<32x1024xf32, #tpu.memory_space<hbm>>
    %dma_start3A_53 = arith.constant 0 : i32
    %dma_start3A_54 = tpu.memref_slice %arg3[%dma_start3A_45, %add3A_43, %dma_start3A_53] : memref<4x8192x1024xf32, #tpu.memory_space<hbm>> -> memref<1x32x1024xf32, #tpu.memory_space<hbm>>
    %dma_start3A_55 = tpu.memref_squeeze %dma_start3A_54 : memref<1x32x1024xf32, #tpu.memory_space<hbm>> -> memref<32x1024xf32, #tpu.memory_space<hbm>>
    %dma_start3A_56 = arith.constant 0 : i32
    %dma_start3A_57 = arith.constant 0 : i32
    %dma_start3A_58 = tpu.memref_slice %arg4[%dma_start3A_44, %dma_start3A_56, %dma_start3A_57] : memref<2x32x1024xf32, #tpu.memory_space<vmem>> -> memref<1x32x1024xf32, #tpu.memory_space<vmem>>
    %dma_start3A_59 = tpu.memref_squeeze %dma_start3A_58 : memref<1x32x1024xf32, #tpu.memory_space<vmem>> -> memref<32x1024xf32, #tpu.memory_space<vmem>>
    tpu.enqueue_dma source(%dma_start3A_59 : memref<32x1024xf32, #tpu.memory_space<vmem>>) target(%dma_start3A_55 : memref<32x1024xf32, #tpu.memory_space<hbm>>) target_semaphore(%arg7 : memref<!tpu.dma_semaphore, #tpu.memory_space<semaphore_mem>>)
    %dma_start3A_60 = arith.constant 0 : i32
    %dma_start3A_61 = arith.constant 1 : i32
    %dma_start3A_62 = arith.constant 0 : i32
    %dma_start3A_63 = arith.constant 0 : i32
    %dma_start3A_64 = tpu.memref_slice %arg4[%dma_start3A_60, %dma_start3A_62, %dma_start3A_63] : memref<2x32x1024xf32, #tpu.memory_space<vmem>> -> memref<1x32x1024xf32, #tpu.memory_space<vmem>>
    %dma_start3A_65 = tpu.memref_squeeze %dma_start3A_64 : memref<1x32x1024xf32, #tpu.memory_space<vmem>> -> memref<32x1024xf32, #tpu.memory_space<vmem>>
    %dma_start3A_66 = arith.constant 0 : i32
    %dma_start3A_67 = tpu.memref_slice %arg3[%dma_start3A_61, %add3A_43, %dma_start3A_66] : memref<4x8192x1024xf32, #tpu.memory_space<hbm>> -> memref<1x32x1024xf32, #tpu.memory_space<hbm>>
    %dma_start3A_68 = tpu.memref_squeeze %dma_start3A_67 : memref<1x32x1024xf32, #tpu.memory_space<hbm>> -> memref<32x1024xf32, #tpu.memory_space<hbm>>
    %dma_start3A_69 = arith.constant 0 : i32
    %dma_start3A_70 = tpu.memref_slice %arg3[%dma_start3A_61, %add3A_43, %dma_start3A_69] : memref<4x8192x1024xf32, #tpu.memory_space<hbm>> -> memref<1x32x1024xf32, #tpu.memory_space<hbm>>
    %dma_start3A_71 = tpu.memref_squeeze %dma_start3A_70 : memref<1x32x1024xf32, #tpu.memory_space<hbm>> -> memref<32x1024xf32, #tpu.memory_space<hbm>>
    %dma_start3A_72 = arith.constant 0 : i32
    %dma_start3A_73 = arith.constant 0 : i32
    %dma_start3A_74 = tpu.memref_slice %arg4[%dma_start3A_60, %dma_start3A_72, %dma_start3A_73] : memref<2x32x1024xf32, #tpu.memory_space<vmem>> -> memref<1x32x1024xf32, #tpu.memory_space<vmem>>
    %dma_start3A_75 = tpu.memref_squeeze %dma_start3A_74 : memref<1x32x1024xf32, #tpu.memory_space<vmem>> -> memref<32x1024xf32, #tpu.memory_space<vmem>>
    tpu.enqueue_dma source(%dma_start3A_75 : memref<32x1024xf32, #tpu.memory_space<vmem>>) target(%dma_start3A_71 : memref<32x1024xf32, #tpu.memory_space<hbm>>) target_semaphore(%arg7 : memref<!tpu.dma_semaphore, #tpu.memory_space<semaphore_mem>>)
    %dma_start3A_76 = arith.constant 0 : i32
    %dma_start3A_77 = arith.constant 2 : i32
    %dma_start3A_78 = arith.constant 0 : i32
    %dma_start3A_79 = arith.constant 0 : i32
    %dma_start3A_80 = tpu.memref_slice %arg4[%dma_start3A_76, %dma_start3A_78, %dma_start3A_79] : memref<2x32x1024xf32, #tpu.memory_space<vmem>> -> memref<1x32x1024xf32, #tpu.memory_space<vmem>>
    %dma_start3A_81 = tpu.memref_squeeze %dma_start3A_80 : memref<1x32x1024xf32, #tpu.memory_space<vmem>> -> memref<32x1024xf32, #tpu.memory_space<vmem>>
    %dma_start3A_82 = arith.constant 0 : i32
    %dma_start3A_83 = tpu.memref_slice %arg3[%dma_start3A_77, %add3A_43, %dma_start3A_82] : memref<4x8192x1024xf32, #tpu.memory_space<hbm>> -> memref<1x32x1024xf32, #tpu.memory_space<hbm>>
    %dma_start3A_84 = tpu.memref_squeeze %dma_start3A_83 : memref<1x32x1024xf32, #tpu.memory_space<hbm>> -> memref<32x1024xf32, #tpu.memory_space<hbm>>
    %dma_start3A_85 = arith.constant 0 : i32
    %dma_start3A_86 = tpu.memref_slice %arg3[%dma_start3A_77, %add3A_43, %dma_start3A_85] : memref<4x8192x1024xf32, #tpu.memory_space<hbm>> -> memref<1x32x1024xf32, #tpu.memory_space<hbm>>
    %dma_start3A_87 = tpu.memref_squeeze %dma_start3A_86 : memref<1x32x1024xf32, #tpu.memory_space<hbm>> -> memref<32x1024xf32, #tpu.memory_space<hbm>>
    %dma_start3A_88 = arith.constant 0 : i32
    %dma_start3A_89 = arith.constant 0 : i32
    %dma_start3A_90 = tpu.memref_slice %arg4[%dma_start3A_76, %dma_start3A_88, %dma_start3A_89] : memref<2x32x1024xf32, #tpu.memory_space<vmem>> -> memref<1x32x1024xf32, #tpu.memory_space<vmem>>
    %dma_start3A_91 = tpu.memref_squeeze %dma_start3A_90 : memref<1x32x1024xf32, #tpu.memory_space<vmem>> -> memref<32x1024xf32, #tpu.memory_space<vmem>>
    tpu.enqueue_dma source(%dma_start3A_91 : memref<32x1024xf32, #tpu.memory_space<vmem>>) target(%dma_start3A_87 : memref<32x1024xf32, #tpu.memory_space<hbm>>) target_semaphore(%arg7 : memref<!tpu.dma_semaphore, #tpu.memory_space<semaphore_mem>>)
    %dma_start3A_92 = arith.constant 0 : i32
    %dma_start3A_93 = arith.constant 3 : i32
    %dma_start3A_94 = arith.constant 0 : i32
    %dma_start3A_95 = arith.constant 0 : i32
    %dma_start3A_96 = tpu.memref_slice %arg4[%dma_start3A_92, %dma_start3A_94, %dma_start3A_95] : memref<2x32x1024xf32, #tpu.memory_space<vmem>> -> memref<1x32x1024xf32, #tpu.memory_space<vmem>>
    %dma_start3A_97 = tpu.memref_squeeze %dma_start3A_96 : memref<1x32x1024xf32, #tpu.memory_space<vmem>> -> memref<32x1024xf32, #tpu.memory_space<vmem>>
    %dma_start3A_98 = arith.constant 0 : i32
    %dma_start3A_99 = tpu.memref_slice %arg3[%dma_start3A_93, %add3A_43, %dma_start3A_98] : memref<4x8192x1024xf32, #tpu.memory_space<hbm>> -> memref<1x32x1024xf32, #tpu.memory_space<hbm>>
    %dma_start3A_100 = tpu.memref_squeeze %dma_start3A_99 : memref<1x32x1024xf32, #tpu.memory_space<hbm>> -> memref<32x1024xf32, #tpu.memory_space<hbm>>
    %dma_start3A_101 = arith.constant 0 : i32
    %dma_start3A_102 = tpu.memref_slice %arg3[%dma_start3A_93, %add3A_43, %dma_start3A_101] : memref<4x8192x1024xf32, #tpu.memory_space<hbm>> -> memref<1x32x1024xf32, #tpu.memory_space<hbm>>
    %dma_start3A_103 = tpu.memref_squeeze %dma_start3A_102 : memref<1x32x1024xf32, #tpu.memory_space<hbm>> -> memref<32x1024xf32, #tpu.memory_space<hbm>>
    %dma_start3A_104 = arith.constant 0 : i32
    %dma_start3A_105 = arith.constant 0 : i32
    %dma_start3A_106 = tpu.memref_slice %arg4[%dma_start3A_92, %dma_start3A_104, %dma_start3A_105] : memref<2x32x1024xf32, #tpu.memory_space<vmem>> -> memref<1x32x1024xf32, #tpu.memory_space<vmem>>
    %dma_start3A_107 = tpu.memref_squeeze %dma_start3A_106 : memref<1x32x1024xf32, #tpu.memory_space<vmem>> -> memref<32x1024xf32, #tpu.memory_space<vmem>>
    tpu.enqueue_dma source(%dma_start3A_107 : memref<32x1024xf32, #tpu.memory_space<vmem>>) target(%dma_start3A_103 : memref<32x1024xf32, #tpu.memory_space<hbm>>) target_semaphore(%arg7 : memref<!tpu.dma_semaphore, #tpu.memory_space<semaphore_mem>>)
    %dma_wait3A_108 = arith.constant 1 : i32
    %dma_wait3A_109 = arith.constant 0 : i32
    %dma_wait3A_110 = arith.constant 0 : i32
    %dma_wait3A_111 = tpu.memref_slice %arg4[%dma_wait3A_108, %dma_wait3A_109, %dma_wait3A_110] : memref<2x32x1024xf32, #tpu.memory_space<vmem>> -> memref<1x32x1024xf32, #tpu.memory_space<vmem>>
    %dma_wait3A_112 = tpu.memref_squeeze %dma_wait3A_111 : memref<1x32x1024xf32, #tpu.memory_space<vmem>> -> memref<32x1024xf32, #tpu.memory_space<vmem>>
    %dma_wait3A_113 = arith.constant 0 : i32
    %dma_wait3A_114 = tpu.memref_slice %arg2[%add3A_28, %dma_wait3A_113] : memref<8192x1024xf32, #tpu.memory_space<hbm>> -> memref<32x1024xf32, #tpu.memory_space<hbm>>
    %dma_wait3A_115 = arith.constant 0 : i32
    %dma_wait3A_116 = arith.constant 0 : i32
    %dma_wait3A_117 = tpu.memref_slice %arg4[%dma_wait3A_108, %dma_wait3A_115, %dma_wait3A_116] : memref<2x32x1024xf32, #tpu.memory_space<vmem>> -> memref<1x32x1024xf32, #tpu.memory_space<vmem>>
    %dma_wait3A_118 = tpu.memref_squeeze %dma_wait3A_117 : memref<1x32x1024xf32, #tpu.memory_space<vmem>> -> memref<32x1024xf32, #tpu.memory_space<vmem>>
    %dma_wait3A_119 = arith.constant 0 : i32
    %dma_wait3A_120 = tpu.memref_slice %arg2[%add3A_28, %dma_wait3A_119] : memref<8192x1024xf32, #tpu.memory_space<hbm>> -> memref<32x1024xf32, #tpu.memory_space<hbm>>
    tpu.wait_dma2 semaphore(%arg6 : memref<!tpu.dma_semaphore, #tpu.memory_space<semaphore_mem>>) src(%dma_wait3A_120 : memref<32x1024xf32, #tpu.memory_space<hbm>>) dst(%dma_wait3A_118 : memref<32x1024xf32, #tpu.memory_space<vmem>>)
    %dma_wait3A_121 = arith.constant 0 : i32
    %dma_wait3A_122 = arith.constant 0 : i32
    %dma_wait3A_123 = arith.constant 0 : i32
    %dma_wait3A_124 = arith.constant 0 : i32
    %dma_wait3A_125 = tpu.memref_slice %arg4[%dma_wait3A_121, %dma_wait3A_123, %dma_wait3A_124] : memref<2x32x1024xf32, #tpu.memory_space<vmem>> -> memref<1x32x1024xf32, #tpu.memory_space<vmem>>
    %dma_wait3A_126 = tpu.memref_squeeze %dma_wait3A_125 : memref<1x32x1024xf32, #tpu.memory_space<vmem>> -> memref<32x1024xf32, #tpu.memory_space<vmem>>
    %dma_wait3A_127 = arith.constant 0 : i32
    %dma_wait3A_128 = tpu.memref_slice %arg3[%dma_wait3A_122, %add3A_43, %dma_wait3A_127] : memref<4x8192x1024xf32, #tpu.memory_space<hbm>> -> memref<1x32x1024xf32, #tpu.memory_space<hbm>>
    %dma_wait3A_129 = tpu.memref_squeeze %dma_wait3A_128 : memref<1x32x1024xf32, #tpu.memory_space<hbm>> -> memref<32x1024xf32, #tpu.memory_space<hbm>>
    %dma_wait3A_130 = arith.constant 0 : i32
    %dma_wait3A_131 = tpu.memref_slice %arg3[%dma_wait3A_122, %add3A_43, %dma_wait3A_130] : memref<4x8192x1024xf32, #tpu.memory_space<hbm>> -> memref<1x32x1024xf32, #tpu.memory_space<hbm>>
    %dma_wait3A_132 = tpu.memref_squeeze %dma_wait3A_131 : memref<1x32x1024xf32, #tpu.memory_space<hbm>> -> memref<32x1024xf32, #tpu.memory_space<hbm>>
    %dma_wait3A_133 = arith.constant 0 : i32
    %dma_wait3A_134 = arith.constant 0 : i32
    %dma_wait3A_135 = tpu.memref_slice %arg4[%dma_wait3A_121, %dma_wait3A_133, %dma_wait3A_134] : memref<2x32x1024xf32, #tpu.memory_space<vmem>> -> memref<1x32x1024xf32, #tpu.memory_space<vmem>>
    %dma_wait3A_136 = tpu.memref_squeeze %dma_wait3A_135 : memref<1x32x1024xf32, #tpu.memory_space<vmem>> -> memref<32x1024xf32, #tpu.memory_space<vmem>>
    tpu.wait_dma2 semaphore(%arg7 : memref<!tpu.dma_semaphore, #tpu.memory_space<semaphore_mem>>) src(%dma_wait3A_136 : memref<32x1024xf32, #tpu.memory_space<vmem>>) dst(%dma_wait3A_132 : memref<32x1024xf32, #tpu.memory_space<hbm>>)
    %dma_wait3A_137 = arith.constant 0 : i32
    %dma_wait3A_138 = arith.constant 1 : i32
    %dma_wait3A_139 = arith.constant 0 : i32
    %dma_wait3A_140 = arith.constant 0 : i32
    %dma_wait3A_141 = tpu.memref_slice %arg4[%dma_wait3A_137, %dma_wait3A_139, %dma_wait3A_140] : memref<2x32x1024xf32, #tpu.memory_space<vmem>> -> memref<1x32x1024xf32, #tpu.memory_space<vmem>>
    %dma_wait3A_142 = tpu.memref_squeeze %dma_wait3A_141 : memref<1x32x1024xf32, #tpu.memory_space<vmem>> -> memref<32x1024xf32, #tpu.memory_space<vmem>>
    %dma_wait3A_143 = arith.constant 0 : i32
    %dma_wait3A_144 = tpu.memref_slice %arg3[%dma_wait3A_138, %add3A_43, %dma_wait3A_143] : memref<4x8192x1024xf32, #tpu.memory_space<hbm>> -> memref<1x32x1024xf32, #tpu.memory_space<hbm>>
    %dma_wait3A_145 = tpu.memref_squeeze %dma_wait3A_144 : memref<1x32x1024xf32, #tpu.memory_space<hbm>> -> memref<32x1024xf32, #tpu.memory_space<hbm>>
    %dma_wait3A_146 = arith.constant 0 : i32
    %dma_wait3A_147 = tpu.memref_slice %arg3[%dma_wait3A_138, %add3A_43, %dma_wait3A_146] : memref<4x8192x1024xf32, #tpu.memory_space<hbm>> -> memref<1x32x1024xf32, #tpu.memory_space<hbm>>
    %dma_wait3A_148 = tpu.memref_squeeze %dma_wait3A_147 : memref<1x32x1024xf32, #tpu.memory_space<hbm>> -> memref<32x1024xf32, #tpu.memory_space<hbm>>
    %dma_wait3A_149 = arith.constant 0 : i32
    %dma_wait3A_150 = arith.constant 0 : i32
    %dma_wait3A_151 = tpu.memref_slice %arg4[%dma_wait3A_137, %dma_wait3A_149, %dma_wait3A_150] : memref<2x32x1024xf32, #tpu.memory_space<vmem>> -> memref<1x32x1024xf32, #tpu.memory_space<vmem>>
    %dma_wait3A_152 = tpu.memref_squeeze %dma_wait3A_151 : memref<1x32x1024xf32, #tpu.memory_space<vmem>> -> memref<32x1024xf32, #tpu.memory_space<vmem>>
    tpu.wait_dma2 semaphore(%arg7 : memref<!tpu.dma_semaphore, #tpu.memory_space<semaphore_mem>>) src(%dma_wait3A_152 : memref<32x1024xf32, #tpu.memory_space<vmem>>) dst(%dma_wait3A_148 : memref<32x1024xf32, #tpu.memory_space<hbm>>)
    %dma_wait3A_153 = arith.constant 0 : i32
    %dma_wait3A_154 = arith.constant 2 : i32
    %dma_wait3A_155 = arith.constant 0 : i32
    %dma_wait3A_156 = arith.constant 0 : i32
    %dma_wait3A_157 = tpu.memref_slice %arg4[%dma_wait3A_153, %dma_wait3A_155, %dma_wait3A_156] : memref<2x32x1024xf32, #tpu.memory_space<vmem>> -> memref<1x32x1024xf32, #tpu.memory_space<vmem>>
    %dma_wait3A_158 = tpu.memref_squeeze %dma_wait3A_157 : memref<1x32x1024xf32, #tpu.memory_space<vmem>> -> memref<32x1024xf32, #tpu.memory_space<vmem>>
    %dma_wait3A_159 = arith.constant 0 : i32
    %dma_wait3A_160 = tpu.memref_slice %arg3[%dma_wait3A_154, %add3A_43, %dma_wait3A_159] : memref<4x8192x1024xf32, #tpu.memory_space<hbm>> -> memref<1x32x1024xf32, #tpu.memory_space<hbm>>
    %dma_wait3A_161 = tpu.memref_squeeze %dma_wait3A_160 : memref<1x32x1024xf32, #tpu.memory_space<hbm>> -> memref<32x1024xf32, #tpu.memory_space<hbm>>
    %dma_wait3A_162 = arith.constant 0 : i32
    %dma_wait3A_163 = tpu.memref_slice %arg3[%dma_wait3A_154, %add3A_43, %dma_wait3A_162] : memref<4x8192x1024xf32, #tpu.memory_space<hbm>> -> memref<1x32x1024xf32, #tpu.memory_space<hbm>>
    %dma_wait3A_164 = tpu.memref_squeeze %dma_wait3A_163 : memref<1x32x1024xf32, #tpu.memory_space<hbm>> -> memref<32x1024xf32, #tpu.memory_space<hbm>>
    %dma_wait3A_165 = arith.constant 0 : i32
    %dma_wait3A_166 = arith.constant 0 : i32
    %dma_wait3A_167 = tpu.memref_slice %arg4[%dma_wait3A_153, %dma_wait3A_165, %dma_wait3A_166] : memref<2x32x1024xf32, #tpu.memory_space<vmem>> -> memref<1x32x1024xf32, #tpu.memory_space<vmem>>
    %dma_wait3A_168 = tpu.memref_squeeze %dma_wait3A_167 : memref<1x32x1024xf32, #tpu.memory_space<vmem>> -> memref<32x1024xf32, #tpu.memory_space<vmem>>
    tpu.wait_dma2 semaphore(%arg7 : memref<!tpu.dma_semaphore, #tpu.memory_space<semaphore_mem>>) src(%dma_wait3A_168 : memref<32x1024xf32, #tpu.memory_space<vmem>>) dst(%dma_wait3A_164 : memref<32x1024xf32, #tpu.memory_space<hbm>>)
    %dma_wait3A_169 = arith.constant 0 : i32
    %dma_wait3A_170 = arith.constant 3 : i32
    %dma_wait3A_171 = arith.constant 0 : i32
    %dma_wait3A_172 = arith.constant 0 : i32
    %dma_wait3A_173 = tpu.memref_slice %arg4[%dma_wait3A_169, %dma_wait3A_171, %dma_wait3A_172] : memref<2x32x1024xf32, #tpu.memory_space<vmem>> -> memref<1x32x1024xf32, #tpu.memory_space<vmem>>
    %dma_wait3A_174 = tpu.memref_squeeze %dma_wait3A_173 : memref<1x32x1024xf32, #tpu.memory_space<vmem>> -> memref<32x1024xf32, #tpu.memory_space<vmem>>
    %dma_wait3A_175 = arith.constant 0 : i32
    %dma_wait3A_176 = tpu.memref_slice %arg3[%dma_wait3A_170, %add3A_43, %dma_wait3A_175] : memref<4x8192x1024xf32, #tpu.memory_space<hbm>> -> memref<1x32x1024xf32, #tpu.memory_space<hbm>>
    %dma_wait3A_177 = tpu.memref_squeeze %dma_wait3A_176 : memref<1x32x1024xf32, #tpu.memory_space<hbm>> -> memref<32x1024xf32, #tpu.memory_space<hbm>>
    %dma_wait3A_178 = arith.constant 0 : i32
    %dma_wait3A_179 = tpu.memref_slice %arg3[%dma_wait3A_170, %add3A_43, %dma_wait3A_178] : memref<4x8192x1024xf32, #tpu.memory_space<hbm>> -> memref<1x32x1024xf32, #tpu.memory_space<hbm>>
    %dma_wait3A_180 = tpu.memref_squeeze %dma_wait3A_179 : memref<1x32x1024xf32, #tpu.memory_space<hbm>> -> memref<32x1024xf32, #tpu.memory_space<hbm>>
    %dma_wait3A_181 = arith.constant 0 : i32
    %dma_wait3A_182 = arith.constant 0 : i32
    %dma_wait3A_183 = tpu.memref_slice %arg4[%dma_wait3A_169, %dma_wait3A_181, %dma_wait3A_182] : memref<2x32x1024xf32, #tpu.memory_space<vmem>> -> memref<1x32x1024xf32, #tpu.memory_space<vmem>>
    %dma_wait3A_184 = tpu.memref_squeeze %dma_wait3A_183 : memref<1x32x1024xf32, #tpu.memory_space<vmem>> -> memref<32x1024xf32, #tpu.memory_space<vmem>>
    tpu.wait_dma2 semaphore(%arg7 : memref<!tpu.dma_semaphore, #tpu.memory_space<semaphore_mem>>) src(%dma_wait3A_184 : memref<32x1024xf32, #tpu.memory_space<vmem>>) dst(%dma_wait3A_180 : memref<32x1024xf32, #tpu.memory_space<hbm>>)
    %add3A_185 = arith.constant 64 : i32
    %add3A_186 = arith.addi %mul3A_2, %add3A_185 : i32
    %dma_start3A_187 = arith.constant 0 : i32
    %dma_start3A_188 = arith.constant 0 : i32
    %dma_start3A_189 = arith.constant 0 : i32
    %dma_start3A_190 = tpu.memref_slice %arg4[%dma_start3A_187, %dma_start3A_188, %dma_start3A_189] : memref<2x32x1024xf32, #tpu.memory_space<vmem>> -> memref<1x32x1024xf32, #tpu.memory_space<vmem>>
    %dma_start3A_191 = tpu.memref_squeeze %dma_start3A_190 : memref<1x32x1024xf32, #tpu.memory_space<vmem>> -> memref<32x1024xf32, #tpu.memory_space<vmem>>
    %dma_start3A_192 = arith.constant 0 : i32
    %dma_start3A_193 = tpu.memref_slice %arg2[%add3A_186, %dma_start3A_192] : memref<8192x1024xf32, #tpu.memory_space<hbm>> -> memref<32x1024xf32, #tpu.memory_space<hbm>>
    %dma_start3A_194 = arith.constant 0 : i32
    %dma_start3A_195 = arith.constant 0 : i32
    %dma_start3A_196 = tpu.memref_slice %arg4[%dma_start3A_187, %dma_start3A_194, %dma_start3A_195] : memref<2x32x1024xf32, #tpu.memory_space<vmem>> -> memref<1x32x1024xf32, #tpu.memory_space<vmem>>
    %dma_start3A_197 = tpu.memref_squeeze %dma_start3A_196 : memref<1x32x1024xf32, #tpu.memory_space<vmem>> -> memref<32x1024xf32, #tpu.memory_space<vmem>>
    %dma_start3A_198 = arith.constant 0 : i32
    %dma_start3A_199 = tpu.memref_slice %arg2[%add3A_186, %dma_start3A_198] : memref<8192x1024xf32, #tpu.memory_space<hbm>> -> memref<32x1024xf32, #tpu.memory_space<hbm>>
    tpu.enqueue_dma source(%dma_start3A_199 : memref<32x1024xf32, #tpu.memory_space<hbm>>) target(%dma_start3A_197 : memref<32x1024xf32, #tpu.memory_space<vmem>>) target_semaphore(%arg5 : memref<!tpu.dma_semaphore, #tpu.memory_space<semaphore_mem>>)
    %add3A_200 = arith.constant 32 : i32
    %add3A_201 = arith.addi %mul3A_2, %add3A_200 : i32
    %dma_start3A_202 = arith.constant 1 : i32
    %dma_start3A_203 = arith.constant 0 : i32
    %dma_start3A_204 = arith.constant 0 : i32
    %dma_start3A_205 = arith.constant 0 : i32
    %dma_start3A_206 = tpu.memref_slice %arg4[%dma_start3A_202, %dma_start3A_204, %dma_start3A_205] : memref<2x32x1024xf32, #tpu.memory_space<vmem>> -> memref<1x32x1024xf32, #tpu.memory_space<vmem>>
    %dma_start3A_207 = tpu.memref_squeeze %dma_start3A_206 : memref<1x32x1024xf32, #tpu.memory_space<vmem>> -> memref<32x1024xf32, #tpu.memory_space<vmem>>
    %dma_start3A_208 = arith.constant 0 : i32
    %dma_start3A_209 = tpu.memref_slice %arg3[%dma_start3A_203, %add3A_201, %dma_start3A_208] : memref<4x8192x1024xf32, #tpu.memory_space<hbm>> -> memref<1x32x1024xf32, #tpu.memory_space<hbm>>
    %dma_start3A_210 = tpu.memref_squeeze %dma_start3A_209 : memref<1x32x1024xf32, #tpu.memory_space<hbm>> -> memref<32x1024xf32, #tpu.memory_space<hbm>>
    %dma_start3A_211 = arith.constant 0 : i32
    %dma_start3A_212 = tpu.memref_slice %arg3[%dma_start3A_203, %add3A_201, %dma_start3A_211] : memref<4x8192x1024xf32, #tpu.memory_space<hbm>> -> memref<1x32x1024xf32, #tpu.memory_space<hbm>>
    %dma_start3A_213 = tpu.memref_squeeze %dma_start3A_212 : memref<1x32x1024xf32, #tpu.memory_space<hbm>> -> memref<32x1024xf32, #tpu.memory_space<hbm>>
    %dma_start3A_214 = arith.constant 0 : i32
    %dma_start3A_215 = arith.constant 0 : i32
    %dma_start3A_216 = tpu.memref_slice %arg4[%dma_start3A_202, %dma_start3A_214, %dma_start3A_215] : memref<2x32x1024xf32, #tpu.memory_space<vmem>> -> memref<1x32x1024xf32, #tpu.memory_space<vmem>>
    %dma_start3A_217 = tpu.memref_squeeze %dma_start3A_216 : memref<1x32x1024xf32, #tpu.memory_space<vmem>> -> memref<32x1024xf32, #tpu.memory_space<vmem>>
    tpu.enqueue_dma source(%dma_start3A_217 : memref<32x1024xf32, #tpu.memory_space<vmem>>) target(%dma_start3A_213 : memref<32x1024xf32, #tpu.memory_space<hbm>>) target_semaphore(%arg8 : memref<!tpu.dma_semaphore, #tpu.memory_space<semaphore_mem>>)
    %dma_start3A_218 = arith.constant 1 : i32
    %dma_start3A_219 = arith.constant 1 : i32
    %dma_start3A_220 = arith.constant 0 : i32
    %dma_start3A_221 = arith.constant 0 : i32
    %dma_start3A_222 = tpu.memref_slice %arg4[%dma_start3A_218, %dma_start3A_220, %dma_start3A_221] : memref<2x32x1024xf32, #tpu.memory_space<vmem>> -> memref<1x32x1024xf32, #tpu.memory_space<vmem>>
    %dma_start3A_223 = tpu.memref_squeeze %dma_start3A_222 : memref<1x32x1024xf32, #tpu.memory_space<vmem>> -> memref<32x1024xf32, #tpu.memory_space<vmem>>
    %dma_start3A_224 = arith.constant 0 : i32
    %dma_start3A_225 = tpu.memref_slice %arg3[%dma_start3A_219, %add3A_201, %dma_start3A_224] : memref<4x8192x1024xf32, #tpu.memory_space<hbm>> -> memref<1x32x1024xf32, #tpu.memory_space<hbm>>
    %dma_start3A_226 = tpu.memref_squeeze %dma_start3A_225 : memref<1x32x1024xf32, #tpu.memory_space<hbm>> -> memref<32x1024xf32, #tpu.memory_space<hbm>>
    %dma_start3A_227 = arith.constant 0 : i32
    %dma_start3A_228 = tpu.memref_slice %arg3[%dma_start3A_219, %add3A_201, %dma_start3A_227] : memref<4x8192x1024xf32, #tpu.memory_space<hbm>> -> memref<1x32x1024xf32, #tpu.memory_space<hbm>>
    %dma_start3A_229 = tpu.memref_squeeze %dma_start3A_228 : memref<1x32x1024xf32, #tpu.memory_space<hbm>> -> memref<32x1024xf32, #tpu.memory_space<hbm>>
    %dma_start3A_230 = arith.constant 0 : i32
    %dma_start3A_231 = arith.constant 0 : i32
    %dma_start3A_232 = tpu.memref_slice %arg4[%dma_start3A_218, %dma_start3A_230, %dma_start3A_231] : memref<2x32x1024xf32, #tpu.memory_space<vmem>> -> memref<1x32x1024xf32, #tpu.memory_space<vmem>>
    %dma_start3A_233 = tpu.memref_squeeze %dma_start3A_232 : memref<1x32x1024xf32, #tpu.memory_space<vmem>> -> memref<32x1024xf32, #tpu.memory_space<vmem>>
    tpu.enqueue_dma source(%dma_start3A_233 : memref<32x1024xf32, #tpu.memory_space<vmem>>) target(%dma_start3A_229 : memref<32x1024xf32, #tpu.memory_space<hbm>>) target_semaphore(%arg8 : memref<!tpu.dma_semaphore, #tpu.memory_space<semaphore_mem>>)
    %dma_start3A_234 = arith.constant 1 : i32
    %dma_start3A_235 = arith.constant 2 : i32
    %dma_start3A_236 = arith.constant 0 : i32
    %dma_start3A_237 = arith.constant 0 : i32
    %dma_start3A_238 = tpu.memref_slice %arg4[%dma_start3A_234, %dma_start3A_236, %dma_start3A_237] : memref<2x32x1024xf32, #tpu.memory_space<vmem>> -> memref<1x32x1024xf32, #tpu.memory_space<vmem>>
    %dma_start3A_239 = tpu.memref_squeeze %dma_start3A_238 : memref<1x32x1024xf32, #tpu.memory_space<vmem>> -> memref<32x1024xf32, #tpu.memory_space<vmem>>
    %dma_start3A_240 = arith.constant 0 : i32
    %dma_start3A_241 = tpu.memref_slice %arg3[%dma_start3A_235, %add3A_201, %dma_start3A_240] : memref<4x8192x1024xf32, #tpu.memory_space<hbm>> -> memref<1x32x1024xf32, #tpu.memory_space<hbm>>
    %dma_start3A_242 = tpu.memref_squeeze %dma_start3A_241 : memref<1x32x1024xf32, #tpu.memory_space<hbm>> -> memref<32x1024xf32, #tpu.memory_space<hbm>>
    %dma_start3A_243 = arith.constant 0 : i32
    %dma_start3A_244 = tpu.memref_slice %arg3[%dma_start3A_235, %add3A_201, %dma_start3A_243] : memref<4x8192x1024xf32, #tpu.memory_space<hbm>> -> memref<1x32x1024xf32, #tpu.memory_space<hbm>>
    %dma_start3A_245 = tpu.memref_squeeze %dma_start3A_244 : memref<1x32x1024xf32, #tpu.memory_space<hbm>> -> memref<32x1024xf32, #tpu.memory_space<hbm>>
    %dma_start3A_246 = arith.constant 0 : i32
    %dma_start3A_247 = arith.constant 0 : i32
    %dma_start3A_248 = tpu.memref_slice %arg4[%dma_start3A_234, %dma_start3A_246, %dma_start3A_247] : memref<2x32x1024xf32, #tpu.memory_space<vmem>> -> memref<1x32x1024xf32, #tpu.memory_space<vmem>>
    %dma_start3A_249 = tpu.memref_squeeze %dma_start3A_248 : memref<1x32x1024xf32, #tpu.memory_space<vmem>> -> memref<32x1024xf32, #tpu.memory_space<vmem>>
    tpu.enqueue_dma source(%dma_start3A_249 : memref<32x1024xf32, #tpu.memory_space<vmem>>) target(%dma_start3A_245 : memref<32x1024xf32, #tpu.memory_space<hbm>>) target_semaphore(%arg8 : memref<!tpu.dma_semaphore, #tpu.memory_space<semaphore_mem>>)
    %dma_start3A_250 = arith.constant 1 : i32
    %dma_start3A_251 = arith.constant 3 : i32
    %dma_start3A_252 = arith.constant 0 : i32
    %dma_start3A_253 = arith.constant 0 : i32
    %dma_start3A_254 = tpu.memref_slice %arg4[%dma_start3A_250, %dma_start3A_252, %dma_start3A_253] : memref<2x32x1024xf32, #tpu.memory_space<vmem>> -> memref<1x32x1024xf32, #tpu.memory_space<vmem>>
    %dma_start3A_255 = tpu.memref_squeeze %dma_start3A_254 : memref<1x32x1024xf32, #tpu.memory_space<vmem>> -> memref<32x1024xf32, #tpu.memory_space<vmem>>
    %dma_start3A_256 = arith.constant 0 : i32
    %dma_start3A_257 = tpu.memref_slice %arg3[%dma_start3A_251, %add3A_201, %dma_start3A_256] : memref<4x8192x1024xf32, #tpu.memory_space<hbm>> -> memref<1x32x1024xf32, #tpu.memory_space<hbm>>
    %dma_start3A_258 = tpu.memref_squeeze %dma_start3A_257 : memref<1x32x1024xf32, #tpu.memory_space<hbm>> -> memref<32x1024xf32, #tpu.memory_space<hbm>>
    %dma_start3A_259 = arith.constant 0 : i32
    %dma_start3A_260 = tpu.memref_slice %arg3[%dma_start3A_251, %add3A_201, %dma_start3A_259] : memref<4x8192x1024xf32, #tpu.memory_space<hbm>> -> memref<1x32x1024xf32, #tpu.memory_space<hbm>>
    %dma_start3A_261 = tpu.memref_squeeze %dma_start3A_260 : memref<1x32x1024xf32, #tpu.memory_space<hbm>> -> memref<32x1024xf32, #tpu.memory_space<hbm>>
    %dma_start3A_262 = arith.constant 0 : i32
    %dma_start3A_263 = arith.constant 0 : i32
    %dma_start3A_264 = tpu.memref_slice %arg4[%dma_start3A_250, %dma_start3A_262, %dma_start3A_263] : memref<2x32x1024xf32, #tpu.memory_space<vmem>> -> memref<1x32x1024xf32, #tpu.memory_space<vmem>>
    %dma_start3A_265 = tpu.memref_squeeze %dma_start3A_264 : memref<1x32x1024xf32, #tpu.memory_space<vmem>> -> memref<32x1024xf32, #tpu.memory_space<vmem>>
    tpu.enqueue_dma source(%dma_start3A_265 : memref<32x1024xf32, #tpu.memory_space<vmem>>) target(%dma_start3A_261 : memref<32x1024xf32, #tpu.memory_space<hbm>>) target_semaphore(%arg8 : memref<!tpu.dma_semaphore, #tpu.memory_space<semaphore_mem>>)
    %dma_wait3A_266 = arith.constant 0 : i32
    %dma_wait3A_267 = arith.constant 0 : i32
    %dma_wait3A_268 = arith.constant 0 : i32
    %dma_wait3A_269 = tpu.memref_slice %arg4[%dma_wait3A_266, %dma_wait3A_267, %dma_wait3A_268] : memref<2x32x1024xf32, #tpu.memory_space<vmem>> -> memref<1x32x1024xf32, #tpu.memory_space<vmem>>
    %dma_wait3A_270 = tpu.memref_squeeze %dma_wait3A_269 : memref<1x32x1024xf32, #tpu.memory_space<vmem>> -> memref<32x1024xf32, #tpu.memory_space<vmem>>
    %dma_wait3A_271 = arith.constant 0 : i32
    %dma_wait3A_272 = tpu.memref_slice %arg2[%add3A_186, %dma_wait3A_271] : memref<8192x1024xf32, #tpu.memory_space<hbm>> -> memref<32x1024xf32, #tpu.memory_space<hbm>>
    %dma_wait3A_273 = arith.constant 0 : i32
    %dma_wait3A_274 = arith.constant 0 : i32
    %dma_wait3A_275 = tpu.memref_slice %arg4[%dma_wait3A_266, %dma_wait3A_273, %dma_wait3A_274] : memref<2x32x1024xf32, #tpu.memory_space<vmem>> -> memref<1x32x1024xf32, #tpu.memory_space<vmem>>
    %dma_wait3A_276 = tpu.memref_squeeze %dma_wait3A_275 : memref<1x32x1024xf32, #tpu.memory_space<vmem>> -> memref<32x1024xf32, #tpu.memory_space<vmem>>
    %dma_wait3A_277 = arith.constant 0 : i32
    %dma_wait3A_278 = tpu.memref_slice %arg2[%add3A_186, %dma_wait3A_277] : memref<8192x1024xf32, #tpu.memory_space<hbm>> -> memref<32x1024xf32, #tpu.memory_space<hbm>>
    tpu.wait_dma2 semaphore(%arg5 : memref<!tpu.dma_semaphore, #tpu.memory_space<semaphore_mem>>) src(%dma_wait3A_278 : memref<32x1024xf32, #tpu.memory_space<hbm>>) dst(%dma_wait3A_276 : memref<32x1024xf32, #tpu.memory_space<vmem>>)
    %dma_wait3A_279 = arith.constant 1 : i32
    %dma_wait3A_280 = arith.constant 0 : i32
    %dma_wait3A_281 = arith.constant 0 : i32
    %dma_wait3A_282 = arith.constant 0 : i32
    %dma_wait3A_283 = tpu.memref_slice %arg4[%dma_wait3A_279, %dma_wait3A_281, %dma_wait3A_282] : memref<2x32x1024xf32, #tpu.memory_space<vmem>> -> memref<1x32x1024xf32, #tpu.memory_space<vmem>>
    %dma_wait3A_284 = tpu.memref_squeeze %dma_wait3A_283 : memref<1x32x1024xf32, #tpu.memory_space<vmem>> -> memref<32x1024xf32, #tpu.memory_space<vmem>>
    %dma_wait3A_285 = arith.constant 0 : i32
    %dma_wait3A_286 = tpu.memref_slice %arg3[%dma_wait3A_280, %add3A_201, %dma_wait3A_285] : memref<4x8192x1024xf32, #tpu.memory_space<hbm>> -> memref<1x32x1024xf32, #tpu.memory_space<hbm>>
    %dma_wait3A_287 = tpu.memref_squeeze %dma_wait3A_286 : memref<1x32x1024xf32, #tpu.memory_space<hbm>> -> memref<32x1024xf32, #tpu.memory_space<hbm>>
    %dma_wait3A_288 = arith.constant 0 : i32
    %dma_wait3A_289 = tpu.memref_slice %arg3[%dma_wait3A_280, %add3A_201, %dma_wait3A_288] : memref<4x8192x1024xf32, #tpu.memory_space<hbm>> -> memref<1x32x1024xf32, #tpu.memory_space<hbm>>
    %dma_wait3A_290 = tpu.memref_squeeze %dma_wait3A_289 : memref<1x32x1024xf32, #tpu.memory_space<hbm>> -> memref<32x1024xf32, #tpu.memory_space<hbm>>
    %dma_wait3A_291 = arith.constant 0 : i32
    %dma_wait3A_292 = arith.constant 0 : i32
    %dma_wait3A_293 = tpu.memref_slice %arg4[%dma_wait3A_279, %dma_wait3A_291, %dma_wait3A_292] : memref<2x32x1024xf32, #tpu.memory_space<vmem>> -> memref<1x32x1024xf32, #tpu.memory_space<vmem>>
    %dma_wait3A_294 = tpu.memref_squeeze %dma_wait3A_293 : memref<1x32x1024xf32, #tpu.memory_space<vmem>> -> memref<32x1024xf32, #tpu.memory_space<vmem>>
    tpu.wait_dma2 semaphore(%arg8 : memref<!tpu.dma_semaphore, #tpu.memory_space<semaphore_mem>>) src(%dma_wait3A_294 : memref<32x1024xf32, #tpu.memory_space<vmem>>) dst(%dma_wait3A_290 : memref<32x1024xf32, #tpu.memory_space<hbm>>)
    %dma_wait3A_295 = arith.constant 1 : i32
    %dma_wait3A_296 = arith.constant 1 : i32
    %dma_wait3A_297 = arith.constant 0 : i32
    %dma_wait3A_298 = arith.constant 0 : i32
    %dma_wait3A_299 = tpu.memref_slice %arg4[%dma_wait3A_295, %dma_wait3A_297, %dma_wait3A_298] : memref<2x32x1024xf32, #tpu.memory_space<vmem>> -> memref<1x32x1024xf32, #tpu.memory_space<vmem>>
    %dma_wait3A_300 = tpu.memref_squeeze %dma_wait3A_299 : memref<1x32x1024xf32, #tpu.memory_space<vmem>> -> memref<32x1024xf32, #tpu.memory_space<vmem>>
    %dma_wait3A_301 = arith.constant 0 : i32
    %dma_wait3A_302 = tpu.memref_slice %arg3[%dma_wait3A_296, %add3A_201, %dma_wait3A_301] : memref<4x8192x1024xf32, #tpu.memory_space<hbm>> -> memref<1x32x1024xf32, #tpu.memory_space<hbm>>
    %dma_wait3A_303 = tpu.memref_squeeze %dma_wait3A_302 : memref<1x32x1024xf32, #tpu.memory_space<hbm>> -> memref<32x1024xf32, #tpu.memory_space<hbm>>
    %dma_wait3A_304 = arith.constant 0 : i32
    %dma_wait3A_305 = tpu.memref_slice %arg3[%dma_wait3A_296, %add3A_201, %dma_wait3A_304] : memref<4x8192x1024xf32, #tpu.memory_space<hbm>> -> memref<1x32x1024xf32, #tpu.memory_space<hbm>>
    %dma_wait3A_306 = tpu.memref_squeeze %dma_wait3A_305 : memref<1x32x1024xf32, #tpu.memory_space<hbm>> -> memref<32x1024xf32, #tpu.memory_space<hbm>>
    %dma_wait3A_307 = arith.constant 0 : i32
    %dma_wait3A_308 = arith.constant 0 : i32
    %dma_wait3A_309 = tpu.memref_slice %arg4[%dma_wait3A_295, %dma_wait3A_307, %dma_wait3A_308] : memref<2x32x1024xf32, #tpu.memory_space<vmem>> -> memref<1x32x1024xf32, #tpu.memory_space<vmem>>
    %dma_wait3A_310 = tpu.memref_squeeze %dma_wait3A_309 : memref<1x32x1024xf32, #tpu.memory_space<vmem>> -> memref<32x1024xf32, #tpu.memory_space<vmem>>
    tpu.wait_dma2 semaphore(%arg8 : memref<!tpu.dma_semaphore, #tpu.memory_space<semaphore_mem>>) src(%dma_wait3A_310 : memref<32x1024xf32, #tpu.memory_space<vmem>>) dst(%dma_wait3A_306 : memref<32x1024xf32, #tpu.memory_space<hbm>>)
    %dma_wait3A_311 = arith.constant 1 : i32
    %dma_wait3A_312 = arith.constant 2 : i32
    %dma_wait3A_313 = arith.constant 0 : i32
    %dma_wait3A_314 = arith.constant 0 : i32
    %dma_wait3A_315 = tpu.memref_slice %arg4[%dma_wait3A_311, %dma_wait3A_313, %dma_wait3A_314] : memref<2x32x1024xf32, #tpu.memory_space<vmem>> -> memref<1x32x1024xf32, #tpu.memory_space<vmem>>
    %dma_wait3A_316 = tpu.memref_squeeze %dma_wait3A_315 : memref<1x32x1024xf32, #tpu.memory_space<vmem>> -> memref<32x1024xf32, #tpu.memory_space<vmem>>
    %dma_wait3A_317 = arith.constant 0 : i32
    %dma_wait3A_318 = tpu.memref_slice %arg3[%dma_wait3A_312, %add3A_201, %dma_wait3A_317] : memref<4x8192x1024xf32, #tpu.memory_space<hbm>> -> memref<1x32x1024xf32, #tpu.memory_space<hbm>>
    %dma_wait3A_319 = tpu.memref_squeeze %dma_wait3A_318 : memref<1x32x1024xf32, #tpu.memory_space<hbm>> -> memref<32x1024xf32, #tpu.memory_space<hbm>>
    %dma_wait3A_320 = arith.constant 0 : i32
    %dma_wait3A_321 = tpu.memref_slice %arg3[%dma_wait3A_312, %add3A_201, %dma_wait3A_320] : memref<4x8192x1024xf32, #tpu.memory_space<hbm>> -> memref<1x32x1024xf32, #tpu.memory_space<hbm>>
    %dma_wait3A_322 = tpu.memref_squeeze %dma_wait3A_321 : memref<1x32x1024xf32, #tpu.memory_space<hbm>> -> memref<32x1024xf32, #tpu.memory_space<hbm>>
    %dma_wait3A_323 = arith.constant 0 : i32
    %dma_wait3A_324 = arith.constant 0 : i32
    %dma_wait3A_325 = tpu.memref_slice %arg4[%dma_wait3A_311, %dma_wait3A_323, %dma_wait3A_324] : memref<2x32x1024xf32, #tpu.memory_space<vmem>> -> memref<1x32x1024xf32, #tpu.memory_space<vmem>>
    %dma_wait3A_326 = tpu.memref_squeeze %dma_wait3A_325 : memref<1x32x1024xf32, #tpu.memory_space<vmem>> -> memref<32x1024xf32, #tpu.memory_space<vmem>>
    tpu.wait_dma2 semaphore(%arg8 : memref<!tpu.dma_semaphore, #tpu.memory_space<semaphore_mem>>) src(%dma_wait3A_326 : memref<32x1024xf32, #tpu.memory_space<vmem>>) dst(%dma_wait3A_322 : memref<32x1024xf32, #tpu.memory_space<hbm>>)
    %dma_wait3A_327 = arith.constant 1 : i32
    %dma_wait3A_328 = arith.constant 3 : i32
    %dma_wait3A_329 = arith.constant 0 : i32
    %dma_wait3A_330 = arith.constant 0 : i32
    %dma_wait3A_331 = tpu.memref_slice %arg4[%dma_wait3A_327, %dma_wait3A_329, %dma_wait3A_330] : memref<2x32x1024xf32, #tpu.memory_space<vmem>> -> memref<1x32x1024xf32, #tpu.memory_space<vmem>>
    %dma_wait3A_332 = tpu.memref_squeeze %dma_wait3A_331 : memref<1x32x1024xf32, #tpu.memory_space<vmem>> -> memref<32x1024xf32, #tpu.memory_space<vmem>>
    %dma_wait3A_333 = arith.constant 0 : i32
    %dma_wait3A_334 = tpu.memref_slice %arg3[%dma_wait3A_328, %add3A_201, %dma_wait3A_333] : memref<4x8192x1024xf32, #tpu.memory_space<hbm>> -> memref<1x32x1024xf32, #tpu.memory_space<hbm>>
    %dma_wait3A_335 = tpu.memref_squeeze %dma_wait3A_334 : memref<1x32x1024xf32, #tpu.memory_space<hbm>> -> memref<32x1024xf32, #tpu.memory_space<hbm>>
    %dma_wait3A_336 = arith.constant 0 : i32
    %dma_wait3A_337 = tpu.memref_slice %arg3[%dma_wait3A_328, %add3A_201, %dma_wait3A_336] : memref<4x8192x1024xf32, #tpu.memory_space<hbm>> -> memref<1x32x1024xf32, #tpu.memory_space<hbm>>
    %dma_wait3A_338 = tpu.memref_squeeze %dma_wait3A_337 : memref<1x32x1024xf32, #tpu.memory_space<hbm>> -> memref<32x1024xf32, #tpu.memory_space<hbm>>
    %dma_wait3A_339 = arith.constant 0 : i32
    %dma_wait3A_340 = arith.constant 0 : i32
    %dma_wait3A_341 = tpu.memref_slice %arg4[%dma_wait3A_327, %dma_wait3A_339, %dma_wait3A_340] : memref<2x32x1024xf32, #tpu.memory_space<vmem>> -> memref<1x32x1024xf32, #tpu.memory_space<vmem>>
    %dma_wait3A_342 = tpu.memref_squeeze %dma_wait3A_341 : memref<1x32x1024xf32, #tpu.memory_space<vmem>> -> memref<32x1024xf32, #tpu.memory_space<vmem>>
    tpu.wait_dma2 semaphore(%arg8 : memref<!tpu.dma_semaphore, #tpu.memory_space<semaphore_mem>>) src(%dma_wait3A_342 : memref<32x1024xf32, #tpu.memory_space<vmem>>) dst(%dma_wait3A_338 : memref<32x1024xf32, #tpu.memory_space<hbm>>)
    %add3A_343 = arith.constant 96 : i32
    %add3A_344 = arith.addi %mul3A_2, %add3A_343 : i32
    %dma_start3A_345 = arith.constant 1 : i32
    %dma_start3A_346 = arith.constant 0 : i32
    %dma_start3A_347 = arith.constant 0 : i32
    %dma_start3A_348 = tpu.memref_slice %arg4[%dma_start3A_345, %dma_start3A_346, %dma_start3A_347] : memref<2x32x1024xf32, #tpu.memory_space<vmem>> -> memref<1x32x1024xf32, #tpu.memory_space<vmem>>
    %dma_start3A_349 = tpu.memref_squeeze %dma_start3A_348 : memref<1x32x1024xf32, #tpu.memory_space<vmem>> -> memref<32x1024xf32, #tpu.memory_space<vmem>>
    %dma_start3A_350 = arith.constant 0 : i32
    %dma_start3A_351 = tpu.memref_slice %arg2[%add3A_344, %dma_start3A_350] : memref<8192x1024xf32, #tpu.memory_space<hbm>> -> memref<32x1024xf32, #tpu.memory_space<hbm>>
    %dma_start3A_352 = arith.constant 0 : i32
    %dma_start3A_353 = arith.constant 0 : i32
    %dma_start3A_354 = tpu.memref_slice %arg4[%dma_start3A_345, %dma_start3A_352, %dma_start3A_353] : memref<2x32x1024xf32, #tpu.memory_space<vmem>> -> memref<1x32x1024xf32, #tpu.memory_space<vmem>>
    %dma_start3A_355 = tpu.memref_squeeze %dma_start3A_354 : memref<1x32x1024xf32, #tpu.memory_space<vmem>> -> memref<32x1024xf32, #tpu.memory_space<vmem>>
    %dma_start3A_356 = arith.constant 0 : i32
    %dma_start3A_357 = tpu.memref_slice %arg2[%add3A_344, %dma_start3A_356] : memref<8192x1024xf32, #tpu.memory_space<hbm>> -> memref<32x1024xf32, #tpu.memory_space<hbm>>
    tpu.enqueue_dma source(%dma_start3A_357 : memref<32x1024xf32, #tpu.memory_space<hbm>>) target(%dma_start3A_355 : memref<32x1024xf32, #tpu.memory_space<vmem>>) target_semaphore(%arg6 : memref<!tpu.dma_semaphore, #tpu.memory_space<semaphore_mem>>)
    %add3A_358 = arith.constant 64 : i32
    %add3A_359 = arith.addi %mul3A_2, %add3A_358 : i32
    %dma_start3A_360 = arith.constant 0 : i32
    %dma_start3A_361 = arith.constant 0 : i32
    %dma_start3A_362 = arith.constant 0 : i32
    %dma_start3A_363 = arith.constant 0 : i32
    %dma_start3A_364 = tpu.memref_slice %arg4[%dma_start3A_360, %dma_start3A_362, %dma_start3A_363] : memref<2x32x1024xf32, #tpu.memory_space<vmem>> -> memref<1x32x1024xf32, #tpu.memory_space<vmem>>
    %dma_start3A_365 = tpu.memref_squeeze %dma_start3A_364 : memref<1x32x1024xf32, #tpu.memory_space<vmem>> -> memref<32x1024xf32, #tpu.memory_space<vmem>>
    %dma_start3A_366 = arith.constant 0 : i32
    %dma_start3A_367 = tpu.memref_slice %arg3[%dma_start3A_361, %add3A_359, %dma_start3A_366] : memref<4x8192x1024xf32, #tpu.memory_space<hbm>> -> memref<1x32x1024xf32, #tpu.memory_space<hbm>>
    %dma_start3A_368 = tpu.memref_squeeze %dma_start3A_367 : memref<1x32x1024xf32, #tpu.memory_space<hbm>> -> memref<32x1024xf32, #tpu.memory_space<hbm>>
    %dma_start3A_369 = arith.constant 0 : i32
    %dma_start3A_370 = tpu.memref_slice %arg3[%dma_start3A_361, %add3A_359, %dma_start3A_369] : memref<4x8192x1024xf32, #tpu.memory_space<hbm>> -> memref<1x32x1024xf32, #tpu.memory_space<hbm>>
    %dma_start3A_371 = tpu.memref_squeeze %dma_start3A_370 : memref<1x32x1024xf32, #tpu.memory_space<hbm>> -> memref<32x1024xf32, #tpu.memory_space<hbm>>
    %dma_start3A_372 = arith.constant 0 : i32
    %dma_start3A_373 = arith.constant 0 : i32
    %dma_start3A_374 = tpu.memref_slice %arg4[%dma_start3A_360, %dma_start3A_372, %dma_start3A_373] : memref<2x32x1024xf32, #tpu.memory_space<vmem>> -> memref<1x32x1024xf32, #tpu.memory_space<vmem>>
    %dma_start3A_375 = tpu.memref_squeeze %dma_start3A_374 : memref<1x32x1024xf32, #tpu.memory_space<vmem>> -> memref<32x1024xf32, #tpu.memory_space<vmem>>
    tpu.enqueue_dma source(%dma_start3A_375 : memref<32x1024xf32, #tpu.memory_space<vmem>>) target(%dma_start3A_371 : memref<32x1024xf32, #tpu.memory_space<hbm>>) target_semaphore(%arg7 : memref<!tpu.dma_semaphore, #tpu.memory_space<semaphore_mem>>)
    %dma_start3A_376 = arith.constant 0 : i32
    %dma_start3A_377 = arith.constant 1 : i32
    %dma_start3A_378 = arith.constant 0 : i32
    %dma_start3A_379 = arith.constant 0 : i32
    %dma_start3A_380 = tpu.memref_slice %arg4[%dma_start3A_376, %dma_start3A_378, %dma_start3A_379] : memref<2x32x1024xf32, #tpu.memory_space<vmem>> -> memref<1x32x1024xf32, #tpu.memory_space<vmem>>
    %dma_start3A_381 = tpu.memref_squeeze %dma_start3A_380 : memref<1x32x1024xf32, #tpu.memory_space<vmem>> -> memref<32x1024xf32, #tpu.memory_space<vmem>>
    %dma_start3A_382 = arith.constant 0 : i32
    %dma_start3A_383 = tpu.memref_slice %arg3[%dma_start3A_377, %add3A_359, %dma_start3A_382] : memref<4x8192x1024xf32, #tpu.memory_space<hbm>> -> memref<1x32x1024xf32, #tpu.memory_space<hbm>>
    %dma_start3A_384 = tpu.memref_squeeze %dma_start3A_383 : memref<1x32x1024xf32, #tpu.memory_space<hbm>> -> memref<32x1024xf32, #tpu.memory_space<hbm>>
    %dma_start3A_385 = arith.constant 0 : i32
    %dma_start3A_386 = tpu.memref_slice %arg3[%dma_start3A_377, %add3A_359, %dma_start3A_385] : memref<4x8192x1024xf32, #tpu.memory_space<hbm>> -> memref<1x32x1024xf32, #tpu.memory_space<hbm>>
    %dma_start3A_387 = tpu.memref_squeeze %dma_start3A_386 : memref<1x32x1024xf32, #tpu.memory_space<hbm>> -> memref<32x1024xf32, #tpu.memory_space<hbm>>
    %dma_start3A_388 = arith.constant 0 : i32
    %dma_start3A_389 = arith.constant 0 : i32
    %dma_start3A_390 = tpu.memref_slice %arg4[%dma_start3A_376, %dma_start3A_388, %dma_start3A_389] : memref<2x32x1024xf32, #tpu.memory_space<vmem>> -> memref<1x32x1024xf32, #tpu.memory_space<vmem>>
    %dma_start3A_391 = tpu.memref_squeeze %dma_start3A_390 : memref<1x32x1024xf32, #tpu.memory_space<vmem>> -> memref<32x1024xf32, #tpu.memory_space<vmem>>
    tpu.enqueue_dma source(%dma_start3A_391 : memref<32x1024xf32, #tpu.memory_space<vmem>>) target(%dma_start3A_387 : memref<32x1024xf32, #tpu.memory_space<hbm>>) target_semaphore(%arg7 : memref<!tpu.dma_semaphore, #tpu.memory_space<semaphore_mem>>)
    %dma_start3A_392 = arith.constant 0 : i32
    %dma_start3A_393 = arith.constant 2 : i32
    %dma_start3A_394 = arith.constant 0 : i32
    %dma_start3A_395 = arith.constant 0 : i32
    %dma_start3A_396 = tpu.memref_slice %arg4[%dma_start3A_392, %dma_start3A_394, %dma_start3A_395] : memref<2x32x1024xf32, #tpu.memory_space<vmem>> -> memref<1x32x1024xf32, #tpu.memory_space<vmem>>
    %dma_start3A_397 = tpu.memref_squeeze %dma_start3A_396 : memref<1x32x1024xf32, #tpu.memory_space<vmem>> -> memref<32x1024xf32, #tpu.memory_space<vmem>>
    %dma_start3A_398 = arith.constant 0 : i32
    %dma_start3A_399 = tpu.memref_slice %arg3[%dma_start3A_393, %add3A_359, %dma_start3A_398] : memref<4x8192x1024xf32, #tpu.memory_space<hbm>> -> memref<1x32x1024xf32, #tpu.memory_space<hbm>>
    %dma_start3A_400 = tpu.memref_squeeze %dma_start3A_399 : memref<1x32x1024xf32, #tpu.memory_space<hbm>> -> memref<32x1024xf32, #tpu.memory_space<hbm>>
    %dma_start3A_401 = arith.constant 0 : i32
    %dma_start3A_402 = tpu.memref_slice %arg3[%dma_start3A_393, %add3A_359, %dma_start3A_401] : memref<4x8192x1024xf32, #tpu.memory_space<hbm>> -> memref<1x32x1024xf32, #tpu.memory_space<hbm>>
    %dma_start3A_403 = tpu.memref_squeeze %dma_start3A_402 : memref<1x32x1024xf32, #tpu.memory_space<hbm>> -> memref<32x1024xf32, #tpu.memory_space<hbm>>
    %dma_start3A_404 = arith.constant 0 : i32
    %dma_start3A_405 = arith.constant 0 : i32
    %dma_start3A_406 = tpu.memref_slice %arg4[%dma_start3A_392, %dma_start3A_404, %dma_start3A_405] : memref<2x32x1024xf32, #tpu.memory_space<vmem>> -> memref<1x32x1024xf32, #tpu.memory_space<vmem>>
    %dma_start3A_407 = tpu.memref_squeeze %dma_start3A_406 : memref<1x32x1024xf32, #tpu.memory_space<vmem>> -> memref<32x1024xf32, #tpu.memory_space<vmem>>
    tpu.enqueue_dma source(%dma_start3A_407 : memref<32x1024xf32, #tpu.memory_space<vmem>>) target(%dma_start3A_403 : memref<32x1024xf32, #tpu.memory_space<hbm>>) target_semaphore(%arg7 : memref<!tpu.dma_semaphore, #tpu.memory_space<semaphore_mem>>)
    %dma_start3A_408 = arith.constant 0 : i32
    %dma_start3A_409 = arith.constant 3 : i32
    %dma_start3A_410 = arith.constant 0 : i32
    %dma_start3A_411 = arith.constant 0 : i32
    %dma_start3A_412 = tpu.memref_slice %arg4[%dma_start3A_408, %dma_start3A_410, %dma_start3A_411] : memref<2x32x1024xf32, #tpu.memory_space<vmem>> -> memref<1x32x1024xf32, #tpu.memory_space<vmem>>
    %dma_start3A_413 = tpu.memref_squeeze %dma_start3A_412 : memref<1x32x1024xf32, #tpu.memory_space<vmem>> -> memref<32x1024xf32, #tpu.memory_space<vmem>>
    %dma_start3A_414 = arith.constant 0 : i32
    %dma_start3A_415 = tpu.memref_slice %arg3[%dma_start3A_409, %add3A_359, %dma_start3A_414] : memref<4x8192x1024xf32, #tpu.memory_space<hbm>> -> memref<1x32x1024xf32, #tpu.memory_space<hbm>>
    %dma_start3A_416 = tpu.memref_squeeze %dma_start3A_415 : memref<1x32x1024xf32, #tpu.memory_space<hbm>> -> memref<32x1024xf32, #tpu.memory_space<hbm>>
    %dma_start3A_417 = arith.constant 0 : i32
    %dma_start3A_418 = tpu.memref_slice %arg3[%dma_start3A_409, %add3A_359, %dma_start3A_417] : memref<4x8192x1024xf32, #tpu.memory_space<hbm>> -> memref<1x32x1024xf32, #tpu.memory_space<hbm>>
    %dma_start3A_419 = tpu.memref_squeeze %dma_start3A_418 : memref<1x32x1024xf32, #tpu.memory_space<hbm>> -> memref<32x1024xf32, #tpu.memory_space<hbm>>
    %dma_start3A_420 = arith.constant 0 : i32
    %dma_start3A_421 = arith.constant 0 : i32
    %dma_start3A_422 = tpu.memref_slice %arg4[%dma_start3A_408, %dma_start3A_420, %dma_start3A_421] : memref<2x32x1024xf32, #tpu.memory_space<vmem>> -> memref<1x32x1024xf32, #tpu.memory_space<vmem>>
    %dma_start3A_423 = tpu.memref_squeeze %dma_start3A_422 : memref<1x32x1024xf32, #tpu.memory_space<vmem>> -> memref<32x1024xf32, #tpu.memory_space<vmem>>
    tpu.enqueue_dma source(%dma_start3A_423 : memref<32x1024xf32, #tpu.memory_space<vmem>>) target(%dma_start3A_419 : memref<32x1024xf32, #tpu.memory_space<hbm>>) target_semaphore(%arg7 : memref<!tpu.dma_semaphore, #tpu.memory_space<semaphore_mem>>)
    %dma_wait3A_424 = arith.constant 1 : i32
    %dma_wait3A_425 = arith.constant 0 : i32
    %dma_wait3A_426 = arith.constant 0 : i32
    %dma_wait3A_427 = tpu.memref_slice %arg4[%dma_wait3A_424, %dma_wait3A_425, %dma_wait3A_426] : memref<2x32x1024xf32, #tpu.memory_space<vmem>> -> memref<1x32x1024xf32, #tpu.memory_space<vmem>>
    %dma_wait3A_428 = tpu.memref_squeeze %dma_wait3A_427 : memref<1x32x1024xf32, #tpu.memory_space<vmem>> -> memref<32x1024xf32, #tpu.memory_space<vmem>>
    %dma_wait3A_429 = arith.constant 0 : i32
    %dma_wait3A_430 = tpu.memref_slice %arg2[%add3A_344, %dma_wait3A_429] : memref<8192x1024xf32, #tpu.memory_space<hbm>> -> memref<32x1024xf32, #tpu.memory_space<hbm>>
    %dma_wait3A_431 = arith.constant 0 : i32
    %dma_wait3A_432 = arith.constant 0 : i32
    %dma_wait3A_433 = tpu.memref_slice %arg4[%dma_wait3A_424, %dma_wait3A_431, %dma_wait3A_432] : memref<2x32x1024xf32, #tpu.memory_space<vmem>> -> memref<1x32x1024xf32, #tpu.memory_space<vmem>>
    %dma_wait3A_434 = tpu.memref_squeeze %dma_wait3A_433 : memref<1x32x1024xf32, #tpu.memory_space<vmem>> -> memref<32x1024xf32, #tpu.memory_space<vmem>>
    %dma_wait3A_435 = arith.constant 0 : i32
    %dma_wait3A_436 = tpu.memref_slice %arg2[%add3A_344, %dma_wait3A_435] : memref<8192x1024xf32, #tpu.memory_space<hbm>> -> memref<32x1024xf32, #tpu.memory_space<hbm>>
    tpu.wait_dma2 semaphore(%arg6 : memref<!tpu.dma_semaphore, #tpu.memory_space<semaphore_mem>>) src(%dma_wait3A_436 : memref<32x1024xf32, #tpu.memory_space<hbm>>) dst(%dma_wait3A_434 : memref<32x1024xf32, #tpu.memory_space<vmem>>)
    %dma_wait3A_437 = arith.constant 0 : i32
    %dma_wait3A_438 = arith.constant 0 : i32
    %dma_wait3A_439 = arith.constant 0 : i32
    %dma_wait3A_440 = arith.constant 0 : i32
    %dma_wait3A_441 = tpu.memref_slice %arg4[%dma_wait3A_437, %dma_wait3A_439, %dma_wait3A_440] : memref<2x32x1024xf32, #tpu.memory_space<vmem>> -> memref<1x32x1024xf32, #tpu.memory_space<vmem>>
    %dma_wait3A_442 = tpu.memref_squeeze %dma_wait3A_441 : memref<1x32x1024xf32, #tpu.memory_space<vmem>> -> memref<32x1024xf32, #tpu.memory_space<vmem>>
    %dma_wait3A_443 = arith.constant 0 : i32
    %dma_wait3A_444 = tpu.memref_slice %arg3[%dma_wait3A_438, %add3A_359, %dma_wait3A_443] : memref<4x8192x1024xf32, #tpu.memory_space<hbm>> -> memref<1x32x1024xf32, #tpu.memory_space<hbm>>
    %dma_wait3A_445 = tpu.memref_squeeze %dma_wait3A_444 : memref<1x32x1024xf32, #tpu.memory_space<hbm>> -> memref<32x1024xf32, #tpu.memory_space<hbm>>
    %dma_wait3A_446 = arith.constant 0 : i32
    %dma_wait3A_447 = tpu.memref_slice %arg3[%dma_wait3A_438, %add3A_359, %dma_wait3A_446] : memref<4x8192x1024xf32, #tpu.memory_space<hbm>> -> memref<1x32x1024xf32, #tpu.memory_space<hbm>>
    %dma_wait3A_448 = tpu.memref_squeeze %dma_wait3A_447 : memref<1x32x1024xf32, #tpu.memory_space<hbm>> -> memref<32x1024xf32, #tpu.memory_space<hbm>>
    %dma_wait3A_449 = arith.constant 0 : i32
    %dma_wait3A_450 = arith.constant 0 : i32
    %dma_wait3A_451 = tpu.memref_slice %arg4[%dma_wait3A_437, %dma_wait3A_449, %dma_wait3A_450] : memref<2x32x1024xf32, #tpu.memory_space<vmem>> -> memref<1x32x1024xf32, #tpu.memory_space<vmem>>
    %dma_wait3A_452 = tpu.memref_squeeze %dma_wait3A_451 : memref<1x32x1024xf32, #tpu.memory_space<vmem>> -> memref<32x1024xf32, #tpu.memory_space<vmem>>
    tpu.wait_dma2 semaphore(%arg7 : memref<!tpu.dma_semaphore, #tpu.memory_space<semaphore_mem>>) src(%dma_wait3A_452 : memref<32x1024xf32, #tpu.memory_space<vmem>>) dst(%dma_wait3A_448 : memref<32x1024xf32, #tpu.memory_space<hbm>>)
    %dma_wait3A_453 = arith.constant 0 : i32
    %dma_wait3A_454 = arith.constant 1 : i32
    %dma_wait3A_455 = arith.constant 0 : i32
    %dma_wait3A_456 = arith.constant 0 : i32
    %dma_wait3A_457 = tpu.memref_slice %arg4[%dma_wait3A_453, %dma_wait3A_455, %dma_wait3A_456] : memref<2x32x1024xf32, #tpu.memory_space<vmem>> -> memref<1x32x1024xf32, #tpu.memory_space<vmem>>
    %dma_wait3A_458 = tpu.memref_squeeze %dma_wait3A_457 : memref<1x32x1024xf32, #tpu.memory_space<vmem>> -> memref<32x1024xf32, #tpu.memory_space<vmem>>
    %dma_wait3A_459 = arith.constant 0 : i32
    %dma_wait3A_460 = tpu.memref_slice %arg3[%dma_wait3A_454, %add3A_359, %dma_wait3A_459] : memref<4x8192x1024xf32, #tpu.memory_space<hbm>> -> memref<1x32x1024xf32, #tpu.memory_space<hbm>>
    %dma_wait3A_461 = tpu.memref_squeeze %dma_wait3A_460 : memref<1x32x1024xf32, #tpu.memory_space<hbm>> -> memref<32x1024xf32, #tpu.memory_space<hbm>>
    %dma_wait3A_462 = arith.constant 0 : i32
    %dma_wait3A_463 = tpu.memref_slice %arg3[%dma_wait3A_454, %add3A_359, %dma_wait3A_462] : memref<4x8192x1024xf32, #tpu.memory_space<hbm>> -> memref<1x32x1024xf32, #tpu.memory_space<hbm>>
    %dma_wait3A_464 = tpu.memref_squeeze %dma_wait3A_463 : memref<1x32x1024xf32, #tpu.memory_space<hbm>> -> memref<32x1024xf32, #tpu.memory_space<hbm>>
    %dma_wait3A_465 = arith.constant 0 : i32
    %dma_wait3A_466 = arith.constant 0 : i32
    %dma_wait3A_467 = tpu.memref_slice %arg4[%dma_wait3A_453, %dma_wait3A_465, %dma_wait3A_466] : memref<2x32x1024xf32, #tpu.memory_space<vmem>> -> memref<1x32x1024xf32, #tpu.memory_space<vmem>>
    %dma_wait3A_468 = tpu.memref_squeeze %dma_wait3A_467 : memref<1x32x1024xf32, #tpu.memory_space<vmem>> -> memref<32x1024xf32, #tpu.memory_space<vmem>>
    tpu.wait_dma2 semaphore(%arg7 : memref<!tpu.dma_semaphore, #tpu.memory_space<semaphore_mem>>) src(%dma_wait3A_468 : memref<32x1024xf32, #tpu.memory_space<vmem>>) dst(%dma_wait3A_464 : memref<32x1024xf32, #tpu.memory_space<hbm>>)
    %dma_wait3A_469 = arith.constant 0 : i32
    %dma_wait3A_470 = arith.constant 2 : i32
    %dma_wait3A_471 = arith.constant 0 : i32
    %dma_wait3A_472 = arith.constant 0 : i32
    %dma_wait3A_473 = tpu.memref_slice %arg4[%dma_wait3A_469, %dma_wait3A_471, %dma_wait3A_472] : memref<2x32x1024xf32, #tpu.memory_space<vmem>> -> memref<1x32x1024xf32, #tpu.memory_space<vmem>>
    %dma_wait3A_474 = tpu.memref_squeeze %dma_wait3A_473 : memref<1x32x1024xf32, #tpu.memory_space<vmem>> -> memref<32x1024xf32, #tpu.memory_space<vmem>>
    %dma_wait3A_475 = arith.constant 0 : i32
    %dma_wait3A_476 = tpu.memref_slice %arg3[%dma_wait3A_470, %add3A_359, %dma_wait3A_475] : memref<4x8192x1024xf32, #tpu.memory_space<hbm>> -> memref<1x32x1024xf32, #tpu.memory_space<hbm>>
    %dma_wait3A_477 = tpu.memref_squeeze %dma_wait3A_476 : memref<1x32x1024xf32, #tpu.memory_space<hbm>> -> memref<32x1024xf32, #tpu.memory_space<hbm>>
    %dma_wait3A_478 = arith.constant 0 : i32
    %dma_wait3A_479 = tpu.memref_slice %arg3[%dma_wait3A_470, %add3A_359, %dma_wait3A_478] : memref<4x8192x1024xf32, #tpu.memory_space<hbm>> -> memref<1x32x1024xf32, #tpu.memory_space<hbm>>
    %dma_wait3A_480 = tpu.memref_squeeze %dma_wait3A_479 : memref<1x32x1024xf32, #tpu.memory_space<hbm>> -> memref<32x1024xf32, #tpu.memory_space<hbm>>
    %dma_wait3A_481 = arith.constant 0 : i32
    %dma_wait3A_482 = arith.constant 0 : i32
    %dma_wait3A_483 = tpu.memref_slice %arg4[%dma_wait3A_469, %dma_wait3A_481, %dma_wait3A_482] : memref<2x32x1024xf32, #tpu.memory_space<vmem>> -> memref<1x32x1024xf32, #tpu.memory_space<vmem>>
    %dma_wait3A_484 = tpu.memref_squeeze %dma_wait3A_483 : memref<1x32x1024xf32, #tpu.memory_space<vmem>> -> memref<32x1024xf32, #tpu.memory_space<vmem>>
    tpu.wait_dma2 semaphore(%arg7 : memref<!tpu.dma_semaphore, #tpu.memory_space<semaphore_mem>>) src(%dma_wait3A_484 : memref<32x1024xf32, #tpu.memory_space<vmem>>) dst(%dma_wait3A_480 : memref<32x1024xf32, #tpu.memory_space<hbm>>)
    %dma_wait3A_485 = arith.constant 0 : i32
    %dma_wait3A_486 = arith.constant 3 : i32
    %dma_wait3A_487 = arith.constant 0 : i32
    %dma_wait3A_488 = arith.constant 0 : i32
    %dma_wait3A_489 = tpu.memref_slice %arg4[%dma_wait3A_485, %dma_wait3A_487, %dma_wait3A_488] : memref<2x32x1024xf32, #tpu.memory_space<vmem>> -> memref<1x32x1024xf32, #tpu.memory_space<vmem>>
    %dma_wait3A_490 = tpu.memref_squeeze %dma_wait3A_489 : memref<1x32x1024xf32, #tpu.memory_space<vmem>> -> memref<32x1024xf32, #tpu.memory_space<vmem>>
    %dma_wait3A_491 = arith.constant 0 : i32
    %dma_wait3A_492 = tpu.memref_slice %arg3[%dma_wait3A_486, %add3A_359, %dma_wait3A_491] : memref<4x8192x1024xf32, #tpu.memory_space<hbm>> -> memref<1x32x1024xf32, #tpu.memory_space<hbm>>
    %dma_wait3A_493 = tpu.memref_squeeze %dma_wait3A_492 : memref<1x32x1024xf32, #tpu.memory_space<hbm>> -> memref<32x1024xf32, #tpu.memory_space<hbm>>
    %dma_wait3A_494 = arith.constant 0 : i32
    %dma_wait3A_495 = tpu.memref_slice %arg3[%dma_wait3A_486, %add3A_359, %dma_wait3A_494] : memref<4x8192x1024xf32, #tpu.memory_space<hbm>> -> memref<1x32x1024xf32, #tpu.memory_space<hbm>>
    %dma_wait3A_496 = tpu.memref_squeeze %dma_wait3A_495 : memref<1x32x1024xf32, #tpu.memory_space<hbm>> -> memref<32x1024xf32, #tpu.memory_space<hbm>>
    %dma_wait3A_497 = arith.constant 0 : i32
    %dma_wait3A_498 = arith.constant 0 : i32
    %dma_wait3A_499 = tpu.memref_slice %arg4[%dma_wait3A_485, %dma_wait3A_497, %dma_wait3A_498] : memref<2x32x1024xf32, #tpu.memory_space<vmem>> -> memref<1x32x1024xf32, #tpu.memory_space<vmem>>
    %dma_wait3A_500 = tpu.memref_squeeze %dma_wait3A_499 : memref<1x32x1024xf32, #tpu.memory_space<vmem>> -> memref<32x1024xf32, #tpu.memory_space<vmem>>
    tpu.wait_dma2 semaphore(%arg7 : memref<!tpu.dma_semaphore, #tpu.memory_space<semaphore_mem>>) src(%dma_wait3A_500 : memref<32x1024xf32, #tpu.memory_space<vmem>>) dst(%dma_wait3A_496 : memref<32x1024xf32, #tpu.memory_space<hbm>>)
    %add3A_501 = arith.constant 128 : i32
    %add3A_502 = arith.addi %mul3A_2, %add3A_501 : i32
    %dma_start3A_503 = arith.constant 0 : i32
    %dma_start3A_504 = arith.constant 0 : i32
    %dma_start3A_505 = arith.constant 0 : i32
    %dma_start3A_506 = tpu.memref_slice %arg4[%dma_start3A_503, %dma_start3A_504, %dma_start3A_505] : memref<2x32x1024xf32, #tpu.memory_space<vmem>> -> memref<1x32x1024xf32, #tpu.memory_space<vmem>>
    %dma_start3A_507 = tpu.memref_squeeze %dma_start3A_506 : memref<1x32x1024xf32, #tpu.memory_space<vmem>> -> memref<32x1024xf32, #tpu.memory_space<vmem>>
    %dma_start3A_508 = arith.constant 0 : i32
    %dma_start3A_509 = tpu.memref_slice %arg2[%add3A_502, %dma_start3A_508] : memref<8192x1024xf32, #tpu.memory_space<hbm>> -> memref<32x1024xf32, #tpu.memory_space<hbm>>
    %dma_start3A_510 = arith.constant 0 : i32
    %dma_start3A_511 = arith.constant 0 : i32
    %dma_start3A_512 = tpu.memref_slice %arg4[%dma_start3A_503, %dma_start3A_510, %dma_start3A_511] : memref<2x32x1024xf32, #tpu.memory_space<vmem>> -> memref<1x32x1024xf32, #tpu.memory_space<vmem>>
    %dma_start3A_513 = tpu.memref_squeeze %dma_start3A_512 : memref<1x32x1024xf32, #tpu.memory_space<vmem>> -> memref<32x1024xf32, #tpu.memory_space<vmem>>
    %dma_start3A_514 = arith.constant 0 : i32
    %dma_start3A_515 = tpu.memref_slice %arg2[%add3A_502, %dma_start3A_514] : memref<8192x1024xf32, #tpu.memory_space<hbm>> -> memref<32x1024xf32, #tpu.memory_space<hbm>>
    tpu.enqueue_dma source(%dma_start3A_515 : memref<32x1024xf32, #tpu.memory_space<hbm>>) target(%dma_start3A_513 : memref<32x1024xf32, #tpu.memory_space<vmem>>) target_semaphore(%arg5 : memref<!tpu.dma_semaphore, #tpu.memory_space<semaphore_mem>>)
    %add3A_516 = arith.constant 96 : i32
    %add3A_517 = arith.addi %mul3A_2, %add3A_516 : i32
    %dma_start3A_518 = arith.constant 1 : i32
    %dma_start3A_519 = arith.constant 0 : i32
    %dma_start3A_520 = arith.constant 0 : i32
    %dma_start3A_521 = arith.constant 0 : i32
    %dma_start3A_522 = tpu.memref_slice %arg4[%dma_start3A_518, %dma_start3A_520, %dma_start3A_521] : memref<2x32x1024xf32, #tpu.memory_space<vmem>> -> memref<1x32x1024xf32, #tpu.memory_space<vmem>>
    %dma_start3A_523 = tpu.memref_squeeze %dma_start3A_522 : memref<1x32x1024xf32, #tpu.memory_space<vmem>> -> memref<32x1024xf32, #tpu.memory_space<vmem>>
    %dma_start3A_524 = arith.constant 0 : i32
    %dma_start3A_525 = tpu.memref_slice %arg3[%dma_start3A_519, %add3A_517, %dma_start3A_524] : memref<4x8192x1024xf32, #tpu.memory_space<hbm>> -> memref<1x32x1024xf32, #tpu.memory_space<hbm>>
    %dma_start3A_526 = tpu.memref_squeeze %dma_start3A_525 : memref<1x32x1024xf32, #tpu.memory_space<hbm>> -> memref<32x1024xf32, #tpu.memory_space<hbm>>
    %dma_start3A_527 = arith.constant 0 : i32
    %dma_start3A_528 = tpu.memref_slice %arg3[%dma_start3A_519, %add3A_517, %dma_start3A_527] : memref<4x8192x1024xf32, #tpu.memory_space<hbm>> -> memref<1x32x1024xf32, #tpu.memory_space<hbm>>
    %dma_start3A_529 = tpu.memref_squeeze %dma_start3A_528 : memref<1x32x1024xf32, #tpu.memory_space<hbm>> -> memref<32x1024xf32, #tpu.memory_space<hbm>>
    %dma_start3A_530 = arith.constant 0 : i32
    %dma_start3A_531 = arith.constant 0 : i32
    %dma_start3A_532 = tpu.memref_slice %arg4[%dma_start3A_518, %dma_start3A_530, %dma_start3A_531] : memref<2x32x1024xf32, #tpu.memory_space<vmem>> -> memref<1x32x1024xf32, #tpu.memory_space<vmem>>
    %dma_start3A_533 = tpu.memref_squeeze %dma_start3A_532 : memref<1x32x1024xf32, #tpu.memory_space<vmem>> -> memref<32x1024xf32, #tpu.memory_space<vmem>>
    tpu.enqueue_dma source(%dma_start3A_533 : memref<32x1024xf32, #tpu.memory_space<vmem>>) target(%dma_start3A_529 : memref<32x1024xf32, #tpu.memory_space<hbm>>) target_semaphore(%arg8 : memref<!tpu.dma_semaphore, #tpu.memory_space<semaphore_mem>>)
    %dma_start3A_534 = arith.constant 1 : i32
    %dma_start3A_535 = arith.constant 1 : i32
    %dma_start3A_536 = arith.constant 0 : i32
    %dma_start3A_537 = arith.constant 0 : i32
    %dma_start3A_538 = tpu.memref_slice %arg4[%dma_start3A_534, %dma_start3A_536, %dma_start3A_537] : memref<2x32x1024xf32, #tpu.memory_space<vmem>> -> memref<1x32x1024xf32, #tpu.memory_space<vmem>>
    %dma_start3A_539 = tpu.memref_squeeze %dma_start3A_538 : memref<1x32x1024xf32, #tpu.memory_space<vmem>> -> memref<32x1024xf32, #tpu.memory_space<vmem>>
    %dma_start3A_540 = arith.constant 0 : i32
    %dma_start3A_541 = tpu.memref_slice %arg3[%dma_start3A_535, %add3A_517, %dma_start3A_540] : memref<4x8192x1024xf32, #tpu.memory_space<hbm>> -> memref<1x32x1024xf32, #tpu.memory_space<hbm>>
    %dma_start3A_542 = tpu.memref_squeeze %dma_start3A_541 : memref<1x32x1024xf32, #tpu.memory_space<hbm>> -> memref<32x1024xf32, #tpu.memory_space<hbm>>
    %dma_start3A_543 = arith.constant 0 : i32
    %dma_start3A_544 = tpu.memref_slice %arg3[%dma_start3A_535, %add3A_517, %dma_start3A_543] : memref<4x8192x1024xf32, #tpu.memory_space<hbm>> -> memref<1x32x1024xf32, #tpu.memory_space<hbm>>
    %dma_start3A_545 = tpu.memref_squeeze %dma_start3A_544 : memref<1x32x1024xf32, #tpu.memory_space<hbm>> -> memref<32x1024xf32, #tpu.memory_space<hbm>>
    %dma_start3A_546 = arith.constant 0 : i32
    %dma_start3A_547 = arith.constant 0 : i32
    %dma_start3A_548 = tpu.memref_slice %arg4[%dma_start3A_534, %dma_start3A_546, %dma_start3A_547] : memref<2x32x1024xf32, #tpu.memory_space<vmem>> -> memref<1x32x1024xf32, #tpu.memory_space<vmem>>
    %dma_start3A_549 = tpu.memref_squeeze %dma_start3A_548 : memref<1x32x1024xf32, #tpu.memory_space<vmem>> -> memref<32x1024xf32, #tpu.memory_space<vmem>>
    tpu.enqueue_dma source(%dma_start3A_549 : memref<32x1024xf32, #tpu.memory_space<vmem>>) target(%dma_start3A_545 : memref<32x1024xf32, #tpu.memory_space<hbm>>) target_semaphore(%arg8 : memref<!tpu.dma_semaphore, #tpu.memory_space<semaphore_mem>>)
    %dma_start3A_550 = arith.constant 1 : i32
    %dma_start3A_551 = arith.constant 2 : i32
    %dma_start3A_552 = arith.constant 0 : i32
    %dma_start3A_553 = arith.constant 0 : i32
    %dma_start3A_554 = tpu.memref_slice %arg4[%dma_start3A_550, %dma_start3A_552, %dma_start3A_553] : memref<2x32x1024xf32, #tpu.memory_space<vmem>> -> memref<1x32x1024xf32, #tpu.memory_space<vmem>>
    %dma_start3A_555 = tpu.memref_squeeze %dma_start3A_554 : memref<1x32x1024xf32, #tpu.memory_space<vmem>> -> memref<32x1024xf32, #tpu.memory_space<vmem>>
    %dma_start3A_556 = arith.constant 0 : i32
    %dma_start3A_557 = tpu.memref_slice %arg3[%dma_start3A_551, %add3A_517, %dma_start3A_556] : memref<4x8192x1024xf32, #tpu.memory_space<hbm>> -> memref<1x32x1024xf32, #tpu.memory_space<hbm>>
    %dma_start3A_558 = tpu.memref_squeeze %dma_start3A_557 : memref<1x32x1024xf32, #tpu.memory_space<hbm>> -> memref<32x1024xf32, #tpu.memory_space<hbm>>
    %dma_start3A_559 = arith.constant 0 : i32
    %dma_start3A_560 = tpu.memref_slice %arg3[%dma_start3A_551, %add3A_517, %dma_start3A_559] : memref<4x8192x1024xf32, #tpu.memory_space<hbm>> -> memref<1x32x1024xf32, #tpu.memory_space<hbm>>
    %dma_start3A_561 = tpu.memref_squeeze %dma_start3A_560 : memref<1x32x1024xf32, #tpu.memory_space<hbm>> -> memref<32x1024xf32, #tpu.memory_space<hbm>>
    %dma_start3A_562 = arith.constant 0 : i32
    %dma_start3A_563 = arith.constant 0 : i32
    %dma_start3A_564 = tpu.memref_slice %arg4[%dma_start3A_550, %dma_start3A_562, %dma_start3A_563] : memref<2x32x1024xf32, #tpu.memory_space<vmem>> -> memref<1x32x1024xf32, #tpu.memory_space<vmem>>
    %dma_start3A_565 = tpu.memref_squeeze %dma_start3A_564 : memref<1x32x1024xf32, #tpu.memory_space<vmem>> -> memref<32x1024xf32, #tpu.memory_space<vmem>>
    tpu.enqueue_dma source(%dma_start3A_565 : memref<32x1024xf32, #tpu.memory_space<vmem>>) target(%dma_start3A_561 : memref<32x1024xf32, #tpu.memory_space<hbm>>) target_semaphore(%arg8 : memref<!tpu.dma_semaphore, #tpu.memory_space<semaphore_mem>>)
    %dma_start3A_566 = arith.constant 1 : i32
    %dma_start3A_567 = arith.constant 3 : i32
    %dma_start3A_568 = arith.constant 0 : i32
    %dma_start3A_569 = arith.constant 0 : i32
    %dma_start3A_570 = tpu.memref_slice %arg4[%dma_start3A_566, %dma_start3A_568, %dma_start3A_569] : memref<2x32x1024xf32, #tpu.memory_space<vmem>> -> memref<1x32x1024xf32, #tpu.memory_space<vmem>>
    %dma_start3A_571 = tpu.memref_squeeze %dma_start3A_570 : memref<1x32x1024xf32, #tpu.memory_space<vmem>> -> memref<32x1024xf32, #tpu.memory_space<vmem>>
    %dma_start3A_572 = arith.constant 0 : i32
    %dma_start3A_573 = tpu.memref_slice %arg3[%dma_start3A_567, %add3A_517, %dma_start3A_572] : memref<4x8192x1024xf32, #tpu.memory_space<hbm>> -> memref<1x32x1024xf32, #tpu.memory_space<hbm>>
    %dma_start3A_574 = tpu.memref_squeeze %dma_start3A_573 : memref<1x32x1024xf32, #tpu.memory_space<hbm>> -> memref<32x1024xf32, #tpu.memory_space<hbm>>
    %dma_start3A_575 = arith.constant 0 : i32
    %dma_start3A_576 = tpu.memref_slice %arg3[%dma_start3A_567, %add3A_517, %dma_start3A_575] : memref<4x8192x1024xf32, #tpu.memory_space<hbm>> -> memref<1x32x1024xf32, #tpu.memory_space<hbm>>
    %dma_start3A_577 = tpu.memref_squeeze %dma_start3A_576 : memref<1x32x1024xf32, #tpu.memory_space<hbm>> -> memref<32x1024xf32, #tpu.memory_space<hbm>>
    %dma_start3A_578 = arith.constant 0 : i32
    %dma_start3A_579 = arith.constant 0 : i32
    %dma_start3A_580 = tpu.memref_slice %arg4[%dma_start3A_566, %dma_start3A_578, %dma_start3A_579] : memref<2x32x1024xf32, #tpu.memory_space<vmem>> -> memref<1x32x1024xf32, #tpu.memory_space<vmem>>
    %dma_start3A_581 = tpu.memref_squeeze %dma_start3A_580 : memref<1x32x1024xf32, #tpu.memory_space<vmem>> -> memref<32x1024xf32, #tpu.memory_space<vmem>>
    tpu.enqueue_dma source(%dma_start3A_581 : memref<32x1024xf32, #tpu.memory_space<vmem>>) target(%dma_start3A_577 : memref<32x1024xf32, #tpu.memory_space<hbm>>) target_semaphore(%arg8 : memref<!tpu.dma_semaphore, #tpu.memory_space<semaphore_mem>>)
    %dma_wait3A_582 = arith.constant 0 : i32
    %dma_wait3A_583 = arith.constant 0 : i32
    %dma_wait3A_584 = arith.constant 0 : i32
    %dma_wait3A_585 = tpu.memref_slice %arg4[%dma_wait3A_582, %dma_wait3A_583, %dma_wait3A_584] : memref<2x32x1024xf32, #tpu.memory_space<vmem>> -> memref<1x32x1024xf32, #tpu.memory_space<vmem>>
    %dma_wait3A_586 = tpu.memref_squeeze %dma_wait3A_585 : memref<1x32x1024xf32, #tpu.memory_space<vmem>> -> memref<32x1024xf32, #tpu.memory_space<vmem>>
    %dma_wait3A_587 = arith.constant 0 : i32
    %dma_wait3A_588 = tpu.memref_slice %arg2[%add3A_502, %dma_wait3A_587] : memref<8192x1024xf32, #tpu.memory_space<hbm>> -> memref<32x1024xf32, #tpu.memory_space<hbm>>
    %dma_wait3A_589 = arith.constant 0 : i32
    %dma_wait3A_590 = arith.constant 0 : i32
    %dma_wait3A_591 = tpu.memref_slice %arg4[%dma_wait3A_582, %dma_wait3A_589, %dma_wait3A_590] : memref<2x32x1024xf32, #tpu.memory_space<vmem>> -> memref<1x32x1024xf32, #tpu.memory_space<vmem>>
    %dma_wait3A_592 = tpu.memref_squeeze %dma_wait3A_591 : memref<1x32x1024xf32, #tpu.memory_space<vmem>> -> memref<32x1024xf32, #tpu.memory_space<vmem>>
    %dma_wait3A_593 = arith.constant 0 : i32
    %dma_wait3A_594 = tpu.memref_slice %arg2[%add3A_502, %dma_wait3A_593] : memref<8192x1024xf32, #tpu.memory_space<hbm>> -> memref<32x1024xf32, #tpu.memory_space<hbm>>
    tpu.wait_dma2 semaphore(%arg5 : memref<!tpu.dma_semaphore, #tpu.memory_space<semaphore_mem>>) src(%dma_wait3A_594 : memref<32x1024xf32, #tpu.memory_space<hbm>>) dst(%dma_wait3A_592 : memref<32x1024xf32, #tpu.memory_space<vmem>>)
    %dma_wait3A_595 = arith.constant 1 : i32
    %dma_wait3A_596 = arith.constant 0 : i32
    %dma_wait3A_597 = arith.constant 0 : i32
    %dma_wait3A_598 = arith.constant 0 : i32
    %dma_wait3A_599 = tpu.memref_slice %arg4[%dma_wait3A_595, %dma_wait3A_597, %dma_wait3A_598] : memref<2x32x1024xf32, #tpu.memory_space<vmem>> -> memref<1x32x1024xf32, #tpu.memory_space<vmem>>
    %dma_wait3A_600 = tpu.memref_squeeze %dma_wait3A_599 : memref<1x32x1024xf32, #tpu.memory_space<vmem>> -> memref<32x1024xf32, #tpu.memory_space<vmem>>
    %dma_wait3A_601 = arith.constant 0 : i32
    %dma_wait3A_602 = tpu.memref_slice %arg3[%dma_wait3A_596, %add3A_517, %dma_wait3A_601] : memref<4x8192x1024xf32, #tpu.memory_space<hbm>> -> memref<1x32x1024xf32, #tpu.memory_space<hbm>>
    %dma_wait3A_603 = tpu.memref_squeeze %dma_wait3A_602 : memref<1x32x1024xf32, #tpu.memory_space<hbm>> -> memref<32x1024xf32, #tpu.memory_space<hbm>>
    %dma_wait3A_604 = arith.constant 0 : i32
    %dma_wait3A_605 = tpu.memref_slice %arg3[%dma_wait3A_596, %add3A_517, %dma_wait3A_604] : memref<4x8192x1024xf32, #tpu.memory_space<hbm>> -> memref<1x32x1024xf32, #tpu.memory_space<hbm>>
    %dma_wait3A_606 = tpu.memref_squeeze %dma_wait3A_605 : memref<1x32x1024xf32, #tpu.memory_space<hbm>> -> memref<32x1024xf32, #tpu.memory_space<hbm>>
    %dma_wait3A_607 = arith.constant 0 : i32
    %dma_wait3A_608 = arith.constant 0 : i32
    %dma_wait3A_609 = tpu.memref_slice %arg4[%dma_wait3A_595, %dma_wait3A_607, %dma_wait3A_608] : memref<2x32x1024xf32, #tpu.memory_space<vmem>> -> memref<1x32x1024xf32, #tpu.memory_space<vmem>>
    %dma_wait3A_610 = tpu.memref_squeeze %dma_wait3A_609 : memref<1x32x1024xf32, #tpu.memory_space<vmem>> -> memref<32x1024xf32, #tpu.memory_space<vmem>>
    tpu.wait_dma2 semaphore(%arg8 : memref<!tpu.dma_semaphore, #tpu.memory_space<semaphore_mem>>) src(%dma_wait3A_610 : memref<32x1024xf32, #tpu.memory_space<vmem>>) dst(%dma_wait3A_606 : memref<32x1024xf32, #tpu.memory_space<hbm>>)
    %dma_wait3A_611 = arith.constant 1 : i32
    %dma_wait3A_612 = arith.constant 1 : i32
    %dma_wait3A_613 = arith.constant 0 : i32
    %dma_wait3A_614 = arith.constant 0 : i32
    %dma_wait3A_615 = tpu.memref_slice %arg4[%dma_wait3A_611, %dma_wait3A_613, %dma_wait3A_614] : memref<2x32x1024xf32, #tpu.memory_space<vmem>> -> memref<1x32x1024xf32, #tpu.memory_space<vmem>>
    %dma_wait3A_616 = tpu.memref_squeeze %dma_wait3A_615 : memref<1x32x1024xf32, #tpu.memory_space<vmem>> -> memref<32x1024xf32, #tpu.memory_space<vmem>>
    %dma_wait3A_617 = arith.constant 0 : i32
    %dma_wait3A_618 = tpu.memref_slice %arg3[%dma_wait3A_612, %add3A_517, %dma_wait3A_617] : memref<4x8192x1024xf32, #tpu.memory_space<hbm>> -> memref<1x32x1024xf32, #tpu.memory_space<hbm>>
    %dma_wait3A_619 = tpu.memref_squeeze %dma_wait3A_618 : memref<1x32x1024xf32, #tpu.memory_space<hbm>> -> memref<32x1024xf32, #tpu.memory_space<hbm>>
    %dma_wait3A_620 = arith.constant 0 : i32
    %dma_wait3A_621 = tpu.memref_slice %arg3[%dma_wait3A_612, %add3A_517, %dma_wait3A_620] : memref<4x8192x1024xf32, #tpu.memory_space<hbm>> -> memref<1x32x1024xf32, #tpu.memory_space<hbm>>
    %dma_wait3A_622 = tpu.memref_squeeze %dma_wait3A_621 : memref<1x32x1024xf32, #tpu.memory_space<hbm>> -> memref<32x1024xf32, #tpu.memory_space<hbm>>
    %dma_wait3A_623 = arith.constant 0 : i32
    %dma_wait3A_624 = arith.constant 0 : i32
    %dma_wait3A_625 = tpu.memref_slice %arg4[%dma_wait3A_611, %dma_wait3A_623, %dma_wait3A_624] : memref<2x32x1024xf32, #tpu.memory_space<vmem>> -> memref<1x32x1024xf32, #tpu.memory_space<vmem>>
    %dma_wait3A_626 = tpu.memref_squeeze %dma_wait3A_625 : memref<1x32x1024xf32, #tpu.memory_space<vmem>> -> memref<32x1024xf32, #tpu.memory_space<vmem>>
    tpu.wait_dma2 semaphore(%arg8 : memref<!tpu.dma_semaphore, #tpu.memory_space<semaphore_mem>>) src(%dma_wait3A_626 : memref<32x1024xf32, #tpu.memory_space<vmem>>) dst(%dma_wait3A_622 : memref<32x1024xf32, #tpu.memory_space<hbm>>)
    %dma_wait3A_627 = arith.constant 1 : i32
    %dma_wait3A_628 = arith.constant 2 : i32
    %dma_wait3A_629 = arith.constant 0 : i32
    %dma_wait3A_630 = arith.constant 0 : i32
    %dma_wait3A_631 = tpu.memref_slice %arg4[%dma_wait3A_627, %dma_wait3A_629, %dma_wait3A_630] : memref<2x32x1024xf32, #tpu.memory_space<vmem>> -> memref<1x32x1024xf32, #tpu.memory_space<vmem>>
    %dma_wait3A_632 = tpu.memref_squeeze %dma_wait3A_631 : memref<1x32x1024xf32, #tpu.memory_space<vmem>> -> memref<32x1024xf32, #tpu.memory_space<vmem>>
    %dma_wait3A_633 = arith.constant 0 : i32
    %dma_wait3A_634 = tpu.memref_slice %arg3[%dma_wait3A_628, %add3A_517, %dma_wait3A_633] : memref<4x8192x1024xf32, #tpu.memory_space<hbm>> -> memref<1x32x1024xf32, #tpu.memory_space<hbm>>
    %dma_wait3A_635 = tpu.memref_squeeze %dma_wait3A_634 : memref<1x32x1024xf32, #tpu.memory_space<hbm>> -> memref<32x1024xf32, #tpu.memory_space<hbm>>
    %dma_wait3A_636 = arith.constant 0 : i32
    %dma_wait3A_637 = tpu.memref_slice %arg3[%dma_wait3A_628, %add3A_517, %dma_wait3A_636] : memref<4x8192x1024xf32, #tpu.memory_space<hbm>> -> memref<1x32x1024xf32, #tpu.memory_space<hbm>>
    %dma_wait3A_638 = tpu.memref_squeeze %dma_wait3A_637 : memref<1x32x1024xf32, #tpu.memory_space<hbm>> -> memref<32x1024xf32, #tpu.memory_space<hbm>>
    %dma_wait3A_639 = arith.constant 0 : i32
    %dma_wait3A_640 = arith.constant 0 : i32
    %dma_wait3A_641 = tpu.memref_slice %arg4[%dma_wait3A_627, %dma_wait3A_639, %dma_wait3A_640] : memref<2x32x1024xf32, #tpu.memory_space<vmem>> -> memref<1x32x1024xf32, #tpu.memory_space<vmem>>
    %dma_wait3A_642 = tpu.memref_squeeze %dma_wait3A_641 : memref<1x32x1024xf32, #tpu.memory_space<vmem>> -> memref<32x1024xf32, #tpu.memory_space<vmem>>
    tpu.wait_dma2 semaphore(%arg8 : memref<!tpu.dma_semaphore, #tpu.memory_space<semaphore_mem>>) src(%dma_wait3A_642 : memref<32x1024xf32, #tpu.memory_space<vmem>>) dst(%dma_wait3A_638 : memref<32x1024xf32, #tpu.memory_space<hbm>>)
    %dma_wait3A_643 = arith.constant 1 : i32
    %dma_wait3A_644 = arith.constant 3 : i32
    %dma_wait3A_645 = arith.constant 0 : i32
    %dma_wait3A_646 = arith.constant 0 : i32
    %dma_wait3A_647 = tpu.memref_slice %arg4[%dma_wait3A_643, %dma_wait3A_645, %dma_wait3A_646] : memref<2x32x1024xf32, #tpu.memory_space<vmem>> -> memref<1x32x1024xf32, #tpu.memory_space<vmem>>
    %dma_wait3A_648 = tpu.memref_squeeze %dma_wait3A_647 : memref<1x32x1024xf32, #tpu.memory_space<vmem>> -> memref<32x1024xf32, #tpu.memory_space<vmem>>
    %dma_wait3A_649 = arith.constant 0 : i32
    %dma_wait3A_650 = tpu.memref_slice %arg3[%dma_wait3A_644, %add3A_517, %dma_wait3A_649] : memref<4x8192x1024xf32, #tpu.memory_space<hbm>> -> memref<1x32x1024xf32, #tpu.memory_space<hbm>>
    %dma_wait3A_651 = tpu.memref_squeeze %dma_wait3A_650 : memref<1x32x1024xf32, #tpu.memory_space<hbm>> -> memref<32x1024xf32, #tpu.memory_space<hbm>>
    %dma_wait3A_652 = arith.constant 0 : i32
    %dma_wait3A_653 = tpu.memref_slice %arg3[%dma_wait3A_644, %add3A_517, %dma_wait3A_652] : memref<4x8192x1024xf32, #tpu.memory_space<hbm>> -> memref<1x32x1024xf32, #tpu.memory_space<hbm>>
    %dma_wait3A_654 = tpu.memref_squeeze %dma_wait3A_653 : memref<1x32x1024xf32, #tpu.memory_space<hbm>> -> memref<32x1024xf32, #tpu.memory_space<hbm>>
    %dma_wait3A_655 = arith.constant 0 : i32
    %dma_wait3A_656 = arith.constant 0 : i32
    %dma_wait3A_657 = tpu.memref_slice %arg4[%dma_wait3A_643, %dma_wait3A_655, %dma_wait3A_656] : memref<2x32x1024xf32, #tpu.memory_space<vmem>> -> memref<1x32x1024xf32, #tpu.memory_space<vmem>>
    %dma_wait3A_658 = tpu.memref_squeeze %dma_wait3A_657 : memref<1x32x1024xf32, #tpu.memory_space<vmem>> -> memref<32x1024xf32, #tpu.memory_space<vmem>>
    tpu.wait_dma2 semaphore(%arg8 : memref<!tpu.dma_semaphore, #tpu.memory_space<semaphore_mem>>) src(%dma_wait3A_658 : memref<32x1024xf32, #tpu.memory_space<vmem>>) dst(%dma_wait3A_654 : memref<32x1024xf32, #tpu.memory_space<hbm>>)
    %add3A_659 = arith.constant 160 : i32
    %add3A_660 = arith.addi %mul3A_2, %add3A_659 : i32
    %dma_start3A_661 = arith.constant 1 : i32
    %dma_start3A_662 = arith.constant 0 : i32
    %dma_start3A_663 = arith.constant 0 : i32
    %dma_start3A_664 = tpu.memref_slice %arg4[%dma_start3A_661, %dma_start3A_662, %dma_start3A_663] : memref<2x32x1024xf32, #tpu.memory_space<vmem>> -> memref<1x32x1024xf32, #tpu.memory_space<vmem>>
    %dma_start3A_665 = tpu.memref_squeeze %dma_start3A_664 : memref<1x32x1024xf32, #tpu.memory_space<vmem>> -> memref<32x1024xf32, #tpu.memory_space<vmem>>
    %dma_start3A_666 = arith.constant 0 : i32
    %dma_start3A_667 = tpu.memref_slice %arg2[%add3A_660, %dma_start3A_666] : memref<8192x1024xf32, #tpu.memory_space<hbm>> -> memref<32x1024xf32, #tpu.memory_space<hbm>>
    %dma_start3A_668 = arith.constant 0 : i32
    %dma_start3A_669 = arith.constant 0 : i32
    %dma_start3A_670 = tpu.memref_slice %arg4[%dma_start3A_661, %dma_start3A_668, %dma_start3A_669] : memref<2x32x1024xf32, #tpu.memory_space<vmem>> -> memref<1x32x1024xf32, #tpu.memory_space<vmem>>
    %dma_start3A_671 = tpu.memref_squeeze %dma_start3A_670 : memref<1x32x1024xf32, #tpu.memory_space<vmem>> -> memref<32x1024xf32, #tpu.memory_space<vmem>>
    %dma_start3A_672 = arith.constant 0 : i32
    %dma_start3A_673 = tpu.memref_slice %arg2[%add3A_660, %dma_start3A_672] : memref<8192x1024xf32, #tpu.memory_space<hbm>> -> memref<32x1024xf32, #tpu.memory_space<hbm>>
    tpu.enqueue_dma source(%dma_start3A_673 : memref<32x1024xf32, #tpu.memory_space<hbm>>) target(%dma_start3A_671 : memref<32x1024xf32, #tpu.memory_space<vmem>>) target_semaphore(%arg6 : memref<!tpu.dma_semaphore, #tpu.memory_space<semaphore_mem>>)
    %add3A_674 = arith.constant 128 : i32
    %add3A_675 = arith.addi %mul3A_2, %add3A_674 : i32
    %dma_start3A_676 = arith.constant 0 : i32
    %dma_start3A_677 = arith.constant 0 : i32
    %dma_start3A_678 = arith.constant 0 : i32
    %dma_start3A_679 = arith.constant 0 : i32
    %dma_start3A_680 = tpu.memref_slice %arg4[%dma_start3A_676, %dma_start3A_678, %dma_start3A_679] : memref<2x32x1024xf32, #tpu.memory_space<vmem>> -> memref<1x32x1024xf32, #tpu.memory_space<vmem>>
    %dma_start3A_681 = tpu.memref_squeeze %dma_start3A_680 : memref<1x32x1024xf32, #tpu.memory_space<vmem>> -> memref<32x1024xf32, #tpu.memory_space<vmem>>
    %dma_start3A_682 = arith.constant 0 : i32
    %dma_start3A_683 = tpu.memref_slice %arg3[%dma_start3A_677, %add3A_675, %dma_start3A_682] : memref<4x8192x1024xf32, #tpu.memory_space<hbm>> -> memref<1x32x1024xf32, #tpu.memory_space<hbm>>
    %dma_start3A_684 = tpu.memref_squeeze %dma_start3A_683 : memref<1x32x1024xf32, #tpu.memory_space<hbm>> -> memref<32x1024xf32, #tpu.memory_space<hbm>>
    %dma_start3A_685 = arith.constant 0 : i32
    %dma_start3A_686 = tpu.memref_slice %arg3[%dma_start3A_677, %add3A_675, %dma_start3A_685] : memref<4x8192x1024xf32, #tpu.memory_space<hbm>> -> memref<1x32x1024xf32, #tpu.memory_space<hbm>>
    %dma_start3A_687 = tpu.memref_squeeze %dma_start3A_686 : memref<1x32x1024xf32, #tpu.memory_space<hbm>> -> memref<32x1024xf32, #tpu.memory_space<hbm>>
    %dma_start3A_688 = arith.constant 0 : i32
    %dma_start3A_689 = arith.constant 0 : i32
    %dma_start3A_690 = tpu.memref_slice %arg4[%dma_start3A_676, %dma_start3A_688, %dma_start3A_689] : memref<2x32x1024xf32, #tpu.memory_space<vmem>> -> memref<1x32x1024xf32, #tpu.memory_space<vmem>>
    %dma_start3A_691 = tpu.memref_squeeze %dma_start3A_690 : memref<1x32x1024xf32, #tpu.memory_space<vmem>> -> memref<32x1024xf32, #tpu.memory_space<vmem>>
    tpu.enqueue_dma source(%dma_start3A_691 : memref<32x1024xf32, #tpu.memory_space<vmem>>) target(%dma_start3A_687 : memref<32x1024xf32, #tpu.memory_space<hbm>>) target_semaphore(%arg7 : memref<!tpu.dma_semaphore, #tpu.memory_space<semaphore_mem>>)
    %dma_start3A_692 = arith.constant 0 : i32
    %dma_start3A_693 = arith.constant 1 : i32
    %dma_start3A_694 = arith.constant 0 : i32
    %dma_start3A_695 = arith.constant 0 : i32
    %dma_start3A_696 = tpu.memref_slice %arg4[%dma_start3A_692, %dma_start3A_694, %dma_start3A_695] : memref<2x32x1024xf32, #tpu.memory_space<vmem>> -> memref<1x32x1024xf32, #tpu.memory_space<vmem>>
    %dma_start3A_697 = tpu.memref_squeeze %dma_start3A_696 : memref<1x32x1024xf32, #tpu.memory_space<vmem>> -> memref<32x1024xf32, #tpu.memory_space<vmem>>
    %dma_start3A_698 = arith.constant 0 : i32
    %dma_start3A_699 = tpu.memref_slice %arg3[%dma_start3A_693, %add3A_675, %dma_start3A_698] : memref<4x8192x1024xf32, #tpu.memory_space<hbm>> -> memref<1x32x1024xf32, #tpu.memory_space<hbm>>
    %dma_start3A_700 = tpu.memref_squeeze %dma_start3A_699 : memref<1x32x1024xf32, #tpu.memory_space<hbm>> -> memref<32x1024xf32, #tpu.memory_space<hbm>>
    %dma_start3A_701 = arith.constant 0 : i32
    %dma_start3A_702 = tpu.memref_slice %arg3[%dma_start3A_693, %add3A_675, %dma_start3A_701] : memref<4x8192x1024xf32, #tpu.memory_space<hbm>> -> memref<1x32x1024xf32, #tpu.memory_space<hbm>>
    %dma_start3A_703 = tpu.memref_squeeze %dma_start3A_702 : memref<1x32x1024xf32, #tpu.memory_space<hbm>> -> memref<32x1024xf32, #tpu.memory_space<hbm>>
    %dma_start3A_704 = arith.constant 0 : i32
    %dma_start3A_705 = arith.constant 0 : i32
    %dma_start3A_706 = tpu.memref_slice %arg4[%dma_start3A_692, %dma_start3A_704, %dma_start3A_705] : memref<2x32x1024xf32, #tpu.memory_space<vmem>> -> memref<1x32x1024xf32, #tpu.memory_space<vmem>>
    %dma_start3A_707 = tpu.memref_squeeze %dma_start3A_706 : memref<1x32x1024xf32, #tpu.memory_space<vmem>> -> memref<32x1024xf32, #tpu.memory_space<vmem>>
    tpu.enqueue_dma source(%dma_start3A_707 : memref<32x1024xf32, #tpu.memory_space<vmem>>) target(%dma_start3A_703 : memref<32x1024xf32, #tpu.memory_space<hbm>>) target_semaphore(%arg7 : memref<!tpu.dma_semaphore, #tpu.memory_space<semaphore_mem>>)
    %dma_start3A_708 = arith.constant 0 : i32
    %dma_start3A_709 = arith.constant 2 : i32
    %dma_start3A_710 = arith.constant 0 : i32
    %dma_start3A_711 = arith.constant 0 : i32
    %dma_start3A_712 = tpu.memref_slice %arg4[%dma_start3A_708, %dma_start3A_710, %dma_start3A_711] : memref<2x32x1024xf32, #tpu.memory_space<vmem>> -> memref<1x32x1024xf32, #tpu.memory_space<vmem>>
    %dma_start3A_713 = tpu.memref_squeeze %dma_start3A_712 : memref<1x32x1024xf32, #tpu.memory_space<vmem>> -> memref<32x1024xf32, #tpu.memory_space<vmem>>
    %dma_start3A_714 = arith.constant 0 : i32
    %dma_start3A_715 = tpu.memref_slice %arg3[%dma_start3A_709, %add3A_675, %dma_start3A_714] : memref<4x8192x1024xf32, #tpu.memory_space<hbm>> -> memref<1x32x1024xf32, #tpu.memory_space<hbm>>
    %dma_start3A_716 = tpu.memref_squeeze %dma_start3A_715 : memref<1x32x1024xf32, #tpu.memory_space<hbm>> -> memref<32x1024xf32, #tpu.memory_space<hbm>>
    %dma_start3A_717 = arith.constant 0 : i32
    %dma_start3A_718 = tpu.memref_slice %arg3[%dma_start3A_709, %add3A_675, %dma_start3A_717] : memref<4x8192x1024xf32, #tpu.memory_space<hbm>> -> memref<1x32x1024xf32, #tpu.memory_space<hbm>>
    %dma_start3A_719 = tpu.memref_squeeze %dma_start3A_718 : memref<1x32x1024xf32, #tpu.memory_space<hbm>> -> memref<32x1024xf32, #tpu.memory_space<hbm>>
    %dma_start3A_720 = arith.constant 0 : i32
    %dma_start3A_721 = arith.constant 0 : i32
    %dma_start3A_722 = tpu.memref_slice %arg4[%dma_start3A_708, %dma_start3A_720, %dma_start3A_721] : memref<2x32x1024xf32, #tpu.memory_space<vmem>> -> memref<1x32x1024xf32, #tpu.memory_space<vmem>>
    %dma_start3A_723 = tpu.memref_squeeze %dma_start3A_722 : memref<1x32x1024xf32, #tpu.memory_space<vmem>> -> memref<32x1024xf32, #tpu.memory_space<vmem>>
    tpu.enqueue_dma source(%dma_start3A_723 : memref<32x1024xf32, #tpu.memory_space<vmem>>) target(%dma_start3A_719 : memref<32x1024xf32, #tpu.memory_space<hbm>>) target_semaphore(%arg7 : memref<!tpu.dma_semaphore, #tpu.memory_space<semaphore_mem>>)
    %dma_start3A_724 = arith.constant 0 : i32
    %dma_start3A_725 = arith.constant 3 : i32
    %dma_start3A_726 = arith.constant 0 : i32
    %dma_start3A_727 = arith.constant 0 : i32
    %dma_start3A_728 = tpu.memref_slice %arg4[%dma_start3A_724, %dma_start3A_726, %dma_start3A_727] : memref<2x32x1024xf32, #tpu.memory_space<vmem>> -> memref<1x32x1024xf32, #tpu.memory_space<vmem>>
    %dma_start3A_729 = tpu.memref_squeeze %dma_start3A_728 : memref<1x32x1024xf32, #tpu.memory_space<vmem>> -> memref<32x1024xf32, #tpu.memory_space<vmem>>
    %dma_start3A_730 = arith.constant 0 : i32
    %dma_start3A_731 = tpu.memref_slice %arg3[%dma_start3A_725, %add3A_675, %dma_start3A_730] : memref<4x8192x1024xf32, #tpu.memory_space<hbm>> -> memref<1x32x1024xf32, #tpu.memory_space<hbm>>
    %dma_start3A_732 = tpu.memref_squeeze %dma_start3A_731 : memref<1x32x1024xf32, #tpu.memory_space<hbm>> -> memref<32x1024xf32, #tpu.memory_space<hbm>>
    %dma_start3A_733 = arith.constant 0 : i32
    %dma_start3A_734 = tpu.memref_slice %arg3[%dma_start3A_725, %add3A_675, %dma_start3A_733] : memref<4x8192x1024xf32, #tpu.memory_space<hbm>> -> memref<1x32x1024xf32, #tpu.memory_space<hbm>>
    %dma_start3A_735 = tpu.memref_squeeze %dma_start3A_734 : memref<1x32x1024xf32, #tpu.memory_space<hbm>> -> memref<32x1024xf32, #tpu.memory_space<hbm>>
    %dma_start3A_736 = arith.constant 0 : i32
    %dma_start3A_737 = arith.constant 0 : i32
    %dma_start3A_738 = tpu.memref_slice %arg4[%dma_start3A_724, %dma_start3A_736, %dma_start3A_737] : memref<2x32x1024xf32, #tpu.memory_space<vmem>> -> memref<1x32x1024xf32, #tpu.memory_space<vmem>>
    %dma_start3A_739 = tpu.memref_squeeze %dma_start3A_738 : memref<1x32x1024xf32, #tpu.memory_space<vmem>> -> memref<32x1024xf32, #tpu.memory_space<vmem>>
    tpu.enqueue_dma source(%dma_start3A_739 : memref<32x1024xf32, #tpu.memory_space<vmem>>) target(%dma_start3A_735 : memref<32x1024xf32, #tpu.memory_space<hbm>>) target_semaphore(%arg7 : memref<!tpu.dma_semaphore, #tpu.memory_space<semaphore_mem>>)
    %dma_wait3A_740 = arith.constant 1 : i32
    %dma_wait3A_741 = arith.constant 0 : i32
    %dma_wait3A_742 = arith.constant 0 : i32
    %dma_wait3A_743 = tpu.memref_slice %arg4[%dma_wait3A_740, %dma_wait3A_741, %dma_wait3A_742] : memref<2x32x1024xf32, #tpu.memory_space<vmem>> -> memref<1x32x1024xf32, #tpu.memory_space<vmem>>
    %dma_wait3A_744 = tpu.memref_squeeze %dma_wait3A_743 : memref<1x32x1024xf32, #tpu.memory_space<vmem>> -> memref<32x1024xf32, #tpu.memory_space<vmem>>
    %dma_wait3A_745 = arith.constant 0 : i32
    %dma_wait3A_746 = tpu.memref_slice %arg2[%add3A_660, %dma_wait3A_745] : memref<8192x1024xf32, #tpu.memory_space<hbm>> -> memref<32x1024xf32, #tpu.memory_space<hbm>>
    %dma_wait3A_747 = arith.constant 0 : i32
    %dma_wait3A_748 = arith.constant 0 : i32
    %dma_wait3A_749 = tpu.memref_slice %arg4[%dma_wait3A_740, %dma_wait3A_747, %dma_wait3A_748] : memref<2x32x1024xf32, #tpu.memory_space<vmem>> -> memref<1x32x1024xf32, #tpu.memory_space<vmem>>
    %dma_wait3A_750 = tpu.memref_squeeze %dma_wait3A_749 : memref<1x32x1024xf32, #tpu.memory_space<vmem>> -> memref<32x1024xf32, #tpu.memory_space<vmem>>
    %dma_wait3A_751 = arith.constant 0 : i32
    %dma_wait3A_752 = tpu.memref_slice %arg2[%add3A_660, %dma_wait3A_751] : memref<8192x1024xf32, #tpu.memory_space<hbm>> -> memref<32x1024xf32, #tpu.memory_space<hbm>>
    tpu.wait_dma2 semaphore(%arg6 : memref<!tpu.dma_semaphore, #tpu.memory_space<semaphore_mem>>) src(%dma_wait3A_752 : memref<32x1024xf32, #tpu.memory_space<hbm>>) dst(%dma_wait3A_750 : memref<32x1024xf32, #tpu.memory_space<vmem>>)
    %dma_wait3A_753 = arith.constant 0 : i32
    %dma_wait3A_754 = arith.constant 0 : i32
    %dma_wait3A_755 = arith.constant 0 : i32
    %dma_wait3A_756 = arith.constant 0 : i32
    %dma_wait3A_757 = tpu.memref_slice %arg4[%dma_wait3A_753, %dma_wait3A_755, %dma_wait3A_756] : memref<2x32x1024xf32, #tpu.memory_space<vmem>> -> memref<1x32x1024xf32, #tpu.memory_space<vmem>>
    %dma_wait3A_758 = tpu.memref_squeeze %dma_wait3A_757 : memref<1x32x1024xf32, #tpu.memory_space<vmem>> -> memref<32x1024xf32, #tpu.memory_space<vmem>>
    %dma_wait3A_759 = arith.constant 0 : i32
    %dma_wait3A_760 = tpu.memref_slice %arg3[%dma_wait3A_754, %add3A_675, %dma_wait3A_759] : memref<4x8192x1024xf32, #tpu.memory_space<hbm>> -> memref<1x32x1024xf32, #tpu.memory_space<hbm>>
    %dma_wait3A_761 = tpu.memref_squeeze %dma_wait3A_760 : memref<1x32x1024xf32, #tpu.memory_space<hbm>> -> memref<32x1024xf32, #tpu.memory_space<hbm>>
    %dma_wait3A_762 = arith.constant 0 : i32
    %dma_wait3A_763 = tpu.memref_slice %arg3[%dma_wait3A_754, %add3A_675, %dma_wait3A_762] : memref<4x8192x1024xf32, #tpu.memory_space<hbm>> -> memref<1x32x1024xf32, #tpu.memory_space<hbm>>
    %dma_wait3A_764 = tpu.memref_squeeze %dma_wait3A_763 : memref<1x32x1024xf32, #tpu.memory_space<hbm>> -> memref<32x1024xf32, #tpu.memory_space<hbm>>
    %dma_wait3A_765 = arith.constant 0 : i32
    %dma_wait3A_766 = arith.constant 0 : i32
    %dma_wait3A_767 = tpu.memref_slice %arg4[%dma_wait3A_753, %dma_wait3A_765, %dma_wait3A_766] : memref<2x32x1024xf32, #tpu.memory_space<vmem>> -> memref<1x32x1024xf32, #tpu.memory_space<vmem>>
    %dma_wait3A_768 = tpu.memref_squeeze %dma_wait3A_767 : memref<1x32x1024xf32, #tpu.memory_space<vmem>> -> memref<32x1024xf32, #tpu.memory_space<vmem>>
    tpu.wait_dma2 semaphore(%arg7 : memref<!tpu.dma_semaphore, #tpu.memory_space<semaphore_mem>>) src(%dma_wait3A_768 : memref<32x1024xf32, #tpu.memory_space<vmem>>) dst(%dma_wait3A_764 : memref<32x1024xf32, #tpu.memory_space<hbm>>)
    %dma_wait3A_769 = arith.constant 0 : i32
    %dma_wait3A_770 = arith.constant 1 : i32
    %dma_wait3A_771 = arith.constant 0 : i32
    %dma_wait3A_772 = arith.constant 0 : i32
    %dma_wait3A_773 = tpu.memref_slice %arg4[%dma_wait3A_769, %dma_wait3A_771, %dma_wait3A_772] : memref<2x32x1024xf32, #tpu.memory_space<vmem>> -> memref<1x32x1024xf32, #tpu.memory_space<vmem>>
    %dma_wait3A_774 = tpu.memref_squeeze %dma_wait3A_773 : memref<1x32x1024xf32, #tpu.memory_space<vmem>> -> memref<32x1024xf32, #tpu.memory_space<vmem>>
    %dma_wait3A_775 = arith.constant 0 : i32
    %dma_wait3A_776 = tpu.memref_slice %arg3[%dma_wait3A_770, %add3A_675, %dma_wait3A_775] : memref<4x8192x1024xf32, #tpu.memory_space<hbm>> -> memref<1x32x1024xf32, #tpu.memory_space<hbm>>
    %dma_wait3A_777 = tpu.memref_squeeze %dma_wait3A_776 : memref<1x32x1024xf32, #tpu.memory_space<hbm>> -> memref<32x1024xf32, #tpu.memory_space<hbm>>
    %dma_wait3A_778 = arith.constant 0 : i32
    %dma_wait3A_779 = tpu.memref_slice %arg3[%dma_wait3A_770, %add3A_675, %dma_wait3A_778] : memref<4x8192x1024xf32, #tpu.memory_space<hbm>> -> memref<1x32x1024xf32, #tpu.memory_space<hbm>>
    %dma_wait3A_780 = tpu.memref_squeeze %dma_wait3A_779 : memref<1x32x1024xf32, #tpu.memory_space<hbm>> -> memref<32x1024xf32, #tpu.memory_space<hbm>>
    %dma_wait3A_781 = arith.constant 0 : i32
    %dma_wait3A_782 = arith.constant 0 : i32
    %dma_wait3A_783 = tpu.memref_slice %arg4[%dma_wait3A_769, %dma_wait3A_781, %dma_wait3A_782] : memref<2x32x1024xf32, #tpu.memory_space<vmem>> -> memref<1x32x1024xf32, #tpu.memory_space<vmem>>
    %dma_wait3A_784 = tpu.memref_squeeze %dma_wait3A_783 : memref<1x32x1024xf32, #tpu.memory_space<vmem>> -> memref<32x1024xf32, #tpu.memory_space<vmem>>
    tpu.wait_dma2 semaphore(%arg7 : memref<!tpu.dma_semaphore, #tpu.memory_space<semaphore_mem>>) src(%dma_wait3A_784 : memref<32x1024xf32, #tpu.memory_space<vmem>>) dst(%dma_wait3A_780 : memref<32x1024xf32, #tpu.memory_space<hbm>>)
    %dma_wait3A_785 = arith.constant 0 : i32
    %dma_wait3A_786 = arith.constant 2 : i32
    %dma_wait3A_787 = arith.constant 0 : i32
    %dma_wait3A_788 = arith.constant 0 : i32
    %dma_wait3A_789 = tpu.memref_slice %arg4[%dma_wait3A_785, %dma_wait3A_787, %dma_wait3A_788] : memref<2x32x1024xf32, #tpu.memory_space<vmem>> -> memref<1x32x1024xf32, #tpu.memory_space<vmem>>
    %dma_wait3A_790 = tpu.memref_squeeze %dma_wait3A_789 : memref<1x32x1024xf32, #tpu.memory_space<vmem>> -> memref<32x1024xf32, #tpu.memory_space<vmem>>
    %dma_wait3A_791 = arith.constant 0 : i32
    %dma_wait3A_792 = tpu.memref_slice %arg3[%dma_wait3A_786, %add3A_675, %dma_wait3A_791] : memref<4x8192x1024xf32, #tpu.memory_space<hbm>> -> memref<1x32x1024xf32, #tpu.memory_space<hbm>>
    %dma_wait3A_793 = tpu.memref_squeeze %dma_wait3A_792 : memref<1x32x1024xf32, #tpu.memory_space<hbm>> -> memref<32x1024xf32, #tpu.memory_space<hbm>>
    %dma_wait3A_794 = arith.constant 0 : i32
    %dma_wait3A_795 = tpu.memref_slice %arg3[%dma_wait3A_786, %add3A_675, %dma_wait3A_794] : memref<4x8192x1024xf32, #tpu.memory_space<hbm>> -> memref<1x32x1024xf32, #tpu.memory_space<hbm>>
    %dma_wait3A_796 = tpu.memref_squeeze %dma_wait3A_795 : memref<1x32x1024xf32, #tpu.memory_space<hbm>> -> memref<32x1024xf32, #tpu.memory_space<hbm>>
    %dma_wait3A_797 = arith.constant 0 : i32
    %dma_wait3A_798 = arith.constant 0 : i32
    %dma_wait3A_799 = tpu.memref_slice %arg4[%dma_wait3A_785, %dma_wait3A_797, %dma_wait3A_798] : memref<2x32x1024xf32, #tpu.memory_space<vmem>> -> memref<1x32x1024xf32, #tpu.memory_space<vmem>>
    %dma_wait3A_800 = tpu.memref_squeeze %dma_wait3A_799 : memref<1x32x1024xf32, #tpu.memory_space<vmem>> -> memref<32x1024xf32, #tpu.memory_space<vmem>>
    tpu.wait_dma2 semaphore(%arg7 : memref<!tpu.dma_semaphore, #tpu.memory_space<semaphore_mem>>) src(%dma_wait3A_800 : memref<32x1024xf32, #tpu.memory_space<vmem>>) dst(%dma_wait3A_796 : memref<32x1024xf32, #tpu.memory_space<hbm>>)
    %dma_wait3A_801 = arith.constant 0 : i32
    %dma_wait3A_802 = arith.constant 3 : i32
    %dma_wait3A_803 = arith.constant 0 : i32
    %dma_wait3A_804 = arith.constant 0 : i32
    %dma_wait3A_805 = tpu.memref_slice %arg4[%dma_wait3A_801, %dma_wait3A_803, %dma_wait3A_804] : memref<2x32x1024xf32, #tpu.memory_space<vmem>> -> memref<1x32x1024xf32, #tpu.memory_space<vmem>>
    %dma_wait3A_806 = tpu.memref_squeeze %dma_wait3A_805 : memref<1x32x1024xf32, #tpu.memory_space<vmem>> -> memref<32x1024xf32, #tpu.memory_space<vmem>>
    %dma_wait3A_807 = arith.constant 0 : i32
    %dma_wait3A_808 = tpu.memref_slice %arg3[%dma_wait3A_802, %add3A_675, %dma_wait3A_807] : memref<4x8192x1024xf32, #tpu.memory_space<hbm>> -> memref<1x32x1024xf32, #tpu.memory_space<hbm>>
    %dma_wait3A_809 = tpu.memref_squeeze %dma_wait3A_808 : memref<1x32x1024xf32, #tpu.memory_space<hbm>> -> memref<32x1024xf32, #tpu.memory_space<hbm>>
    %dma_wait3A_810 = arith.constant 0 : i32
    %dma_wait3A_811 = tpu.memref_slice %arg3[%dma_wait3A_802, %add3A_675, %dma_wait3A_810] : memref<4x8192x1024xf32, #tpu.memory_space<hbm>> -> memref<1x32x1024xf32, #tpu.memory_space<hbm>>
    %dma_wait3A_812 = tpu.memref_squeeze %dma_wait3A_811 : memref<1x32x1024xf32, #tpu.memory_space<hbm>> -> memref<32x1024xf32, #tpu.memory_space<hbm>>
    %dma_wait3A_813 = arith.constant 0 : i32
    %dma_wait3A_814 = arith.constant 0 : i32
    %dma_wait3A_815 = tpu.memref_slice %arg4[%dma_wait3A_801, %dma_wait3A_813, %dma_wait3A_814] : memref<2x32x1024xf32, #tpu.memory_space<vmem>> -> memref<1x32x1024xf32, #tpu.memory_space<vmem>>
    %dma_wait3A_816 = tpu.memref_squeeze %dma_wait3A_815 : memref<1x32x1024xf32, #tpu.memory_space<vmem>> -> memref<32x1024xf32, #tpu.memory_space<vmem>>
    tpu.wait_dma2 semaphore(%arg7 : memref<!tpu.dma_semaphore, #tpu.memory_space<semaphore_mem>>) src(%dma_wait3A_816 : memref<32x1024xf32, #tpu.memory_space<vmem>>) dst(%dma_wait3A_812 : memref<32x1024xf32, #tpu.memory_space<hbm>>)
    %add3A_817 = arith.constant 192 : i32
    %add3A_818 = arith.addi %mul3A_2, %add3A_817 : i32
    %dma_start3A_819 = arith.constant 0 : i32
    %dma_start3A_820 = arith.constant 0 : i32
    %dma_start3A_821 = arith.constant 0 : i32
    %dma_start3A_822 = tpu.memref_slice %arg4[%dma_start3A_819, %dma_start3A_820, %dma_start3A_821] : memref<2x32x1024xf32, #tpu.memory_space<vmem>> -> memref<1x32x1024xf32, #tpu.memory_space<vmem>>
    %dma_start3A_823 = tpu.memref_squeeze %dma_start3A_822 : memref<1x32x1024xf32, #tpu.memory_space<vmem>> -> memref<32x1024xf32, #tpu.memory_space<vmem>>
    %dma_start3A_824 = arith.constant 0 : i32
    %dma_start3A_825 = tpu.memref_slice %arg2[%add3A_818, %dma_start3A_824] : memref<8192x1024xf32, #tpu.memory_space<hbm>> -> memref<32x1024xf32, #tpu.memory_space<hbm>>
    %dma_start3A_826 = arith.constant 0 : i32
    %dma_start3A_827 = arith.constant 0 : i32
    %dma_start3A_828 = tpu.memref_slice %arg4[%dma_start3A_819, %dma_start3A_826, %dma_start3A_827] : memref<2x32x1024xf32, #tpu.memory_space<vmem>> -> memref<1x32x1024xf32, #tpu.memory_space<vmem>>
    %dma_start3A_829 = tpu.memref_squeeze %dma_start3A_828 : memref<1x32x1024xf32, #tpu.memory_space<vmem>> -> memref<32x1024xf32, #tpu.memory_space<vmem>>
    %dma_start3A_830 = arith.constant 0 : i32
    %dma_start3A_831 = tpu.memref_slice %arg2[%add3A_818, %dma_start3A_830] : memref<8192x1024xf32, #tpu.memory_space<hbm>> -> memref<32x1024xf32, #tpu.memory_space<hbm>>
    tpu.enqueue_dma source(%dma_start3A_831 : memref<32x1024xf32, #tpu.memory_space<hbm>>) target(%dma_start3A_829 : memref<32x1024xf32, #tpu.memory_space<vmem>>) target_semaphore(%arg5 : memref<!tpu.dma_semaphore, #tpu.memory_space<semaphore_mem>>)
    %add3A_832 = arith.constant 160 : i32
    %add3A_833 = arith.addi %mul3A_2, %add3A_832 : i32
    %dma_start3A_834 = arith.constant 1 : i32
    %dma_start3A_835 = arith.constant 0 : i32
    %dma_start3A_836 = arith.constant 0 : i32
    %dma_start3A_837 = arith.constant 0 : i32
    %dma_start3A_838 = tpu.memref_slice %arg4[%dma_start3A_834, %dma_start3A_836, %dma_start3A_837] : memref<2x32x1024xf32, #tpu.memory_space<vmem>> -> memref<1x32x1024xf32, #tpu.memory_space<vmem>>
    %dma_start3A_839 = tpu.memref_squeeze %dma_start3A_838 : memref<1x32x1024xf32, #tpu.memory_space<vmem>> -> memref<32x1024xf32, #tpu.memory_space<vmem>>
    %dma_start3A_840 = arith.constant 0 : i32
    %dma_start3A_841 = tpu.memref_slice %arg3[%dma_start3A_835, %add3A_833, %dma_start3A_840] : memref<4x8192x1024xf32, #tpu.memory_space<hbm>> -> memref<1x32x1024xf32, #tpu.memory_space<hbm>>
    %dma_start3A_842 = tpu.memref_squeeze %dma_start3A_841 : memref<1x32x1024xf32, #tpu.memory_space<hbm>> -> memref<32x1024xf32, #tpu.memory_space<hbm>>
    %dma_start3A_843 = arith.constant 0 : i32
    %dma_start3A_844 = tpu.memref_slice %arg3[%dma_start3A_835, %add3A_833, %dma_start3A_843] : memref<4x8192x1024xf32, #tpu.memory_space<hbm>> -> memref<1x32x1024xf32, #tpu.memory_space<hbm>>
    %dma_start3A_845 = tpu.memref_squeeze %dma_start3A_844 : memref<1x32x1024xf32, #tpu.memory_space<hbm>> -> memref<32x1024xf32, #tpu.memory_space<hbm>>
    %dma_start3A_846 = arith.constant 0 : i32
    %dma_start3A_847 = arith.constant 0 : i32
    %dma_start3A_848 = tpu.memref_slice %arg4[%dma_start3A_834, %dma_start3A_846, %dma_start3A_847] : memref<2x32x1024xf32, #tpu.memory_space<vmem>> -> memref<1x32x1024xf32, #tpu.memory_space<vmem>>
    %dma_start3A_849 = tpu.memref_squeeze %dma_start3A_848 : memref<1x32x1024xf32, #tpu.memory_space<vmem>> -> memref<32x1024xf32, #tpu.memory_space<vmem>>
    tpu.enqueue_dma source(%dma_start3A_849 : memref<32x1024xf32, #tpu.memory_space<vmem>>) target(%dma_start3A_845 : memref<32x1024xf32, #tpu.memory_space<hbm>>) target_semaphore(%arg8 : memref<!tpu.dma_semaphore, #tpu.memory_space<semaphore_mem>>)
    %dma_start3A_850 = arith.constant 1 : i32
    %dma_start3A_851 = arith.constant 1 : i32
    %dma_start3A_852 = arith.constant 0 : i32
    %dma_start3A_853 = arith.constant 0 : i32
    %dma_start3A_854 = tpu.memref_slice %arg4[%dma_start3A_850, %dma_start3A_852, %dma_start3A_853] : memref<2x32x1024xf32, #tpu.memory_space<vmem>> -> memref<1x32x1024xf32, #tpu.memory_space<vmem>>
    %dma_start3A_855 = tpu.memref_squeeze %dma_start3A_854 : memref<1x32x1024xf32, #tpu.memory_space<vmem>> -> memref<32x1024xf32, #tpu.memory_space<vmem>>
    %dma_start3A_856 = arith.constant 0 : i32
    %dma_start3A_857 = tpu.memref_slice %arg3[%dma_start3A_851, %add3A_833, %dma_start3A_856] : memref<4x8192x1024xf32, #tpu.memory_space<hbm>> -> memref<1x32x1024xf32, #tpu.memory_space<hbm>>
    %dma_start3A_858 = tpu.memref_squeeze %dma_start3A_857 : memref<1x32x1024xf32, #tpu.memory_space<hbm>> -> memref<32x1024xf32, #tpu.memory_space<hbm>>
    %dma_start3A_859 = arith.constant 0 : i32
    %dma_start3A_860 = tpu.memref_slice %arg3[%dma_start3A_851, %add3A_833, %dma_start3A_859] : memref<4x8192x1024xf32, #tpu.memory_space<hbm>> -> memref<1x32x1024xf32, #tpu.memory_space<hbm>>
    %dma_start3A_861 = tpu.memref_squeeze %dma_start3A_860 : memref<1x32x1024xf32, #tpu.memory_space<hbm>> -> memref<32x1024xf32, #tpu.memory_space<hbm>>
    %dma_start3A_862 = arith.constant 0 : i32
    %dma_start3A_863 = arith.constant 0 : i32
    %dma_start3A_864 = tpu.memref_slice %arg4[%dma_start3A_850, %dma_start3A_862, %dma_start3A_863] : memref<2x32x1024xf32, #tpu.memory_space<vmem>> -> memref<1x32x1024xf32, #tpu.memory_space<vmem>>
    %dma_start3A_865 = tpu.memref_squeeze %dma_start3A_864 : memref<1x32x1024xf32, #tpu.memory_space<vmem>> -> memref<32x1024xf32, #tpu.memory_space<vmem>>
    tpu.enqueue_dma source(%dma_start3A_865 : memref<32x1024xf32, #tpu.memory_space<vmem>>) target(%dma_start3A_861 : memref<32x1024xf32, #tpu.memory_space<hbm>>) target_semaphore(%arg8 : memref<!tpu.dma_semaphore, #tpu.memory_space<semaphore_mem>>)
    %dma_start3A_866 = arith.constant 1 : i32
    %dma_start3A_867 = arith.constant 2 : i32
    %dma_start3A_868 = arith.constant 0 : i32
    %dma_start3A_869 = arith.constant 0 : i32
    %dma_start3A_870 = tpu.memref_slice %arg4[%dma_start3A_866, %dma_start3A_868, %dma_start3A_869] : memref<2x32x1024xf32, #tpu.memory_space<vmem>> -> memref<1x32x1024xf32, #tpu.memory_space<vmem>>
    %dma_start3A_871 = tpu.memref_squeeze %dma_start3A_870 : memref<1x32x1024xf32, #tpu.memory_space<vmem>> -> memref<32x1024xf32, #tpu.memory_space<vmem>>
    %dma_start3A_872 = arith.constant 0 : i32
    %dma_start3A_873 = tpu.memref_slice %arg3[%dma_start3A_867, %add3A_833, %dma_start3A_872] : memref<4x8192x1024xf32, #tpu.memory_space<hbm>> -> memref<1x32x1024xf32, #tpu.memory_space<hbm>>
    %dma_start3A_874 = tpu.memref_squeeze %dma_start3A_873 : memref<1x32x1024xf32, #tpu.memory_space<hbm>> -> memref<32x1024xf32, #tpu.memory_space<hbm>>
    %dma_start3A_875 = arith.constant 0 : i32
    %dma_start3A_876 = tpu.memref_slice %arg3[%dma_start3A_867, %add3A_833, %dma_start3A_875] : memref<4x8192x1024xf32, #tpu.memory_space<hbm>> -> memref<1x32x1024xf32, #tpu.memory_space<hbm>>
    %dma_start3A_877 = tpu.memref_squeeze %dma_start3A_876 : memref<1x32x1024xf32, #tpu.memory_space<hbm>> -> memref<32x1024xf32, #tpu.memory_space<hbm>>
    %dma_start3A_878 = arith.constant 0 : i32
    %dma_start3A_879 = arith.constant 0 : i32
    %dma_start3A_880 = tpu.memref_slice %arg4[%dma_start3A_866, %dma_start3A_878, %dma_start3A_879] : memref<2x32x1024xf32, #tpu.memory_space<vmem>> -> memref<1x32x1024xf32, #tpu.memory_space<vmem>>
    %dma_start3A_881 = tpu.memref_squeeze %dma_start3A_880 : memref<1x32x1024xf32, #tpu.memory_space<vmem>> -> memref<32x1024xf32, #tpu.memory_space<vmem>>
    tpu.enqueue_dma source(%dma_start3A_881 : memref<32x1024xf32, #tpu.memory_space<vmem>>) target(%dma_start3A_877 : memref<32x1024xf32, #tpu.memory_space<hbm>>) target_semaphore(%arg8 : memref<!tpu.dma_semaphore, #tpu.memory_space<semaphore_mem>>)
    %dma_start3A_882 = arith.constant 1 : i32
    %dma_start3A_883 = arith.constant 3 : i32
    %dma_start3A_884 = arith.constant 0 : i32
    %dma_start3A_885 = arith.constant 0 : i32
    %dma_start3A_886 = tpu.memref_slice %arg4[%dma_start3A_882, %dma_start3A_884, %dma_start3A_885] : memref<2x32x1024xf32, #tpu.memory_space<vmem>> -> memref<1x32x1024xf32, #tpu.memory_space<vmem>>
    %dma_start3A_887 = tpu.memref_squeeze %dma_start3A_886 : memref<1x32x1024xf32, #tpu.memory_space<vmem>> -> memref<32x1024xf32, #tpu.memory_space<vmem>>
    %dma_start3A_888 = arith.constant 0 : i32
    %dma_start3A_889 = tpu.memref_slice %arg3[%dma_start3A_883, %add3A_833, %dma_start3A_888] : memref<4x8192x1024xf32, #tpu.memory_space<hbm>> -> memref<1x32x1024xf32, #tpu.memory_space<hbm>>
    %dma_start3A_890 = tpu.memref_squeeze %dma_start3A_889 : memref<1x32x1024xf32, #tpu.memory_space<hbm>> -> memref<32x1024xf32, #tpu.memory_space<hbm>>
    %dma_start3A_891 = arith.constant 0 : i32
    %dma_start3A_892 = tpu.memref_slice %arg3[%dma_start3A_883, %add3A_833, %dma_start3A_891] : memref<4x8192x1024xf32, #tpu.memory_space<hbm>> -> memref<1x32x1024xf32, #tpu.memory_space<hbm>>
    %dma_start3A_893 = tpu.memref_squeeze %dma_start3A_892 : memref<1x32x1024xf32, #tpu.memory_space<hbm>> -> memref<32x1024xf32, #tpu.memory_space<hbm>>
    %dma_start3A_894 = arith.constant 0 : i32
    %dma_start3A_895 = arith.constant 0 : i32
    %dma_start3A_896 = tpu.memref_slice %arg4[%dma_start3A_882, %dma_start3A_894, %dma_start3A_895] : memref<2x32x1024xf32, #tpu.memory_space<vmem>> -> memref<1x32x1024xf32, #tpu.memory_space<vmem>>
    %dma_start3A_897 = tpu.memref_squeeze %dma_start3A_896 : memref<1x32x1024xf32, #tpu.memory_space<vmem>> -> memref<32x1024xf32, #tpu.memory_space<vmem>>
    tpu.enqueue_dma source(%dma_start3A_897 : memref<32x1024xf32, #tpu.memory_space<vmem>>) target(%dma_start3A_893 : memref<32x1024xf32, #tpu.memory_space<hbm>>) target_semaphore(%arg8 : memref<!tpu.dma_semaphore, #tpu.memory_space<semaphore_mem>>)
    %dma_wait3A_898 = arith.constant 0 : i32
    %dma_wait3A_899 = arith.constant 0 : i32
    %dma_wait3A_900 = arith.constant 0 : i32
    %dma_wait3A_901 = tpu.memref_slice %arg4[%dma_wait3A_898, %dma_wait3A_899, %dma_wait3A_900] : memref<2x32x1024xf32, #tpu.memory_space<vmem>> -> memref<1x32x1024xf32, #tpu.memory_space<vmem>>
    %dma_wait3A_902 = tpu.memref_squeeze %dma_wait3A_901 : memref<1x32x1024xf32, #tpu.memory_space<vmem>> -> memref<32x1024xf32, #tpu.memory_space<vmem>>
    %dma_wait3A_903 = arith.constant 0 : i32
    %dma_wait3A_904 = tpu.memref_slice %arg2[%add3A_818, %dma_wait3A_903] : memref<8192x1024xf32, #tpu.memory_space<hbm>> -> memref<32x1024xf32, #tpu.memory_space<hbm>>
    %dma_wait3A_905 = arith.constant 0 : i32
    %dma_wait3A_906 = arith.constant 0 : i32
    %dma_wait3A_907 = tpu.memref_slice %arg4[%dma_wait3A_898, %dma_wait3A_905, %dma_wait3A_906] : memref<2x32x1024xf32, #tpu.memory_space<vmem>> -> memref<1x32x1024xf32, #tpu.memory_space<vmem>>
    %dma_wait3A_908 = tpu.memref_squeeze %dma_wait3A_907 : memref<1x32x1024xf32, #tpu.memory_space<vmem>> -> memref<32x1024xf32, #tpu.memory_space<vmem>>
    %dma_wait3A_909 = arith.constant 0 : i32
    %dma_wait3A_910 = tpu.memref_slice %arg2[%add3A_818, %dma_wait3A_909] : memref<8192x1024xf32, #tpu.memory_space<hbm>> -> memref<32x1024xf32, #tpu.memory_space<hbm>>
    tpu.wait_dma2 semaphore(%arg5 : memref<!tpu.dma_semaphore, #tpu.memory_space<semaphore_mem>>) src(%dma_wait3A_910 : memref<32x1024xf32, #tpu.memory_space<hbm>>) dst(%dma_wait3A_908 : memref<32x1024xf32, #tpu.memory_space<vmem>>)
    %dma_wait3A_911 = arith.constant 1 : i32
    %dma_wait3A_912 = arith.constant 0 : i32
    %dma_wait3A_913 = arith.constant 0 : i32
    %dma_wait3A_914 = arith.constant 0 : i32
    %dma_wait3A_915 = tpu.memref_slice %arg4[%dma_wait3A_911, %dma_wait3A_913, %dma_wait3A_914] : memref<2x32x1024xf32, #tpu.memory_space<vmem>> -> memref<1x32x1024xf32, #tpu.memory_space<vmem>>
    %dma_wait3A_916 = tpu.memref_squeeze %dma_wait3A_915 : memref<1x32x1024xf32, #tpu.memory_space<vmem>> -> memref<32x1024xf32, #tpu.memory_space<vmem>>
    %dma_wait3A_917 = arith.constant 0 : i32
    %dma_wait3A_918 = tpu.memref_slice %arg3[%dma_wait3A_912, %add3A_833, %dma_wait3A_917] : memref<4x8192x1024xf32, #tpu.memory_space<hbm>> -> memref<1x32x1024xf32, #tpu.memory_space<hbm>>
    %dma_wait3A_919 = tpu.memref_squeeze %dma_wait3A_918 : memref<1x32x1024xf32, #tpu.memory_space<hbm>> -> memref<32x1024xf32, #tpu.memory_space<hbm>>
    %dma_wait3A_920 = arith.constant 0 : i32
    %dma_wait3A_921 = tpu.memref_slice %arg3[%dma_wait3A_912, %add3A_833, %dma_wait3A_920] : memref<4x8192x1024xf32, #tpu.memory_space<hbm>> -> memref<1x32x1024xf32, #tpu.memory_space<hbm>>
    %dma_wait3A_922 = tpu.memref_squeeze %dma_wait3A_921 : memref<1x32x1024xf32, #tpu.memory_space<hbm>> -> memref<32x1024xf32, #tpu.memory_space<hbm>>
    %dma_wait3A_923 = arith.constant 0 : i32
    %dma_wait3A_924 = arith.constant 0 : i32
    %dma_wait3A_925 = tpu.memref_slice %arg4[%dma_wait3A_911, %dma_wait3A_923, %dma_wait3A_924] : memref<2x32x1024xf32, #tpu.memory_space<vmem>> -> memref<1x32x1024xf32, #tpu.memory_space<vmem>>
    %dma_wait3A_926 = tpu.memref_squeeze %dma_wait3A_925 : memref<1x32x1024xf32, #tpu.memory_space<vmem>> -> memref<32x1024xf32, #tpu.memory_space<vmem>>
    tpu.wait_dma2 semaphore(%arg8 : memref<!tpu.dma_semaphore, #tpu.memory_space<semaphore_mem>>) src(%dma_wait3A_926 : memref<32x1024xf32, #tpu.memory_space<vmem>>) dst(%dma_wait3A_922 : memref<32x1024xf32, #tpu.memory_space<hbm>>)
    %dma_wait3A_927 = arith.constant 1 : i32
    %dma_wait3A_928 = arith.constant 1 : i32
    %dma_wait3A_929 = arith.constant 0 : i32
    %dma_wait3A_930 = arith.constant 0 : i32
    %dma_wait3A_931 = tpu.memref_slice %arg4[%dma_wait3A_927, %dma_wait3A_929, %dma_wait3A_930] : memref<2x32x1024xf32, #tpu.memory_space<vmem>> -> memref<1x32x1024xf32, #tpu.memory_space<vmem>>
    %dma_wait3A_932 = tpu.memref_squeeze %dma_wait3A_931 : memref<1x32x1024xf32, #tpu.memory_space<vmem>> -> memref<32x1024xf32, #tpu.memory_space<vmem>>
    %dma_wait3A_933 = arith.constant 0 : i32
    %dma_wait3A_934 = tpu.memref_slice %arg3[%dma_wait3A_928, %add3A_833, %dma_wait3A_933] : memref<4x8192x1024xf32, #tpu.memory_space<hbm>> -> memref<1x32x1024xf32, #tpu.memory_space<hbm>>
    %dma_wait3A_935 = tpu.memref_squeeze %dma_wait3A_934 : memref<1x32x1024xf32, #tpu.memory_space<hbm>> -> memref<32x1024xf32, #tpu.memory_space<hbm>>
    %dma_wait3A_936 = arith.constant 0 : i32
    %dma_wait3A_937 = tpu.memref_slice %arg3[%dma_wait3A_928, %add3A_833, %dma_wait3A_936] : memref<4x8192x1024xf32, #tpu.memory_space<hbm>> -> memref<1x32x1024xf32, #tpu.memory_space<hbm>>
    %dma_wait3A_938 = tpu.memref_squeeze %dma_wait3A_937 : memref<1x32x1024xf32, #tpu.memory_space<hbm>> -> memref<32x1024xf32, #tpu.memory_space<hbm>>
    %dma_wait3A_939 = arith.constant 0 : i32
    %dma_wait3A_940 = arith.constant 0 : i32
    %dma_wait3A_941 = tpu.memref_slice %arg4[%dma_wait3A_927, %dma_wait3A_939, %dma_wait3A_940] : memref<2x32x1024xf32, #tpu.memory_space<vmem>> -> memref<1x32x1024xf32, #tpu.memory_space<vmem>>
    %dma_wait3A_942 = tpu.memref_squeeze %dma_wait3A_941 : memref<1x32x1024xf32, #tpu.memory_space<vmem>> -> memref<32x1024xf32, #tpu.memory_space<vmem>>
    tpu.wait_dma2 semaphore(%arg8 : memref<!tpu.dma_semaphore, #tpu.memory_space<semaphore_mem>>) src(%dma_wait3A_942 : memref<32x1024xf32, #tpu.memory_space<vmem>>) dst(%dma_wait3A_938 : memref<32x1024xf32, #tpu.memory_space<hbm>>)
    %dma_wait3A_943 = arith.constant 1 : i32
    %dma_wait3A_944 = arith.constant 2 : i32
    %dma_wait3A_945 = arith.constant 0 : i32
    %dma_wait3A_946 = arith.constant 0 : i32
    %dma_wait3A_947 = tpu.memref_slice %arg4[%dma_wait3A_943, %dma_wait3A_945, %dma_wait3A_946] : memref<2x32x1024xf32, #tpu.memory_space<vmem>> -> memref<1x32x1024xf32, #tpu.memory_space<vmem>>
    %dma_wait3A_948 = tpu.memref_squeeze %dma_wait3A_947 : memref<1x32x1024xf32, #tpu.memory_space<vmem>> -> memref<32x1024xf32, #tpu.memory_space<vmem>>
    %dma_wait3A_949 = arith.constant 0 : i32
    %dma_wait3A_950 = tpu.memref_slice %arg3[%dma_wait3A_944, %add3A_833, %dma_wait3A_949] : memref<4x8192x1024xf32, #tpu.memory_space<hbm>> -> memref<1x32x1024xf32, #tpu.memory_space<hbm>>
    %dma_wait3A_951 = tpu.memref_squeeze %dma_wait3A_950 : memref<1x32x1024xf32, #tpu.memory_space<hbm>> -> memref<32x1024xf32, #tpu.memory_space<hbm>>
    %dma_wait3A_952 = arith.constant 0 : i32
    %dma_wait3A_953 = tpu.memref_slice %arg3[%dma_wait3A_944, %add3A_833, %dma_wait3A_952] : memref<4x8192x1024xf32, #tpu.memory_space<hbm>> -> memref<1x32x1024xf32, #tpu.memory_space<hbm>>
    %dma_wait3A_954 = tpu.memref_squeeze %dma_wait3A_953 : memref<1x32x1024xf32, #tpu.memory_space<hbm>> -> memref<32x1024xf32, #tpu.memory_space<hbm>>
    %dma_wait3A_955 = arith.constant 0 : i32
    %dma_wait3A_956 = arith.constant 0 : i32
    %dma_wait3A_957 = tpu.memref_slice %arg4[%dma_wait3A_943, %dma_wait3A_955, %dma_wait3A_956] : memref<2x32x1024xf32, #tpu.memory_space<vmem>> -> memref<1x32x1024xf32, #tpu.memory_space<vmem>>
    %dma_wait3A_958 = tpu.memref_squeeze %dma_wait3A_957 : memref<1x32x1024xf32, #tpu.memory_space<vmem>> -> memref<32x1024xf32, #tpu.memory_space<vmem>>
    tpu.wait_dma2 semaphore(%arg8 : memref<!tpu.dma_semaphore, #tpu.memory_space<semaphore_mem>>) src(%dma_wait3A_958 : memref<32x1024xf32, #tpu.memory_space<vmem>>) dst(%dma_wait3A_954 : memref<32x1024xf32, #tpu.memory_space<hbm>>)
    %dma_wait3A_959 = arith.constant 1 : i32
    %dma_wait3A_960 = arith.constant 3 : i32
    %dma_wait3A_961 = arith.constant 0 : i32
    %dma_wait3A_962 = arith.constant 0 : i32
    %dma_wait3A_963 = tpu.memref_slice %arg4[%dma_wait3A_959, %dma_wait3A_961, %dma_wait3A_962] : memref<2x32x1024xf32, #tpu.memory_space<vmem>> -> memref<1x32x1024xf32, #tpu.memory_space<vmem>>
    %dma_wait3A_964 = tpu.memref_squeeze %dma_wait3A_963 : memref<1x32x1024xf32, #tpu.memory_space<vmem>> -> memref<32x1024xf32, #tpu.memory_space<vmem>>
    %dma_wait3A_965 = arith.constant 0 : i32
    %dma_wait3A_966 = tpu.memref_slice %arg3[%dma_wait3A_960, %add3A_833, %dma_wait3A_965] : memref<4x8192x1024xf32, #tpu.memory_space<hbm>> -> memref<1x32x1024xf32, #tpu.memory_space<hbm>>
    %dma_wait3A_967 = tpu.memref_squeeze %dma_wait3A_966 : memref<1x32x1024xf32, #tpu.memory_space<hbm>> -> memref<32x1024xf32, #tpu.memory_space<hbm>>
    %dma_wait3A_968 = arith.constant 0 : i32
    %dma_wait3A_969 = tpu.memref_slice %arg3[%dma_wait3A_960, %add3A_833, %dma_wait3A_968] : memref<4x8192x1024xf32, #tpu.memory_space<hbm>> -> memref<1x32x1024xf32, #tpu.memory_space<hbm>>
    %dma_wait3A_970 = tpu.memref_squeeze %dma_wait3A_969 : memref<1x32x1024xf32, #tpu.memory_space<hbm>> -> memref<32x1024xf32, #tpu.memory_space<hbm>>
    %dma_wait3A_971 = arith.constant 0 : i32
    %dma_wait3A_972 = arith.constant 0 : i32
    %dma_wait3A_973 = tpu.memref_slice %arg4[%dma_wait3A_959, %dma_wait3A_971, %dma_wait3A_972] : memref<2x32x1024xf32, #tpu.memory_space<vmem>> -> memref<1x32x1024xf32, #tpu.memory_space<vmem>>
    %dma_wait3A_974 = tpu.memref_squeeze %dma_wait3A_973 : memref<1x32x1024xf32, #tpu.memory_space<vmem>> -> memref<32x1024xf32, #tpu.memory_space<vmem>>
    tpu.wait_dma2 semaphore(%arg8 : memref<!tpu.dma_semaphore, #tpu.memory_space<semaphore_mem>>) src(%dma_wait3A_974 : memref<32x1024xf32, #tpu.memory_space<vmem>>) dst(%dma_wait3A_970 : memref<32x1024xf32, #tpu.memory_space<hbm>>)
    %add3A_975 = arith.constant 224 : i32
    %add3A_976 = arith.addi %mul3A_2, %add3A_975 : i32
    %dma_start3A_977 = arith.constant 1 : i32
    %dma_start3A_978 = arith.constant 0 : i32
    %dma_start3A_979 = arith.constant 0 : i32
    %dma_start3A_980 = tpu.memref_slice %arg4[%dma_start3A_977, %dma_start3A_978, %dma_start3A_979] : memref<2x32x1024xf32, #tpu.memory_space<vmem>> -> memref<1x32x1024xf32, #tpu.memory_space<vmem>>
    %dma_start3A_981 = tpu.memref_squeeze %dma_start3A_980 : memref<1x32x1024xf32, #tpu.memory_space<vmem>> -> memref<32x1024xf32, #tpu.memory_space<vmem>>
    %dma_start3A_982 = arith.constant 0 : i32
    %dma_start3A_983 = tpu.memref_slice %arg2[%add3A_976, %dma_start3A_982] : memref<8192x1024xf32, #tpu.memory_space<hbm>> -> memref<32x1024xf32, #tpu.memory_space<hbm>>
    %dma_start3A_984 = arith.constant 0 : i32
    %dma_start3A_985 = arith.constant 0 : i32
    %dma_start3A_986 = tpu.memref_slice %arg4[%dma_start3A_977, %dma_start3A_984, %dma_start3A_985] : memref<2x32x1024xf32, #tpu.memory_space<vmem>> -> memref<1x32x1024xf32, #tpu.memory_space<vmem>>
    %dma_start3A_987 = tpu.memref_squeeze %dma_start3A_986 : memref<1x32x1024xf32, #tpu.memory_space<vmem>> -> memref<32x1024xf32, #tpu.memory_space<vmem>>
    %dma_start3A_988 = arith.constant 0 : i32
    %dma_start3A_989 = tpu.memref_slice %arg2[%add3A_976, %dma_start3A_988] : memref<8192x1024xf32, #tpu.memory_space<hbm>> -> memref<32x1024xf32, #tpu.memory_space<hbm>>
    tpu.enqueue_dma source(%dma_start3A_989 : memref<32x1024xf32, #tpu.memory_space<hbm>>) target(%dma_start3A_987 : memref<32x1024xf32, #tpu.memory_space<vmem>>) target_semaphore(%arg6 : memref<!tpu.dma_semaphore, #tpu.memory_space<semaphore_mem>>)
    %add3A_990 = arith.constant 192 : i32
    %add3A_991 = arith.addi %mul3A_2, %add3A_990 : i32
    %dma_start3A_992 = arith.constant 0 : i32
    %dma_start3A_993 = arith.constant 0 : i32
    %dma_start3A_994 = arith.constant 0 : i32
    %dma_start3A_995 = arith.constant 0 : i32
    %dma_start3A_996 = tpu.memref_slice %arg4[%dma_start3A_992, %dma_start3A_994, %dma_start3A_995] : memref<2x32x1024xf32, #tpu.memory_space<vmem>> -> memref<1x32x1024xf32, #tpu.memory_space<vmem>>
    %dma_start3A_997 = tpu.memref_squeeze %dma_start3A_996 : memref<1x32x1024xf32, #tpu.memory_space<vmem>> -> memref<32x1024xf32, #tpu.memory_space<vmem>>
    %dma_start3A_998 = arith.constant 0 : i32
    %dma_start3A_999 = tpu.memref_slice %arg3[%dma_start3A_993, %add3A_991, %dma_start3A_998] : memref<4x8192x1024xf32, #tpu.memory_space<hbm>> -> memref<1x32x1024xf32, #tpu.memory_space<hbm>>
    %dma_start3A_1000 = tpu.memref_squeeze %dma_start3A_999 : memref<1x32x1024xf32, #tpu.memory_space<hbm>> -> memref<32x1024xf32, #tpu.memory_space<hbm>>
    %dma_start3A_1001 = arith.constant 0 : i32
    %dma_start3A_1002 = tpu.memref_slice %arg3[%dma_start3A_993, %add3A_991, %dma_start3A_1001] : memref<4x8192x1024xf32, #tpu.memory_space<hbm>> -> memref<1x32x1024xf32, #tpu.memory_space<hbm>>
    %dma_start3A_1003 = tpu.memref_squeeze %dma_start3A_1002 : memref<1x32x1024xf32, #tpu.memory_space<hbm>> -> memref<32x1024xf32, #tpu.memory_space<hbm>>
    %dma_start3A_1004 = arith.constant 0 : i32
    %dma_start3A_1005 = arith.constant 0 : i32
    %dma_start3A_1006 = tpu.memref_slice %arg4[%dma_start3A_992, %dma_start3A_1004, %dma_start3A_1005] : memref<2x32x1024xf32, #tpu.memory_space<vmem>> -> memref<1x32x1024xf32, #tpu.memory_space<vmem>>
    %dma_start3A_1007 = tpu.memref_squeeze %dma_start3A_1006 : memref<1x32x1024xf32, #tpu.memory_space<vmem>> -> memref<32x1024xf32, #tpu.memory_space<vmem>>
    tpu.enqueue_dma source(%dma_start3A_1007 : memref<32x1024xf32, #tpu.memory_space<vmem>>) target(%dma_start3A_1003 : memref<32x1024xf32, #tpu.memory_space<hbm>>) target_semaphore(%arg7 : memref<!tpu.dma_semaphore, #tpu.memory_space<semaphore_mem>>)
    %dma_start3A_1008 = arith.constant 0 : i32
    %dma_start3A_1009 = arith.constant 1 : i32
    %dma_start3A_1010 = arith.constant 0 : i32
    %dma_start3A_1011 = arith.constant 0 : i32
    %dma_start3A_1012 = tpu.memref_slice %arg4[%dma_start3A_1008, %dma_start3A_1010, %dma_start3A_1011] : memref<2x32x1024xf32, #tpu.memory_space<vmem>> -> memref<1x32x1024xf32, #tpu.memory_space<vmem>>
    %dma_start3A_1013 = tpu.memref_squeeze %dma_start3A_1012 : memref<1x32x1024xf32, #tpu.memory_space<vmem>> -> memref<32x1024xf32, #tpu.memory_space<vmem>>
    %dma_start3A_1014 = arith.constant 0 : i32
    %dma_start3A_1015 = tpu.memref_slice %arg3[%dma_start3A_1009, %add3A_991, %dma_start3A_1014] : memref<4x8192x1024xf32, #tpu.memory_space<hbm>> -> memref<1x32x1024xf32, #tpu.memory_space<hbm>>
    %dma_start3A_1016 = tpu.memref_squeeze %dma_start3A_1015 : memref<1x32x1024xf32, #tpu.memory_space<hbm>> -> memref<32x1024xf32, #tpu.memory_space<hbm>>
    %dma_start3A_1017 = arith.constant 0 : i32
    %dma_start3A_1018 = tpu.memref_slice %arg3[%dma_start3A_1009, %add3A_991, %dma_start3A_1017] : memref<4x8192x1024xf32, #tpu.memory_space<hbm>> -> memref<1x32x1024xf32, #tpu.memory_space<hbm>>
    %dma_start3A_1019 = tpu.memref_squeeze %dma_start3A_1018 : memref<1x32x1024xf32, #tpu.memory_space<hbm>> -> memref<32x1024xf32, #tpu.memory_space<hbm>>
    %dma_start3A_1020 = arith.constant 0 : i32
    %dma_start3A_1021 = arith.constant 0 : i32
    %dma_start3A_1022 = tpu.memref_slice %arg4[%dma_start3A_1008, %dma_start3A_1020, %dma_start3A_1021] : memref<2x32x1024xf32, #tpu.memory_space<vmem>> -> memref<1x32x1024xf32, #tpu.memory_space<vmem>>
    %dma_start3A_1023 = tpu.memref_squeeze %dma_start3A_1022 : memref<1x32x1024xf32, #tpu.memory_space<vmem>> -> memref<32x1024xf32, #tpu.memory_space<vmem>>
    tpu.enqueue_dma source(%dma_start3A_1023 : memref<32x1024xf32, #tpu.memory_space<vmem>>) target(%dma_start3A_1019 : memref<32x1024xf32, #tpu.memory_space<hbm>>) target_semaphore(%arg7 : memref<!tpu.dma_semaphore, #tpu.memory_space<semaphore_mem>>)
    %dma_start3A_1024 = arith.constant 0 : i32
    %dma_start3A_1025 = arith.constant 2 : i32
    %dma_start3A_1026 = arith.constant 0 : i32
    %dma_start3A_1027 = arith.constant 0 : i32
    %dma_start3A_1028 = tpu.memref_slice %arg4[%dma_start3A_1024, %dma_start3A_1026, %dma_start3A_1027] : memref<2x32x1024xf32, #tpu.memory_space<vmem>> -> memref<1x32x1024xf32, #tpu.memory_space<vmem>>
    %dma_start3A_1029 = tpu.memref_squeeze %dma_start3A_1028 : memref<1x32x1024xf32, #tpu.memory_space<vmem>> -> memref<32x1024xf32, #tpu.memory_space<vmem>>
    %dma_start3A_1030 = arith.constant 0 : i32
    %dma_start3A_1031 = tpu.memref_slice %arg3[%dma_start3A_1025, %add3A_991, %dma_start3A_1030] : memref<4x8192x1024xf32, #tpu.memory_space<hbm>> -> memref<1x32x1024xf32, #tpu.memory_space<hbm>>
    %dma_start3A_1032 = tpu.memref_squeeze %dma_start3A_1031 : memref<1x32x1024xf32, #tpu.memory_space<hbm>> -> memref<32x1024xf32, #tpu.memory_space<hbm>>
    %dma_start3A_1033 = arith.constant 0 : i32
    %dma_start3A_1034 = tpu.memref_slice %arg3[%dma_start3A_1025, %add3A_991, %dma_start3A_1033] : memref<4x8192x1024xf32, #tpu.memory_space<hbm>> -> memref<1x32x1024xf32, #tpu.memory_space<hbm>>
    %dma_start3A_1035 = tpu.memref_squeeze %dma_start3A_1034 : memref<1x32x1024xf32, #tpu.memory_space<hbm>> -> memref<32x1024xf32, #tpu.memory_space<hbm>>
    %dma_start3A_1036 = arith.constant 0 : i32
    %dma_start3A_1037 = arith.constant 0 : i32
    %dma_start3A_1038 = tpu.memref_slice %arg4[%dma_start3A_1024, %dma_start3A_1036, %dma_start3A_1037] : memref<2x32x1024xf32, #tpu.memory_space<vmem>> -> memref<1x32x1024xf32, #tpu.memory_space<vmem>>
    %dma_start3A_1039 = tpu.memref_squeeze %dma_start3A_1038 : memref<1x32x1024xf32, #tpu.memory_space<vmem>> -> memref<32x1024xf32, #tpu.memory_space<vmem>>
    tpu.enqueue_dma source(%dma_start3A_1039 : memref<32x1024xf32, #tpu.memory_space<vmem>>) target(%dma_start3A_1035 : memref<32x1024xf32, #tpu.memory_space<hbm>>) target_semaphore(%arg7 : memref<!tpu.dma_semaphore, #tpu.memory_space<semaphore_mem>>)
    %dma_start3A_1040 = arith.constant 0 : i32
    %dma_start3A_1041 = arith.constant 3 : i32
    %dma_start3A_1042 = arith.constant 0 : i32
    %dma_start3A_1043 = arith.constant 0 : i32
    %dma_start3A_1044 = tpu.memref_slice %arg4[%dma_start3A_1040, %dma_start3A_1042, %dma_start3A_1043] : memref<2x32x1024xf32, #tpu.memory_space<vmem>> -> memref<1x32x1024xf32, #tpu.memory_space<vmem>>
    %dma_start3A_1045 = tpu.memref_squeeze %dma_start3A_1044 : memref<1x32x1024xf32, #tpu.memory_space<vmem>> -> memref<32x1024xf32, #tpu.memory_space<vmem>>
    %dma_start3A_1046 = arith.constant 0 : i32
    %dma_start3A_1047 = tpu.memref_slice %arg3[%dma_start3A_1041, %add3A_991, %dma_start3A_1046] : memref<4x8192x1024xf32, #tpu.memory_space<hbm>> -> memref<1x32x1024xf32, #tpu.memory_space<hbm>>
    %dma_start3A_1048 = tpu.memref_squeeze %dma_start3A_1047 : memref<1x32x1024xf32, #tpu.memory_space<hbm>> -> memref<32x1024xf32, #tpu.memory_space<hbm>>
    %dma_start3A_1049 = arith.constant 0 : i32
    %dma_start3A_1050 = tpu.memref_slice %arg3[%dma_start3A_1041, %add3A_991, %dma_start3A_1049] : memref<4x8192x1024xf32, #tpu.memory_space<hbm>> -> memref<1x32x1024xf32, #tpu.memory_space<hbm>>
    %dma_start3A_1051 = tpu.memref_squeeze %dma_start3A_1050 : memref<1x32x1024xf32, #tpu.memory_space<hbm>> -> memref<32x1024xf32, #tpu.memory_space<hbm>>
    %dma_start3A_1052 = arith.constant 0 : i32
    %dma_start3A_1053 = arith.constant 0 : i32
    %dma_start3A_1054 = tpu.memref_slice %arg4[%dma_start3A_1040, %dma_start3A_1052, %dma_start3A_1053] : memref<2x32x1024xf32, #tpu.memory_space<vmem>> -> memref<1x32x1024xf32, #tpu.memory_space<vmem>>
    %dma_start3A_1055 = tpu.memref_squeeze %dma_start3A_1054 : memref<1x32x1024xf32, #tpu.memory_space<vmem>> -> memref<32x1024xf32, #tpu.memory_space<vmem>>
    tpu.enqueue_dma source(%dma_start3A_1055 : memref<32x1024xf32, #tpu.memory_space<vmem>>) target(%dma_start3A_1051 : memref<32x1024xf32, #tpu.memory_space<hbm>>) target_semaphore(%arg7 : memref<!tpu.dma_semaphore, #tpu.memory_space<semaphore_mem>>)
    %dma_wait3A_1056 = arith.constant 1 : i32
    %dma_wait3A_1057 = arith.constant 0 : i32
    %dma_wait3A_1058 = arith.constant 0 : i32
    %dma_wait3A_1059 = tpu.memref_slice %arg4[%dma_wait3A_1056, %dma_wait3A_1057, %dma_wait3A_1058] : memref<2x32x1024xf32, #tpu.memory_space<vmem>> -> memref<1x32x1024xf32, #tpu.memory_space<vmem>>
    %dma_wait3A_1060 = tpu.memref_squeeze %dma_wait3A_1059 : memref<1x32x1024xf32, #tpu.memory_space<vmem>> -> memref<32x1024xf32, #tpu.memory_space<vmem>>
    %dma_wait3A_1061 = arith.constant 0 : i32
    %dma_wait3A_1062 = tpu.memref_slice %arg2[%add3A_976, %dma_wait3A_1061] : memref<8192x1024xf32, #tpu.memory_space<hbm>> -> memref<32x1024xf32, #tpu.memory_space<hbm>>
    %dma_wait3A_1063 = arith.constant 0 : i32
    %dma_wait3A_1064 = arith.constant 0 : i32
    %dma_wait3A_1065 = tpu.memref_slice %arg4[%dma_wait3A_1056, %dma_wait3A_1063, %dma_wait3A_1064] : memref<2x32x1024xf32, #tpu.memory_space<vmem>> -> memref<1x32x1024xf32, #tpu.memory_space<vmem>>
    %dma_wait3A_1066 = tpu.memref_squeeze %dma_wait3A_1065 : memref<1x32x1024xf32, #tpu.memory_space<vmem>> -> memref<32x1024xf32, #tpu.memory_space<vmem>>
    %dma_wait3A_1067 = arith.constant 0 : i32
    %dma_wait3A_1068 = tpu.memref_slice %arg2[%add3A_976, %dma_wait3A_1067] : memref<8192x1024xf32, #tpu.memory_space<hbm>> -> memref<32x1024xf32, #tpu.memory_space<hbm>>
    tpu.wait_dma2 semaphore(%arg6 : memref<!tpu.dma_semaphore, #tpu.memory_space<semaphore_mem>>) src(%dma_wait3A_1068 : memref<32x1024xf32, #tpu.memory_space<hbm>>) dst(%dma_wait3A_1066 : memref<32x1024xf32, #tpu.memory_space<vmem>>)
    %add3A_1069 = arith.constant 224 : i32
    %add3A_1070 = arith.addi %mul3A_2, %add3A_1069 : i32
    %dma_start3A_1071 = arith.constant 1 : i32
    %dma_start3A_1072 = arith.constant 0 : i32
    %dma_start3A_1073 = arith.constant 0 : i32
    %dma_start3A_1074 = arith.constant 0 : i32
    %dma_start3A_1075 = tpu.memref_slice %arg4[%dma_start3A_1071, %dma_start3A_1073, %dma_start3A_1074] : memref<2x32x1024xf32, #tpu.memory_space<vmem>> -> memref<1x32x1024xf32, #tpu.memory_space<vmem>>
    %dma_start3A_1076 = tpu.memref_squeeze %dma_start3A_1075 : memref<1x32x1024xf32, #tpu.memory_space<vmem>> -> memref<32x1024xf32, #tpu.memory_space<vmem>>
    %dma_start3A_1077 = arith.constant 0 : i32
    %dma_start3A_1078 = tpu.memref_slice %arg3[%dma_start3A_1072, %add3A_1070, %dma_start3A_1077] : memref<4x8192x1024xf32, #tpu.memory_space<hbm>> -> memref<1x32x1024xf32, #tpu.memory_space<hbm>>
    %dma_start3A_1079 = tpu.memref_squeeze %dma_start3A_1078 : memref<1x32x1024xf32, #tpu.memory_space<hbm>> -> memref<32x1024xf32, #tpu.memory_space<hbm>>
    %dma_start3A_1080 = arith.constant 0 : i32
    %dma_start3A_1081 = tpu.memref_slice %arg3[%dma_start3A_1072, %add3A_1070, %dma_start3A_1080] : memref<4x8192x1024xf32, #tpu.memory_space<hbm>> -> memref<1x32x1024xf32, #tpu.memory_space<hbm>>
    %dma_start3A_1082 = tpu.memref_squeeze %dma_start3A_1081 : memref<1x32x1024xf32, #tpu.memory_space<hbm>> -> memref<32x1024xf32, #tpu.memory_space<hbm>>
    %dma_start3A_1083 = arith.constant 0 : i32
    %dma_start3A_1084 = arith.constant 0 : i32
    %dma_start3A_1085 = tpu.memref_slice %arg4[%dma_start3A_1071, %dma_start3A_1083, %dma_start3A_1084] : memref<2x32x1024xf32, #tpu.memory_space<vmem>> -> memref<1x32x1024xf32, #tpu.memory_space<vmem>>
    %dma_start3A_1086 = tpu.memref_squeeze %dma_start3A_1085 : memref<1x32x1024xf32, #tpu.memory_space<vmem>> -> memref<32x1024xf32, #tpu.memory_space<vmem>>
    tpu.enqueue_dma source(%dma_start3A_1086 : memref<32x1024xf32, #tpu.memory_space<vmem>>) target(%dma_start3A_1082 : memref<32x1024xf32, #tpu.memory_space<hbm>>) target_semaphore(%arg8 : memref<!tpu.dma_semaphore, #tpu.memory_space<semaphore_mem>>)
    %dma_start3A_1087 = arith.constant 1 : i32
    %dma_start3A_1088 = arith.constant 1 : i32
    %dma_start3A_1089 = arith.constant 0 : i32
    %dma_start3A_1090 = arith.constant 0 : i32
    %dma_start3A_1091 = tpu.memref_slice %arg4[%dma_start3A_1087, %dma_start3A_1089, %dma_start3A_1090] : memref<2x32x1024xf32, #tpu.memory_space<vmem>> -> memref<1x32x1024xf32, #tpu.memory_space<vmem>>
    %dma_start3A_1092 = tpu.memref_squeeze %dma_start3A_1091 : memref<1x32x1024xf32, #tpu.memory_space<vmem>> -> memref<32x1024xf32, #tpu.memory_space<vmem>>
    %dma_start3A_1093 = arith.constant 0 : i32
    %dma_start3A_1094 = tpu.memref_slice %arg3[%dma_start3A_1088, %add3A_1070, %dma_start3A_1093] : memref<4x8192x1024xf32, #tpu.memory_space<hbm>> -> memref<1x32x1024xf32, #tpu.memory_space<hbm>>
    %dma_start3A_1095 = tpu.memref_squeeze %dma_start3A_1094 : memref<1x32x1024xf32, #tpu.memory_space<hbm>> -> memref<32x1024xf32, #tpu.memory_space<hbm>>
    %dma_start3A_1096 = arith.constant 0 : i32
    %dma_start3A_1097 = tpu.memref_slice %arg3[%dma_start3A_1088, %add3A_1070, %dma_start3A_1096] : memref<4x8192x1024xf32, #tpu.memory_space<hbm>> -> memref<1x32x1024xf32, #tpu.memory_space<hbm>>
    %dma_start3A_1098 = tpu.memref_squeeze %dma_start3A_1097 : memref<1x32x1024xf32, #tpu.memory_space<hbm>> -> memref<32x1024xf32, #tpu.memory_space<hbm>>
    %dma_start3A_1099 = arith.constant 0 : i32
    %dma_start3A_1100 = arith.constant 0 : i32
    %dma_start3A_1101 = tpu.memref_slice %arg4[%dma_start3A_1087, %dma_start3A_1099, %dma_start3A_1100] : memref<2x32x1024xf32, #tpu.memory_space<vmem>> -> memref<1x32x1024xf32, #tpu.memory_space<vmem>>
    %dma_start3A_1102 = tpu.memref_squeeze %dma_start3A_1101 : memref<1x32x1024xf32, #tpu.memory_space<vmem>> -> memref<32x1024xf32, #tpu.memory_space<vmem>>
    tpu.enqueue_dma source(%dma_start3A_1102 : memref<32x1024xf32, #tpu.memory_space<vmem>>) target(%dma_start3A_1098 : memref<32x1024xf32, #tpu.memory_space<hbm>>) target_semaphore(%arg8 : memref<!tpu.dma_semaphore, #tpu.memory_space<semaphore_mem>>)
    %dma_start3A_1103 = arith.constant 1 : i32
    %dma_start3A_1104 = arith.constant 2 : i32
    %dma_start3A_1105 = arith.constant 0 : i32
    %dma_start3A_1106 = arith.constant 0 : i32
    %dma_start3A_1107 = tpu.memref_slice %arg4[%dma_start3A_1103, %dma_start3A_1105, %dma_start3A_1106] : memref<2x32x1024xf32, #tpu.memory_space<vmem>> -> memref<1x32x1024xf32, #tpu.memory_space<vmem>>
    %dma_start3A_1108 = tpu.memref_squeeze %dma_start3A_1107 : memref<1x32x1024xf32, #tpu.memory_space<vmem>> -> memref<32x1024xf32, #tpu.memory_space<vmem>>
    %dma_start3A_1109 = arith.constant 0 : i32
    %dma_start3A_1110 = tpu.memref_slice %arg3[%dma_start3A_1104, %add3A_1070, %dma_start3A_1109] : memref<4x8192x1024xf32, #tpu.memory_space<hbm>> -> memref<1x32x1024xf32, #tpu.memory_space<hbm>>
    %dma_start3A_1111 = tpu.memref_squeeze %dma_start3A_1110 : memref<1x32x1024xf32, #tpu.memory_space<hbm>> -> memref<32x1024xf32, #tpu.memory_space<hbm>>
    %dma_start3A_1112 = arith.constant 0 : i32
    %dma_start3A_1113 = tpu.memref_slice %arg3[%dma_start3A_1104, %add3A_1070, %dma_start3A_1112] : memref<4x8192x1024xf32, #tpu.memory_space<hbm>> -> memref<1x32x1024xf32, #tpu.memory_space<hbm>>
    %dma_start3A_1114 = tpu.memref_squeeze %dma_start3A_1113 : memref<1x32x1024xf32, #tpu.memory_space<hbm>> -> memref<32x1024xf32, #tpu.memory_space<hbm>>
    %dma_start3A_1115 = arith.constant 0 : i32
    %dma_start3A_1116 = arith.constant 0 : i32
    %dma_start3A_1117 = tpu.memref_slice %arg4[%dma_start3A_1103, %dma_start3A_1115, %dma_start3A_1116] : memref<2x32x1024xf32, #tpu.memory_space<vmem>> -> memref<1x32x1024xf32, #tpu.memory_space<vmem>>
    %dma_start3A_1118 = tpu.memref_squeeze %dma_start3A_1117 : memref<1x32x1024xf32, #tpu.memory_space<vmem>> -> memref<32x1024xf32, #tpu.memory_space<vmem>>
    tpu.enqueue_dma source(%dma_start3A_1118 : memref<32x1024xf32, #tpu.memory_space<vmem>>) target(%dma_start3A_1114 : memref<32x1024xf32, #tpu.memory_space<hbm>>) target_semaphore(%arg8 : memref<!tpu.dma_semaphore, #tpu.memory_space<semaphore_mem>>)
    %dma_start3A_1119 = arith.constant 1 : i32
    %dma_start3A_1120 = arith.constant 3 : i32
    %dma_start3A_1121 = arith.constant 0 : i32
    %dma_start3A_1122 = arith.constant 0 : i32
    %dma_start3A_1123 = tpu.memref_slice %arg4[%dma_start3A_1119, %dma_start3A_1121, %dma_start3A_1122] : memref<2x32x1024xf32, #tpu.memory_space<vmem>> -> memref<1x32x1024xf32, #tpu.memory_space<vmem>>
    %dma_start3A_1124 = tpu.memref_squeeze %dma_start3A_1123 : memref<1x32x1024xf32, #tpu.memory_space<vmem>> -> memref<32x1024xf32, #tpu.memory_space<vmem>>
    %dma_start3A_1125 = arith.constant 0 : i32
    %dma_start3A_1126 = tpu.memref_slice %arg3[%dma_start3A_1120, %add3A_1070, %dma_start3A_1125] : memref<4x8192x1024xf32, #tpu.memory_space<hbm>> -> memref<1x32x1024xf32, #tpu.memory_space<hbm>>
    %dma_start3A_1127 = tpu.memref_squeeze %dma_start3A_1126 : memref<1x32x1024xf32, #tpu.memory_space<hbm>> -> memref<32x1024xf32, #tpu.memory_space<hbm>>
    %dma_start3A_1128 = arith.constant 0 : i32
    %dma_start3A_1129 = tpu.memref_slice %arg3[%dma_start3A_1120, %add3A_1070, %dma_start3A_1128] : memref<4x8192x1024xf32, #tpu.memory_space<hbm>> -> memref<1x32x1024xf32, #tpu.memory_space<hbm>>
    %dma_start3A_1130 = tpu.memref_squeeze %dma_start3A_1129 : memref<1x32x1024xf32, #tpu.memory_space<hbm>> -> memref<32x1024xf32, #tpu.memory_space<hbm>>
    %dma_start3A_1131 = arith.constant 0 : i32
    %dma_start3A_1132 = arith.constant 0 : i32
    %dma_start3A_1133 = tpu.memref_slice %arg4[%dma_start3A_1119, %dma_start3A_1131, %dma_start3A_1132] : memref<2x32x1024xf32, #tpu.memory_space<vmem>> -> memref<1x32x1024xf32, #tpu.memory_space<vmem>>
    %dma_start3A_1134 = tpu.memref_squeeze %dma_start3A_1133 : memref<1x32x1024xf32, #tpu.memory_space<vmem>> -> memref<32x1024xf32, #tpu.memory_space<vmem>>
    tpu.enqueue_dma source(%dma_start3A_1134 : memref<32x1024xf32, #tpu.memory_space<vmem>>) target(%dma_start3A_1130 : memref<32x1024xf32, #tpu.memory_space<hbm>>) target_semaphore(%arg8 : memref<!tpu.dma_semaphore, #tpu.memory_space<semaphore_mem>>)
    %dma_wait3A_1135 = arith.constant 0 : i32
    %dma_wait3A_1136 = arith.constant 0 : i32
    %dma_wait3A_1137 = arith.constant 0 : i32
    %dma_wait3A_1138 = arith.constant 0 : i32
    %dma_wait3A_1139 = tpu.memref_slice %arg4[%dma_wait3A_1135, %dma_wait3A_1137, %dma_wait3A_1138] : memref<2x32x1024xf32, #tpu.memory_space<vmem>> -> memref<1x32x1024xf32, #tpu.memory_space<vmem>>
    %dma_wait3A_1140 = tpu.memref_squeeze %dma_wait3A_1139 : memref<1x32x1024xf32, #tpu.memory_space<vmem>> -> memref<32x1024xf32, #tpu.memory_space<vmem>>
    %dma_wait3A_1141 = arith.constant 0 : i32
    %dma_wait3A_1142 = tpu.memref_slice %arg3[%dma_wait3A_1136, %add3A_991, %dma_wait3A_1141] : memref<4x8192x1024xf32, #tpu.memory_space<hbm>> -> memref<1x32x1024xf32, #tpu.memory_space<hbm>>
    %dma_wait3A_1143 = tpu.memref_squeeze %dma_wait3A_1142 : memref<1x32x1024xf32, #tpu.memory_space<hbm>> -> memref<32x1024xf32, #tpu.memory_space<hbm>>
    %dma_wait3A_1144 = arith.constant 0 : i32
    %dma_wait3A_1145 = tpu.memref_slice %arg3[%dma_wait3A_1136, %add3A_991, %dma_wait3A_1144] : memref<4x8192x1024xf32, #tpu.memory_space<hbm>> -> memref<1x32x1024xf32, #tpu.memory_space<hbm>>
    %dma_wait3A_1146 = tpu.memref_squeeze %dma_wait3A_1145 : memref<1x32x1024xf32, #tpu.memory_space<hbm>> -> memref<32x1024xf32, #tpu.memory_space<hbm>>
    %dma_wait3A_1147 = arith.constant 0 : i32
    %dma_wait3A_1148 = arith.constant 0 : i32
    %dma_wait3A_1149 = tpu.memref_slice %arg4[%dma_wait3A_1135, %dma_wait3A_1147, %dma_wait3A_1148] : memref<2x32x1024xf32, #tpu.memory_space<vmem>> -> memref<1x32x1024xf32, #tpu.memory_space<vmem>>
    %dma_wait3A_1150 = tpu.memref_squeeze %dma_wait3A_1149 : memref<1x32x1024xf32, #tpu.memory_space<vmem>> -> memref<32x1024xf32, #tpu.memory_space<vmem>>
    tpu.wait_dma2 semaphore(%arg7 : memref<!tpu.dma_semaphore, #tpu.memory_space<semaphore_mem>>) src(%dma_wait3A_1150 : memref<32x1024xf32, #tpu.memory_space<vmem>>) dst(%dma_wait3A_1146 : memref<32x1024xf32, #tpu.memory_space<hbm>>)
    %dma_wait3A_1151 = arith.constant 0 : i32
    %dma_wait3A_1152 = arith.constant 1 : i32
    %dma_wait3A_1153 = arith.constant 0 : i32
    %dma_wait3A_1154 = arith.constant 0 : i32
    %dma_wait3A_1155 = tpu.memref_slice %arg4[%dma_wait3A_1151, %dma_wait3A_1153, %dma_wait3A_1154] : memref<2x32x1024xf32, #tpu.memory_space<vmem>> -> memref<1x32x1024xf32, #tpu.memory_space<vmem>>
    %dma_wait3A_1156 = tpu.memref_squeeze %dma_wait3A_1155 : memref<1x32x1024xf32, #tpu.memory_space<vmem>> -> memref<32x1024xf32, #tpu.memory_space<vmem>>
    %dma_wait3A_1157 = arith.constant 0 : i32
    %dma_wait3A_1158 = tpu.memref_slice %arg3[%dma_wait3A_1152, %add3A_991, %dma_wait3A_1157] : memref<4x8192x1024xf32, #tpu.memory_space<hbm>> -> memref<1x32x1024xf32, #tpu.memory_space<hbm>>
    %dma_wait3A_1159 = tpu.memref_squeeze %dma_wait3A_1158 : memref<1x32x1024xf32, #tpu.memory_space<hbm>> -> memref<32x1024xf32, #tpu.memory_space<hbm>>
    %dma_wait3A_1160 = arith.constant 0 : i32
    %dma_wait3A_1161 = tpu.memref_slice %arg3[%dma_wait3A_1152, %add3A_991, %dma_wait3A_1160] : memref<4x8192x1024xf32, #tpu.memory_space<hbm>> -> memref<1x32x1024xf32, #tpu.memory_space<hbm>>
    %dma_wait3A_1162 = tpu.memref_squeeze %dma_wait3A_1161 : memref<1x32x1024xf32, #tpu.memory_space<hbm>> -> memref<32x1024xf32, #tpu.memory_space<hbm>>
    %dma_wait3A_1163 = arith.constant 0 : i32
    %dma_wait3A_1164 = arith.constant 0 : i32
    %dma_wait3A_1165 = tpu.memref_slice %arg4[%dma_wait3A_1151, %dma_wait3A_1163, %dma_wait3A_1164] : memref<2x32x1024xf32, #tpu.memory_space<vmem>> -> memref<1x32x1024xf32, #tpu.memory_space<vmem>>
    %dma_wait3A_1166 = tpu.memref_squeeze %dma_wait3A_1165 : memref<1x32x1024xf32, #tpu.memory_space<vmem>> -> memref<32x1024xf32, #tpu.memory_space<vmem>>
    tpu.wait_dma2 semaphore(%arg7 : memref<!tpu.dma_semaphore, #tpu.memory_space<semaphore_mem>>) src(%dma_wait3A_1166 : memref<32x1024xf32, #tpu.memory_space<vmem>>) dst(%dma_wait3A_1162 : memref<32x1024xf32, #tpu.memory_space<hbm>>)
    %dma_wait3A_1167 = arith.constant 0 : i32
    %dma_wait3A_1168 = arith.constant 2 : i32
    %dma_wait3A_1169 = arith.constant 0 : i32
    %dma_wait3A_1170 = arith.constant 0 : i32
    %dma_wait3A_1171 = tpu.memref_slice %arg4[%dma_wait3A_1167, %dma_wait3A_1169, %dma_wait3A_1170] : memref<2x32x1024xf32, #tpu.memory_space<vmem>> -> memref<1x32x1024xf32, #tpu.memory_space<vmem>>
    %dma_wait3A_1172 = tpu.memref_squeeze %dma_wait3A_1171 : memref<1x32x1024xf32, #tpu.memory_space<vmem>> -> memref<32x1024xf32, #tpu.memory_space<vmem>>
    %dma_wait3A_1173 = arith.constant 0 : i32
    %dma_wait3A_1174 = tpu.memref_slice %arg3[%dma_wait3A_1168, %add3A_991, %dma_wait3A_1173] : memref<4x8192x1024xf32, #tpu.memory_space<hbm>> -> memref<1x32x1024xf32, #tpu.memory_space<hbm>>
    %dma_wait3A_1175 = tpu.memref_squeeze %dma_wait3A_1174 : memref<1x32x1024xf32, #tpu.memory_space<hbm>> -> memref<32x1024xf32, #tpu.memory_space<hbm>>
    %dma_wait3A_1176 = arith.constant 0 : i32
    %dma_wait3A_1177 = tpu.memref_slice %arg3[%dma_wait3A_1168, %add3A_991, %dma_wait3A_1176] : memref<4x8192x1024xf32, #tpu.memory_space<hbm>> -> memref<1x32x1024xf32, #tpu.memory_space<hbm>>
    %dma_wait3A_1178 = tpu.memref_squeeze %dma_wait3A_1177 : memref<1x32x1024xf32, #tpu.memory_space<hbm>> -> memref<32x1024xf32, #tpu.memory_space<hbm>>
    %dma_wait3A_1179 = arith.constant 0 : i32
    %dma_wait3A_1180 = arith.constant 0 : i32
    %dma_wait3A_1181 = tpu.memref_slice %arg4[%dma_wait3A_1167, %dma_wait3A_1179, %dma_wait3A_1180] : memref<2x32x1024xf32, #tpu.memory_space<vmem>> -> memref<1x32x1024xf32, #tpu.memory_space<vmem>>
    %dma_wait3A_1182 = tpu.memref_squeeze %dma_wait3A_1181 : memref<1x32x1024xf32, #tpu.memory_space<vmem>> -> memref<32x1024xf32, #tpu.memory_space<vmem>>
    tpu.wait_dma2 semaphore(%arg7 : memref<!tpu.dma_semaphore, #tpu.memory_space<semaphore_mem>>) src(%dma_wait3A_1182 : memref<32x1024xf32, #tpu.memory_space<vmem>>) dst(%dma_wait3A_1178 : memref<32x1024xf32, #tpu.memory_space<hbm>>)
    %dma_wait3A_1183 = arith.constant 0 : i32
    %dma_wait3A_1184 = arith.constant 3 : i32
    %dma_wait3A_1185 = arith.constant 0 : i32
    %dma_wait3A_1186 = arith.constant 0 : i32
    %dma_wait3A_1187 = tpu.memref_slice %arg4[%dma_wait3A_1183, %dma_wait3A_1185, %dma_wait3A_1186] : memref<2x32x1024xf32, #tpu.memory_space<vmem>> -> memref<1x32x1024xf32, #tpu.memory_space<vmem>>
    %dma_wait3A_1188 = tpu.memref_squeeze %dma_wait3A_1187 : memref<1x32x1024xf32, #tpu.memory_space<vmem>> -> memref<32x1024xf32, #tpu.memory_space<vmem>>
    %dma_wait3A_1189 = arith.constant 0 : i32
    %dma_wait3A_1190 = tpu.memref_slice %arg3[%dma_wait3A_1184, %add3A_991, %dma_wait3A_1189] : memref<4x8192x1024xf32, #tpu.memory_space<hbm>> -> memref<1x32x1024xf32, #tpu.memory_space<hbm>>
    %dma_wait3A_1191 = tpu.memref_squeeze %dma_wait3A_1190 : memref<1x32x1024xf32, #tpu.memory_space<hbm>> -> memref<32x1024xf32, #tpu.memory_space<hbm>>
    %dma_wait3A_1192 = arith.constant 0 : i32
    %dma_wait3A_1193 = tpu.memref_slice %arg3[%dma_wait3A_1184, %add3A_991, %dma_wait3A_1192] : memref<4x8192x1024xf32, #tpu.memory_space<hbm>> -> memref<1x32x1024xf32, #tpu.memory_space<hbm>>
    %dma_wait3A_1194 = tpu.memref_squeeze %dma_wait3A_1193 : memref<1x32x1024xf32, #tpu.memory_space<hbm>> -> memref<32x1024xf32, #tpu.memory_space<hbm>>
    %dma_wait3A_1195 = arith.constant 0 : i32
    %dma_wait3A_1196 = arith.constant 0 : i32
    %dma_wait3A_1197 = tpu.memref_slice %arg4[%dma_wait3A_1183, %dma_wait3A_1195, %dma_wait3A_1196] : memref<2x32x1024xf32, #tpu.memory_space<vmem>> -> memref<1x32x1024xf32, #tpu.memory_space<vmem>>
    %dma_wait3A_1198 = tpu.memref_squeeze %dma_wait3A_1197 : memref<1x32x1024xf32, #tpu.memory_space<vmem>> -> memref<32x1024xf32, #tpu.memory_space<vmem>>
    tpu.wait_dma2 semaphore(%arg7 : memref<!tpu.dma_semaphore, #tpu.memory_space<semaphore_mem>>) src(%dma_wait3A_1198 : memref<32x1024xf32, #tpu.memory_space<vmem>>) dst(%dma_wait3A_1194 : memref<32x1024xf32, #tpu.memory_space<hbm>>)
    %dma_wait3A_1199 = arith.constant 1 : i32
    %dma_wait3A_1200 = arith.constant 0 : i32
    %dma_wait3A_1201 = arith.constant 0 : i32
    %dma_wait3A_1202 = arith.constant 0 : i32
    %dma_wait3A_1203 = tpu.memref_slice %arg4[%dma_wait3A_1199, %dma_wait3A_1201, %dma_wait3A_1202] : memref<2x32x1024xf32, #tpu.memory_space<vmem>> -> memref<1x32x1024xf32, #tpu.memory_space<vmem>>
    %dma_wait3A_1204 = tpu.memref_squeeze %dma_wait3A_1203 : memref<1x32x1024xf32, #tpu.memory_space<vmem>> -> memref<32x1024xf32, #tpu.memory_space<vmem>>
    %dma_wait3A_1205 = arith.constant 0 : i32
    %dma_wait3A_1206 = tpu.memref_slice %arg3[%dma_wait3A_1200, %add3A_1070, %dma_wait3A_1205] : memref<4x8192x1024xf32, #tpu.memory_space<hbm>> -> memref<1x32x1024xf32, #tpu.memory_space<hbm>>
    %dma_wait3A_1207 = tpu.memref_squeeze %dma_wait3A_1206 : memref<1x32x1024xf32, #tpu.memory_space<hbm>> -> memref<32x1024xf32, #tpu.memory_space<hbm>>
    %dma_wait3A_1208 = arith.constant 0 : i32
    %dma_wait3A_1209 = tpu.memref_slice %arg3[%dma_wait3A_1200, %add3A_1070, %dma_wait3A_1208] : memref<4x8192x1024xf32, #tpu.memory_space<hbm>> -> memref<1x32x1024xf32, #tpu.memory_space<hbm>>
    %dma_wait3A_1210 = tpu.memref_squeeze %dma_wait3A_1209 : memref<1x32x1024xf32, #tpu.memory_space<hbm>> -> memref<32x1024xf32, #tpu.memory_space<hbm>>
    %dma_wait3A_1211 = arith.constant 0 : i32
    %dma_wait3A_1212 = arith.constant 0 : i32
    %dma_wait3A_1213 = tpu.memref_slice %arg4[%dma_wait3A_1199, %dma_wait3A_1211, %dma_wait3A_1212] : memref<2x32x1024xf32, #tpu.memory_space<vmem>> -> memref<1x32x1024xf32, #tpu.memory_space<vmem>>
    %dma_wait3A_1214 = tpu.memref_squeeze %dma_wait3A_1213 : memref<1x32x1024xf32, #tpu.memory_space<vmem>> -> memref<32x1024xf32, #tpu.memory_space<vmem>>
    tpu.wait_dma2 semaphore(%arg8 : memref<!tpu.dma_semaphore, #tpu.memory_space<semaphore_mem>>) src(%dma_wait3A_1214 : memref<32x1024xf32, #tpu.memory_space<vmem>>) dst(%dma_wait3A_1210 : memref<32x1024xf32, #tpu.memory_space<hbm>>)
    %dma_wait3A_1215 = arith.constant 1 : i32
    %dma_wait3A_1216 = arith.constant 1 : i32
    %dma_wait3A_1217 = arith.constant 0 : i32
    %dma_wait3A_1218 = arith.constant 0 : i32
    %dma_wait3A_1219 = tpu.memref_slice %arg4[%dma_wait3A_1215, %dma_wait3A_1217, %dma_wait3A_1218] : memref<2x32x1024xf32, #tpu.memory_space<vmem>> -> memref<1x32x1024xf32, #tpu.memory_space<vmem>>
    %dma_wait3A_1220 = tpu.memref_squeeze %dma_wait3A_1219 : memref<1x32x1024xf32, #tpu.memory_space<vmem>> -> memref<32x1024xf32, #tpu.memory_space<vmem>>
    %dma_wait3A_1221 = arith.constant 0 : i32
    %dma_wait3A_1222 = tpu.memref_slice %arg3[%dma_wait3A_1216, %add3A_1070, %dma_wait3A_1221] : memref<4x8192x1024xf32, #tpu.memory_space<hbm>> -> memref<1x32x1024xf32, #tpu.memory_space<hbm>>
    %dma_wait3A_1223 = tpu.memref_squeeze %dma_wait3A_1222 : memref<1x32x1024xf32, #tpu.memory_space<hbm>> -> memref<32x1024xf32, #tpu.memory_space<hbm>>
    %dma_wait3A_1224 = arith.constant 0 : i32
    %dma_wait3A_1225 = tpu.memref_slice %arg3[%dma_wait3A_1216, %add3A_1070, %dma_wait3A_1224] : memref<4x8192x1024xf32, #tpu.memory_space<hbm>> -> memref<1x32x1024xf32, #tpu.memory_space<hbm>>
    %dma_wait3A_1226 = tpu.memref_squeeze %dma_wait3A_1225 : memref<1x32x1024xf32, #tpu.memory_space<hbm>> -> memref<32x1024xf32, #tpu.memory_space<hbm>>
    %dma_wait3A_1227 = arith.constant 0 : i32
    %dma_wait3A_1228 = arith.constant 0 : i32
    %dma_wait3A_1229 = tpu.memref_slice %arg4[%dma_wait3A_1215, %dma_wait3A_1227, %dma_wait3A_1228] : memref<2x32x1024xf32, #tpu.memory_space<vmem>> -> memref<1x32x1024xf32, #tpu.memory_space<vmem>>
    %dma_wait3A_1230 = tpu.memref_squeeze %dma_wait3A_1229 : memref<1x32x1024xf32, #tpu.memory_space<vmem>> -> memref<32x1024xf32, #tpu.memory_space<vmem>>
    tpu.wait_dma2 semaphore(%arg8 : memref<!tpu.dma_semaphore, #tpu.memory_space<semaphore_mem>>) src(%dma_wait3A_1230 : memref<32x1024xf32, #tpu.memory_space<vmem>>) dst(%dma_wait3A_1226 : memref<32x1024xf32, #tpu.memory_space<hbm>>)
    %dma_wait3A_1231 = arith.constant 1 : i32
    %dma_wait3A_1232 = arith.constant 2 : i32
    %dma_wait3A_1233 = arith.constant 0 : i32
    %dma_wait3A_1234 = arith.constant 0 : i32
    %dma_wait3A_1235 = tpu.memref_slice %arg4[%dma_wait3A_1231, %dma_wait3A_1233, %dma_wait3A_1234] : memref<2x32x1024xf32, #tpu.memory_space<vmem>> -> memref<1x32x1024xf32, #tpu.memory_space<vmem>>
    %dma_wait3A_1236 = tpu.memref_squeeze %dma_wait3A_1235 : memref<1x32x1024xf32, #tpu.memory_space<vmem>> -> memref<32x1024xf32, #tpu.memory_space<vmem>>
    %dma_wait3A_1237 = arith.constant 0 : i32
    %dma_wait3A_1238 = tpu.memref_slice %arg3[%dma_wait3A_1232, %add3A_1070, %dma_wait3A_1237] : memref<4x8192x1024xf32, #tpu.memory_space<hbm>> -> memref<1x32x1024xf32, #tpu.memory_space<hbm>>
    %dma_wait3A_1239 = tpu.memref_squeeze %dma_wait3A_1238 : memref<1x32x1024xf32, #tpu.memory_space<hbm>> -> memref<32x1024xf32, #tpu.memory_space<hbm>>
    %dma_wait3A_1240 = arith.constant 0 : i32
    %dma_wait3A_1241 = tpu.memref_slice %arg3[%dma_wait3A_1232, %add3A_1070, %dma_wait3A_1240] : memref<4x8192x1024xf32, #tpu.memory_space<hbm>> -> memref<1x32x1024xf32, #tpu.memory_space<hbm>>
    %dma_wait3A_1242 = tpu.memref_squeeze %dma_wait3A_1241 : memref<1x32x1024xf32, #tpu.memory_space<hbm>> -> memref<32x1024xf32, #tpu.memory_space<hbm>>
    %dma_wait3A_1243 = arith.constant 0 : i32
    %dma_wait3A_1244 = arith.constant 0 : i32
    %dma_wait3A_1245 = tpu.memref_slice %arg4[%dma_wait3A_1231, %dma_wait3A_1243, %dma_wait3A_1244] : memref<2x32x1024xf32, #tpu.memory_space<vmem>> -> memref<1x32x1024xf32, #tpu.memory_space<vmem>>
    %dma_wait3A_1246 = tpu.memref_squeeze %dma_wait3A_1245 : memref<1x32x1024xf32, #tpu.memory_space<vmem>> -> memref<32x1024xf32, #tpu.memory_space<vmem>>
    tpu.wait_dma2 semaphore(%arg8 : memref<!tpu.dma_semaphore, #tpu.memory_space<semaphore_mem>>) src(%dma_wait3A_1246 : memref<32x1024xf32, #tpu.memory_space<vmem>>) dst(%dma_wait3A_1242 : memref<32x1024xf32, #tpu.memory_space<hbm>>)
    %dma_wait3A_1247 = arith.constant 1 : i32
    %dma_wait3A_1248 = arith.constant 3 : i32
    %dma_wait3A_1249 = arith.constant 0 : i32
    %dma_wait3A_1250 = arith.constant 0 : i32
    %dma_wait3A_1251 = tpu.memref_slice %arg4[%dma_wait3A_1247, %dma_wait3A_1249, %dma_wait3A_1250] : memref<2x32x1024xf32, #tpu.memory_space<vmem>> -> memref<1x32x1024xf32, #tpu.memory_space<vmem>>
    %dma_wait3A_1252 = tpu.memref_squeeze %dma_wait3A_1251 : memref<1x32x1024xf32, #tpu.memory_space<vmem>> -> memref<32x1024xf32, #tpu.memory_space<vmem>>
    %dma_wait3A_1253 = arith.constant 0 : i32
    %dma_wait3A_1254 = tpu.memref_slice %arg3[%dma_wait3A_1248, %add3A_1070, %dma_wait3A_1253] : memref<4x8192x1024xf32, #tpu.memory_space<hbm>> -> memref<1x32x1024xf32, #tpu.memory_space<hbm>>
    %dma_wait3A_1255 = tpu.memref_squeeze %dma_wait3A_1254 : memref<1x32x1024xf32, #tpu.memory_space<hbm>> -> memref<32x1024xf32, #tpu.memory_space<hbm>>
    %dma_wait3A_1256 = arith.constant 0 : i32
    %dma_wait3A_1257 = tpu.memref_slice %arg3[%dma_wait3A_1248, %add3A_1070, %dma_wait3A_1256] : memref<4x8192x1024xf32, #tpu.memory_space<hbm>> -> memref<1x32x1024xf32, #tpu.memory_space<hbm>>
    %dma_wait3A_1258 = tpu.memref_squeeze %dma_wait3A_1257 : memref<1x32x1024xf32, #tpu.memory_space<hbm>> -> memref<32x1024xf32, #tpu.memory_space<hbm>>
    %dma_wait3A_1259 = arith.constant 0 : i32
    %dma_wait3A_1260 = arith.constant 0 : i32
    %dma_wait3A_1261 = tpu.memref_slice %arg4[%dma_wait3A_1247, %dma_wait3A_1259, %dma_wait3A_1260] : memref<2x32x1024xf32, #tpu.memory_space<vmem>> -> memref<1x32x1024xf32, #tpu.memory_space<vmem>>
    %dma_wait3A_1262 = tpu.memref_squeeze %dma_wait3A_1261 : memref<1x32x1024xf32, #tpu.memory_space<vmem>> -> memref<32x1024xf32, #tpu.memory_space<vmem>>
    tpu.wait_dma2 semaphore(%arg8 : memref<!tpu.dma_semaphore, #tpu.memory_space<semaphore_mem>>) src(%dma_wait3A_1262 : memref<32x1024xf32, #tpu.memory_space<vmem>>) dst(%dma_wait3A_1258 : memref<32x1024xf32, #tpu.memory_space<hbm>>)
    return
  }
}

</mosaic_0001>

<sc_bundles>
// kernel: kernel.3.cloned.1.call-start
scs
__scs_entry_jumppad:
0x0: {  	(pc) =	sbr.rel $0x88, $3  }
0x1: {  	(tag) =	ssettag $0x0;
	lr =	simm.s32 $0x1  }
0x2: {  	[smem:$0x3FA0] =	sst lr;
	_ =	strace $0xD0000000  }
0x3: {  	_ = 	snop  }
0x4: {  	_ = 	snop  }
0x5: {  	_ = 	snop  }
0x6: {  	_ = 	snop  }
0x7: {  	_ = 	snop  }
__scs_overlays_trampoline_lowered:
0x8: {  	[smem:$0x3FAF] =	sst s0  }
0x9: {  	[smem:$0x3FB0] =	sst s1  }
0xa: {  	[smem:$0x3FB1] =	sst s2  }
0xb: {  	[smem:$0x3FB2] =	sst s3  }
0xc: {  	[smem:$0x3FB3] =	sst s4  }
0xd: {  	[smem:$0x3FB4] =	sst s5  }
0xe: {  	[smem:$0x3FB5] =	sst s6  }
0xf: {  	[smem:$0x3FB6] =	sst s7  }
0x10: {  	[smem:$0x3FB7] =	sst s8  }
0x11: {  	[smem:$0x3FB8] =	sst s9;
	s0 =	simm.s32 @!p0 $0x0  }
0x12: {  	s1 =	sld [smem:$0x3F9E];
	s0 =	simm.s32 @p0 $0x1  }
0x13: {  	[smem:$0x3FB9] =	sst s0;
	s0 =	simm.s32 @!p1 $0x0  }
0x14: {  	s2 =	sld [smem:$0x3F9D];
	s0 =	simm.s32 @p1 $0x1  }
0x15: {  	[smem:$0x3FBA] =	sst s0;
	s0 =	simm.s32 @!p2 $0x0  }
0x16: {  	s3 =	sld [smem:$0x3FDB];
	s0 =	simm.s32 @p2 $0x1  }
0x17: {  	s4 =	simm.s32 $0x1BF5;
	[smem:$0x3FBC] =	sst s0  }
0x18: {  	s0 =	sld [smem:$0x3F9F];
	_ =	swait.ge [sflag:s4], $0x0  }
0x19: {  	s7 =	sld [smem:$0x3FA0]  }
0x1a: {  	s8 =	sadd.s32 $0xFFFFE003, lr  }
0x1b: {  	s9 =	sadd.s32 $0xFFFFFEF7, lr;
	s5 =	simm.s32 $0xFFFFFFFF;
	p2 =	slt.u32 s8, $0xFFFFF086  }
0x1c: {  	p1 =	slt.u32 s9, $0xF7A;
	s5 =	simm.s32 @!p2 $0x0  }
0x1d: {  	s5 =	simm.s32 @p1 $0x1;
	p0 =	seq.s32 s7, s2  }
0x1e: {  	s7 =	smul.u32 @!p0 $0xF7A, s2;
	p2 =	seq.s32 @!p0 s5, $0x0  }
0x1f: {  	s9 =	smul.u32 $0xF7A, s1;
	s8 =	simm.s32 @!p0 $0x1BF5;
	p2 =	por !p2, p0  }
0x20: {  	[sflag:s8] =	ssyncset.s32 @!p0 $0xFFFFF086;
	s6 =	sadd.s32 @!p0 s3, s7;
	s7 =	simm.s32 @!p0 $0x108  }
0x21: {  	s3 =	sadd.s32 s3, s9;
	s6 =	sadd.s32 @!p0 $0x88, s6;
	s7 =	simm.s32 @p2 $0x1082  }
0x22: {  	[simem:s7], [sflag:s8] =	dma.local @!p0 [hbm:s6], $0xF7A  }
0x23: {  	s9 =	sor.u32 $0xD0000000, s2;
	s6 =	simm.s32 $0x108;
	_ =	swait.ge @!p0 [sflag:s8], $0x0  }
0x24: {  	s3 =	sadd.s32 $0x88, s3;
	s6 =	simm.s32 @!p1 $0x1082;
	[sflag:s4] =	ssyncset.s32 $0xFFFFF086  }
0x25: {  	[simem:s6], [sflag:s4] =	dma.local [hbm:s3], $0xF7A  }
0x26: {  	[smem:$0x3FA0] =	sst s1;
	(tag) =	ssettag s2;
	_ =	strace s9  }
0x27: {  	s1 =	sld [smem:$0x3FB0]  }
0x28: {  	s2 =	sld [smem:$0x3FB1]  }
0x29: {  	s4 =	sld [smem:$0x3FB3]  }
0x2a: {  	p0 =	seq.s32 s5, $0x0;
	s5 =	sld [smem:$0x3FB4]  }
0x2b: {  	s6 =	sld [smem:$0x3FB5]  }
0x2c: {  	s7 =	sld [smem:$0x3FB6]  }
0x2d: {  	s3 =	simm.s32 $0x108;
	s8 =	sld [smem:$0x3FB7]  }
0x2e: {  	s3 =	simm.s32 @!p0 $0x1082;
	s9 =	sld [smem:$0x3FB8]  }
0x2f: {  	lr =	sadd.s32 s0, s3;
	s0 =	sld [smem:$0x3FAF]  }
0x30: {  	s3 =	sld [smem:$0x3FB2]  }
0x31: {  	[smem:$0x3FBB] =	sst s10  }
0x32: {  	s10 =	sld [smem:$0x3FB9];
	_ =	sdelay $0x3  }
0x33: {  	p0 =	seq.s32 s10, $0x1;
	s10 =	sld [smem:$0x3FBB];
	_ =	sdelay $0x3  }
0x34: {  	[smem:$0x3FBB] =	sst s10  }
0x35: {  	s10 =	sld [smem:$0x3FBA];
	_ =	sdelay $0x3  }
0x36: {  	p1 =	seq.s32 s10, $0x1;
	s10 =	sld [smem:$0x3FBB];
	_ =	sdelay $0x3  }
0x37: {  	[smem:$0x3FBB] =	sst s10  }
0x38: {  	s10 =	sld [smem:$0x3FBC]  }
0x39: {  	_ = 	snop;
	(pc) =	sbr.ind lr, $3  }
0x3a: {  	_ = 	snop  }
0x3b: {  	_ = 	snop  }
0x3c: {  	p2 =	seq.s32 s10, $0x1;
	s10 =	sld [smem:$0x3FBB]  }
0x3d: {  	_ =	shalt  }
0x3e: {  	_ =	shalt  }
0x3f: {  	_ =	shalt  }
0x40: {  	_ =	shalt  }
0x41: {  	_ =	shalt  }
0x42: {  	_ =	shalt  }
0x43: {  	_ =	shalt  }
0x44: {  	_ =	shalt  }
0x45: {  	_ =	shalt  }
0x46: {  	_ =	shalt  }
0x47: {  	_ =	shalt  }
0x48: {  	_ =	shalt  }
0x49: {  	_ =	shalt  }
0x4a: {  	_ =	shalt  }
0x4b: {  	_ =	shalt  }
0x4c: {  	_ =	shalt  }
0x4d: {  	_ =	shalt  }
0x4e: {  	_ =	shalt  }
0x4f: {  	_ =	shalt  }
0x50: {  	_ =	shalt  }
0x51: {  	_ =	shalt  }
0x52: {  	_ =	shalt  }
0x53: {  	_ =	shalt  }
0x54: {  	_ =	shalt  }
0x55: {  	_ =	shalt  }
0x56: {  	_ =	shalt  }
0x57: {  	_ =	shalt  }
0x58: {  	_ =	shalt  }
0x59: {  	_ =	shalt  }
0x5a: {  	_ =	shalt  }
0x5b: {  	_ =	shalt  }
0x5c: {  	_ =	shalt  }
0x5d: {  	_ =	shalt  }
0x5e: {  	_ =	shalt  }
0x5f: {  	_ =	shalt  }
0x60: {  	_ =	shalt  }
0x61: {  	_ =	shalt  }
0x62: {  	_ =	shalt  }
0x63: {  	_ =	shalt  }
0x64: {  	_ =	shalt  }
0x65: {  	_ =	shalt  }
0x66: {  	_ =	shalt  }
0x67: {  	_ =	shalt  }
0x68: {  	_ =	shalt  }
0x69: {  	_ =	shalt  }
0x6a: {  	_ =	shalt  }
0x6b: {  	_ =	shalt  }
0x6c: {  	_ =	shalt  }
0x6d: {  	_ =	shalt  }
0x6e: {  	_ =	shalt  }
0x6f: {  	_ =	shalt  }
0x70: {  	_ =	shalt  }
0x71: {  	_ =	shalt  }
0x72: {  	_ =	shalt  }
0x73: {  	_ =	shalt  }
0x74: {  	_ =	shalt  }
0x75: {  	_ =	shalt  }
0x76: {  	_ =	shalt  }
0x77: {  	_ =	shalt  }
0x78: {  	_ =	shalt  }
0x79: {  	_ =	shalt  }
0x7a: {  	_ =	shalt  }
0x7b: {  	_ =	shalt  }
0x7c: {  	_ =	shalt  }
0x7d: {  	_ =	shalt  }
0x7e: {  	_ =	shalt  }
0x7f: {  	_ =	shalt  }
0x80: {  	_ =	shalt  }
0x81: {  	_ =	shalt  }
0x82: {  	_ =	shalt  }
0x83: {  	_ =	shalt  }
0x84: {  	_ =	shalt  }
0x85: {  	_ =	shalt  }
0x86: {  	_ =	shalt  }
0x87: {  	_ =	shalt  }
.Lfunc_end0:
.L_simem_size_0:
called_computation_lowered:
.L_overlay_start_0:
0x88: {  	s2 =	sld [smem:$0x3FD9]  }
0x89: {  	s3 =	sld [smem:$0x3FFE];
	_ =	sdelay $0x1  }
0x8a: {  	s1 =	srdreg.scid  }
0x8b: {  	s0 =	sand.u32 $0x1, s1  }
0x8c: {  	s18 =	sshll.u32 s0, $0xA;
	s2 =	sadd.s32 s3, s2  }
0x8d: {  	s2 =	sadd.s32 s2, s18  }
0x8e: {  	[smem:$0x3FC7] =	sst s2  }
0x8f: {  	_ = 	snop  }
0x90: {  	s2 =	sld [smem:$0x3FC9]  }
0x91: {  	s19 =	sld [smem:$0x3FD0];
	(tm) =	ssettm $0x1  }
0x92: {  	s4 =	sld [smem:$0x3FFB];
	_ =	sdelay $0x3  }
0x93: {  	_ =	strace s4  }
0x94: {  	s4 =	sld [smem:$0x3FFC];
	_ =	sdelay $0x3  }
0x95: {  	_ =	strace s4  }
0x96: {  	s4 =	sld [smem:$0x3FFD];
	_ =	sdelay $0x3  }
0x97: {  	_ =	strace s4  }
0x98: {  	_ =	strace $0x8FFFFFFF  }
0x99: {  	s20 =	sld [smem:$0x3FDB];
	_ =	sdelay $0x1  }
0x9a: {  	s5 =	simm.s32 $_scs_section_size  }
0x9b: {  	s6 =	simm.s32 $_size__tile_overlayer_lowered;
	s7 =	simm.s32 $_tile_overlayer_lowered  }
0x9c: {  	s23 =	simm.s32 $0x1BFF;
	s22 =	sshll.u32 s7, $0x1;
	s4 =	sadd.s32 s5, s20  }
0x9d: {  	s8 =	simm.s32 $0x0;
	s21 =	sshll.u32 s6, $0x1;
	s6 =	sadd.s32 s22, s4  }
0x9e: {  	[timem:s8], [sflag:s23] =	dma.local [hbm:s6], s21  }
0x9f: {  	_ =	swait.ge [sflag:s23], s21  }
0xa0: {  	s5 =	ssub.s32 $0x0, s21;
	[sflag:s23] =	ssyncset.done $0x0  }
0xa1: {  	[sflag:s23] =	ssyncadd.s32 s5;
	_ =	sdelay $0x1  }
0xa2: {  	s24 =	simm.s32 $0x1B8B  }
0xa3: {  	_ =	swait.ge [sflag:s24], $0x1  }
0xa4: {  	[sflag:s24] =	ssyncset.done $0x0  }
0xa5: {  	s25 =	simm.s32 $0x1B8E;
	[sflag:s24] =	ssyncadd.s32 $0xFFFFFFFF  }
0xa6: {  	s26 =	simm.s32 $execute0_lowered;
	[smem:$0x3FD2] =	sst s25  }
0xa7: {  	s5 =	sshll.u32 s26, $0x1;
	_ =	strace $0x80000046;
	[dreg:$0x1] =	wrdreg $0xFFFFFFFF  }
0xa8: {  	s28 =	simm.s32 $_size_execute0_lowered;
	s4 =	sadd.s32 s4, s5;
	[dreg:$0x0] =	wrdreg $0x0  }
0xa9: {  	s5 =	sshll.u32 s28, $0x1;
	[dreg:$0x2] =	wrdreg s4  }
0xaa: {  	[dreg:$0x3] =	wrdreg s5  }
0xab: {  	[dreg:$0x4] =	wrdreg $0xC0  }
0xac: {  	_ =	task [dreg:s8], $0x5FFFF  }
0xad: {  	[dreg:$0x1] =	wrdreg $0xFFFFFFFF  }
0xae: {  	[dreg:$0x0] =	wrdreg $0x60  }
0xaf: {  	[dreg:$0x2] =	wrdreg s2  }
0xb0: {  	[dreg:$0x3] =	wrdreg s19  }
0xb1: {  	[dreg:$0x4] =	wrdreg $0x9  }
0xb2: {  	_ =	task.clear_ibuf [dreg:s8], $0x5FFFF;
	_ =	strace $0x90000046  }
0xb3: {  	s29 =	simm.s32 $0x9;
	_ =	strace $0x80000048  }
0xb4: {  	_ =	swait.ge [sflag:s29], $0x1  }
0xb5: {  	[sflag:s29] =	ssyncadd.s32 $0xFFFFFFFF  }
0xb6: {  	_ =	strace $0x90000048  }
0xb7: {  	_ =	sfence  }
0xb8: {  	s30 =	sld [smem:$0x0];
	_ =	sdelay $0x2  }
0xb9: {  	s31 =	sshll.u32 s1, $0xD;
	s1 =	sshrl.u32 s1, $0x2  }
0xba: {  	s3 =	sand.u32 $0x4000, s31;
	s1 =	sadd.s32 s1, s30  }
0xbb: {  	s0 =	sor.u32 s3, s0;
	s1 =	sshll.u32 s1, $0x11  }
0xbc: {  	s0 =	sor.u32 s1, s0  }
0xbd: {  	s0 =	sadd.s32 $0x8F2B, s0  }
0xbe: {  	[sflag:s0] =	ssyncadd.remote.s32 $0x1  }
0xbf: {  	_ =	sfence.sel $0xFFFF  }
0xc0: {  	[dreg:$0x0] =	wrdreg $0xFFFFFFFF;
	(pc) =	sbr.abs _section_cstart, $3  }
0xc1: {  	[dreg:$0x1] =	wrdreg $0xFFFFFFFF  }
0xc2: {  	_ =	task.clear_ibuf [dreg:s8], $0x2FFFF;
	_ =	strace $0x9FFFFFFF  }
0xc3: {  	(tm) =	ssettm $0x7FFFFFFF  }
tec
execute0_lowered:
.L_overlay_start_1:
0x0: {  	(tag) =	ssettag $0x1  }
0x1: {  	s3 =	rddreg [dreg:$0x0];
	s1 =	srdreg.scid  }
0x2: {  	s0 =	rddreg [dreg:$0x1];
	s4 =	stileid.u32;
	s1 =	sand.u32 $0x1, s1  }
0x3: {  	s2 =	simm.s32 $0x0;
	s4 =	sshll.u32 s4, $0x10;
	s5 =	sshll.u32 s1, $0xF  }
0x4: {  	[smem:$0x7FF] =	sst s2;
	s4 =	sor.u32 s5, s4  }
0x5: {  	_ =	strace $0x80000047;
	s5 =	sadd.s32 s3, s4;
	s6 =	sor.u32 $0x1000, s4  }
0x6: {  	s14 =	sadd.s32 s0, s4;
	[dreg:$0x3] =	wrdreg s5;
	s15 =	sadd.s32 s3, s6  }
0x7: {  	s16 =	sadd.s32 $0x100000, s14;
	[dreg:$0x4] =	wrdreg s15  }
0x8: {  	s17 =	sadd.s32 $0x200000, s14;
	[dreg:$0x5] =	wrdreg s16  }
0x9: {  	s7 =	sor.u32 $0x2000, s4;
	s18 =	sadd.s32 $0x300000, s14;
	[dreg:$0x6] =	wrdreg s17  }
0xa: {  	p0 =	por $0x0, $0x0;
	s19 =	sadd.s32 s3, s7;
	[dreg:$0x7] =	wrdreg s18  }
0xb: {  	s31 =	simm.s32 $0x8000;
	s20 =	sadd.s32 s0, s6;
	[dreg:$0x8] =	wrdreg s19  }
0xc: {  	s1 =	ssub.s32 $0x2, s1;
	s21 =	sadd.s32 $0x101000, s14;
	[dreg:$0x9] =	wrdreg s20  }
0xd: {  	s24 =	sor.u32 $0x3000, s4;
	s22 =	sadd.s32 $0x201000, s14;
	[dreg:$0xa] =	wrdreg s21  }
0xe: {  	s10 =	sor.u32 $0x4000, s4;
	s23 =	sadd.s32 $0x301000, s14;
	[dreg:$0xb] =	wrdreg s22  }
0xf: {  	s13 =	sor.u32 $0x5000, s4;
	s25 =	sadd.s32 s3, s24;
	[dreg:$0xc] =	wrdreg s23  }
0x10: {  	s26 =	sadd.s32 s0, s7;
	s7 =	sadd.s32 $0x102000, s14;
	[dreg:$0xd] =	wrdreg s25  }
0x11: {  	s8 =	sadd.s32 $0x202000, s14;
	s9 =	sadd.s32 $0x302000, s14;
	[dreg:$0xe] =	wrdreg s26  }
0x12: {  	s11 =	sadd.s32 s3, s10;
	s12 =	sadd.s32 s0, s24;
	[dreg:$0xf] =	wrdreg s7  }
0x13: {  	s28 =	sadd.s32 $0x103000, s14;
	s29 =	sadd.s32 $0x203000, s14;
	[dreg:$0x10] =	wrdreg s8  }
0x14: {  	s30 =	sadd.s32 $0x303000, s14;
	s24 =	sadd.s32 $0x104000, s14;
	[dreg:$0x11] =	wrdreg s9  }
0x15: {  	s6 =	sadd.s32 $0x107000, s14;
	s8 =	sshrl.u32 s1, $0x1;
	[dreg:$0x12] =	wrdreg s11  }
0x16: {  	[dreg:$0x13] =	wrdreg s12;
	s22 =	sadd.s32 s3, s13;
	s23 =	sadd.s32 s0, s10  }
0x17: {  	s15 =	sor.u32 $0x6000, s4;
	s25 =	sadd.s32 $0x204000, s14;
	s26 =	sadd.s32 $0x304000, s14  }
0x18: {  	s17 =	sadd.s32 s0, s13;
	s18 =	sadd.s32 $0x105000, s14;
	s1 =	ssub.s32 s1, s8  }
0x19: {  	s4 =	sor.u32 $0x7000, s4;
	s19 =	sadd.s32 $0x205000, s14;
	s21 =	smax.u32 s1, $0x1  }
0x1a: {  	s20 =	sadd.s32 $0x305000, s14;
	s10 =	sadd.s32 $0x106000, s14;
	p1 =	sne.s32 s21, $0x1  }
.Ltmp0:
0x1b: {  	s11 =	sadd.s32 $0x206000, s14;
	s12 =	sadd.s32 $0x306000, s14;
	(pc) =	sbr.rel @!p1 .LBB2_3-.Ltmp0, $4  }
0x1c: {  	s7 =	sadd.s32 $0x207000, s14;
	s13 =	sadd.s32 $0x307000, s14;
	s16 =	sadd.s32 s3, s15  }
0x1d: {  	s8 =	sadd.s32 s3, s4;
	s9 =	sadd.s32 s0, s15;
	s5 =	sadd.s32 s0, s4  }
0x1e: {  	s15 =	simm.s32 $0x2;
	s4 =	simm.s32 $0x3;
	s3 =	simm.s32 $0x4  }
0x1f: {  	s1 =	rddreg [dreg:$0x3];
	s0 =	sadd.s32 $0xFFFFFFFF, s21;
	s21 =	simm.s32 $0x1  }
0x20: {  	[tilespmem:s2], [sflag:$0x1] =	stream.linear.gather [hbm4b:s1+s2], $0x8000, $0x38;
	[tilespmem:$0x10000] =	vst v63  }
0x21: {  	_ =	swait.ge [sflag:s21], $0x8000  }
0x22: {  	[sflag:s21] =	ssyncset.done $0x0  }
0x23: {  	s1 =	rddreg [dreg:$0x4];
	[sflag:s21] =	ssyncadd.s32 $0xFFFF8000  }
0x24: {  	[tilespmem:s31], [sflag:$0x2] =	stream.linear.gather [hbm4b:s1+s2], $0x8000, $0x38;
	[tilespmem:$0x10000] =	vst v63  }
0x25: {  	[dreg:$0x15] =	wrdreg s0  }
0x26: {  	[hbm4b:s14+s2] =	stream.linear.scatter [tilespmem:s2], [sflag:$0x3], $0x8000, $0x38;
	[tilespmem:$0x10000] =	vst v63  }
0x27: {  	s1 =	rddreg [dreg:$0x5]  }
0x28: {  	[hbm4b:s1+s2] =	stream.linear.scatter [tilespmem:s2], [sflag:$0x3], $0x8000, $0x38;
	[tilespmem:$0x10000] =	vst v63  }
0x29: {  	s0 =	rddreg [dreg:$0x6]  }
0x2a: {  	[hbm4b:s0+s2] =	stream.linear.scatter [tilespmem:s2], [sflag:$0x3], $0x8000, $0x38;
	[tilespmem:$0x10000] =	vst v63  }
0x2b: {  	s1 =	rddreg [dreg:$0x7]  }
0x2c: {  	[hbm4b:s1+s2] =	stream.linear.scatter [tilespmem:s2], [sflag:$0x3], $0x8000, $0x38;
	[tilespmem:$0x10000] =	vst v63  }
0x2d: {  	_ =	swait.ge [sflag:s15], $0x8000  }
0x2e: {  	[sflag:s15] =	ssyncset.done $0x0  }
0x2f: {  	[sflag:s15] =	ssyncadd.s32 $0xFFFF8000  }
0x30: {  	_ =	swait.ge [sflag:s4], $0x8000  }
0x31: {  	[sflag:s4] =	ssyncset.done $0x0  }
0x32: {  	[sflag:s4] =	ssyncadd.s32 $0xFFFF8000  }
0x33: {  	_ =	swait.ge [sflag:s4], $0x8000  }
0x34: {  	[sflag:s4] =	ssyncset.done $0x0  }
0x35: {  	[sflag:s4] =	ssyncadd.s32 $0xFFFF8000  }
0x36: {  	_ =	swait.ge [sflag:s4], $0x8000  }
0x37: {  	[sflag:s4] =	ssyncset.done $0x0  }
0x38: {  	[sflag:s4] =	ssyncadd.s32 $0xFFFF8000  }
0x39: {  	_ =	swait.ge [sflag:s4], $0x8000  }
0x3a: {  	[sflag:s4] =	ssyncset.done $0x0  }
0x3b: {  	s0 =	rddreg [dreg:$0x8];
	[sflag:s4] =	ssyncadd.s32 $0xFFFF8000  }
0x3c: {  	[tilespmem:s2], [sflag:$0x1] =	stream.linear.gather [hbm4b:s0+s2], $0x8000, $0x38;
	[tilespmem:$0x10000] =	vst v63  }
0x3d: {  	s1 =	rddreg [dreg:$0x9]  }
0x3e: {  	[hbm4b:s1+s2] =	stream.linear.scatter [tilespmem:s31], [sflag:$0x4], $0x8000, $0x38;
	[tilespmem:$0x10000] =	vst v63  }
0x3f: {  	s0 =	rddreg [dreg:$0xa]  }
0x40: {  	[hbm4b:s0+s2] =	stream.linear.scatter [tilespmem:s31], [sflag:$0x4], $0x8000, $0x38;
	[tilespmem:$0x10000] =	vst v63  }
0x41: {  	s1 =	rddreg [dreg:$0xb]  }
0x42: {  	[hbm4b:s1+s2] =	stream.linear.scatter [tilespmem:s31], [sflag:$0x4], $0x8000, $0x38;
	[tilespmem:$0x10000] =	vst v63  }
0x43: {  	s0 =	rddreg [dreg:$0xc]  }
0x44: {  	[hbm4b:s0+s2] =	stream.linear.scatter [tilespmem:s31], [sflag:$0x4], $0x8000, $0x38;
	[tilespmem:$0x10000] =	vst v63  }
0x45: {  	_ =	swait.ge [sflag:s21], $0x8000  }
0x46: {  	[sflag:s21] =	ssyncset.done $0x0  }
0x47: {  	[sflag:s21] =	ssyncadd.s32 $0xFFFF8000  }
0x48: {  	_ =	swait.ge [sflag:s3], $0x8000  }
0x49: {  	[sflag:s3] =	ssyncset.done $0x0  }
0x4a: {  	[sflag:s3] =	ssyncadd.s32 $0xFFFF8000  }
0x4b: {  	_ =	swait.ge [sflag:s3], $0x8000  }
0x4c: {  	[sflag:s3] =	ssyncset.done $0x0  }
0x4d: {  	[sflag:s3] =	ssyncadd.s32 $0xFFFF8000  }
0x4e: {  	_ =	swait.ge [sflag:s3], $0x8000  }
0x4f: {  	[sflag:s3] =	ssyncset.done $0x0  }
0x50: {  	[sflag:s3] =	ssyncadd.s32 $0xFFFF8000  }
0x51: {  	_ =	swait.ge [sflag:s3], $0x8000  }
0x52: {  	[sflag:s3] =	ssyncset.done $0x0  }
0x53: {  	s0 =	rddreg [dreg:$0xd];
	[sflag:s3] =	ssyncadd.s32 $0xFFFF8000  }
0x54: {  	[tilespmem:s31], [sflag:$0x2] =	stream.linear.gather [hbm4b:s0+s2], $0x8000, $0x38;
	[tilespmem:$0x10000] =	vst v63  }
0x55: {  	s1 =	rddreg [dreg:$0xe]  }
0x56: {  	[hbm4b:s1+s2] =	stream.linear.scatter [tilespmem:s2], [sflag:$0x3], $0x8000, $0x38;
	[tilespmem:$0x10000] =	vst v63  }
0x57: {  	s0 =	rddreg [dreg:$0xf]  }
0x58: {  	[hbm4b:s0+s2] =	stream.linear.scatter [tilespmem:s2], [sflag:$0x3], $0x8000, $0x38;
	[tilespmem:$0x10000] =	vst v63  }
0x59: {  	s1 =	rddreg [dreg:$0x10]  }
0x5a: {  	[hbm4b:s1+s2] =	stream.linear.scatter [tilespmem:s2], [sflag:$0x3], $0x8000, $0x38;
	[tilespmem:$0x10000] =	vst v63  }
0x5b: {  	s0 =	rddreg [dreg:$0x11]  }
0x5c: {  	[hbm4b:s0+s2] =	stream.linear.scatter [tilespmem:s2], [sflag:$0x3], $0x8000, $0x38;
	[tilespmem:$0x10000] =	vst v63  }
0x5d: {  	_ =	swait.ge [sflag:s15], $0x8000  }
0x5e: {  	[sflag:s15] =	ssyncset.done $0x0  }
0x5f: {  	[sflag:s15] =	ssyncadd.s32 $0xFFFF8000  }
0x60: {  	_ =	swait.ge [sflag:s4], $0x8000  }
0x61: {  	[sflag:s4] =	ssyncset.done $0x0  }
0x62: {  	[sflag:s4] =	ssyncadd.s32 $0xFFFF8000  }
0x63: {  	_ =	swait.ge [sflag:s4], $0x8000  }
0x64: {  	[sflag:s4] =	ssyncset.done $0x0  }
0x65: {  	[sflag:s4] =	ssyncadd.s32 $0xFFFF8000  }
0x66: {  	_ =	swait.ge [sflag:s4], $0x8000  }
0x67: {  	[sflag:s4] =	ssyncset.done $0x0  }
0x68: {  	[sflag:s4] =	ssyncadd.s32 $0xFFFF8000  }
0x69: {  	_ =	swait.ge [sflag:s4], $0x8000  }
0x6a: {  	[sflag:s4] =	ssyncset.done $0x0  }
0x6b: {  	s0 =	rddreg [dreg:$0x12];
	[sflag:s4] =	ssyncadd.s32 $0xFFFF8000  }
0x6c: {  	[tilespmem:s2], [sflag:$0x1] =	stream.linear.gather [hbm4b:s0+s2], $0x8000, $0x38;
	[tilespmem:$0x10000] =	vst v63  }
0x6d: {  	s1 =	rddreg [dreg:$0x13]  }
0x6e: {  	[hbm4b:s1+s2] =	stream.linear.scatter [tilespmem:s31], [sflag:$0x4], $0x8000, $0x38;
	[tilespmem:$0x10000] =	vst v63  }
0x6f: {  	_ = 	snop  }
0x70: {  	[hbm4b:s28+s2] =	stream.linear.scatter [tilespmem:s31], [sflag:$0x4], $0x8000, $0x38;
	[tilespmem:$0x10000] =	vst v63  }
0x71: {  	_ = 	snop  }
0x72: {  	[hbm4b:s29+s2] =	stream.linear.scatter [tilespmem:s31], [sflag:$0x4], $0x8000, $0x38;
	[tilespmem:$0x10000] =	vst v63  }
0x73: {  	_ = 	snop  }
0x74: {  	[hbm4b:s30+s2] =	stream.linear.scatter [tilespmem:s31], [sflag:$0x4], $0x8000, $0x38;
	[tilespmem:$0x10000] =	vst v63  }
0x75: {  	_ =	swait.ge [sflag:s21], $0x8000  }
0x76: {  	[sflag:s21] =	ssyncset.done $0x0  }
0x77: {  	[sflag:s21] =	ssyncadd.s32 $0xFFFF8000  }
0x78: {  	_ =	swait.ge [sflag:s3], $0x8000  }
0x79: {  	[sflag:s3] =	ssyncset.done $0x0  }
0x7a: {  	[sflag:s3] =	ssyncadd.s32 $0xFFFF8000  }
0x7b: {  	_ =	swait.ge [sflag:s3], $0x8000  }
0x7c: {  	[sflag:s3] =	ssyncset.done $0x0  }
0x7d: {  	[sflag:s3] =	ssyncadd.s32 $0xFFFF8000  }
0x7e: {  	_ =	swait.ge [sflag:s3], $0x8000  }
0x7f: {  	[sflag:s3] =	ssyncset.done $0x0  }
0x80: {  	[sflag:s3] =	ssyncadd.s32 $0xFFFF8000  }
0x81: {  	_ =	swait.ge [sflag:s3], $0x8000  }
0x82: {  	[sflag:s3] =	ssyncset.done $0x0  }
0x83: {  	[sflag:s3] =	ssyncadd.s32 $0xFFFF8000  }
0x84: {  	[tilespmem:s31], [sflag:$0x2] =	stream.linear.gather [hbm4b:s22+s2], $0x8000, $0x38;
	[tilespmem:$0x10000] =	vst v63  }
0x85: {  	_ = 	snop  }
0x86: {  	[hbm4b:s23+s2] =	stream.linear.scatter [tilespmem:s2], [sflag:$0x3], $0x8000, $0x38;
	[tilespmem:$0x10000] =	vst v63  }
0x87: {  	_ = 	snop  }
0x88: {  	[hbm4b:s24+s2] =	stream.linear.scatter [tilespmem:s2], [sflag:$0x3], $0x8000, $0x38;
	[tilespmem:$0x10000] =	vst v63  }
0x89: {  	_ = 	snop  }
0x8a: {  	[hbm4b:s25+s2] =	stream.linear.scatter [tilespmem:s2], [sflag:$0x3], $0x8000, $0x38;
	[tilespmem:$0x10000] =	vst v63  }
0x8b: {  	_ = 	snop  }
0x8c: {  	[hbm4b:s26+s2] =	stream.linear.scatter [tilespmem:s2], [sflag:$0x3], $0x8000, $0x38;
	[tilespmem:$0x10000] =	vst v63  }
0x8d: {  	_ =	swait.ge [sflag:s15], $0x8000  }
0x8e: {  	[sflag:s15] =	ssyncset.done $0x0  }
0x8f: {  	[sflag:s15] =	ssyncadd.s32 $0xFFFF8000  }
0x90: {  	_ =	swait.ge [sflag:s4], $0x8000  }
0x91: {  	[sflag:s4] =	ssyncset.done $0x0  }
0x92: {  	[sflag:s4] =	ssyncadd.s32 $0xFFFF8000  }
0x93: {  	_ =	swait.ge [sflag:s4], $0x8000  }
0x94: {  	[sflag:s4] =	ssyncset.done $0x0  }
0x95: {  	[sflag:s4] =	ssyncadd.s32 $0xFFFF8000  }
0x96: {  	_ =	swait.ge [sflag:s4], $0x8000  }
0x97: {  	[sflag:s4] =	ssyncset.done $0x0  }
0x98: {  	[sflag:s4] =	ssyncadd.s32 $0xFFFF8000  }
0x99: {  	_ =	swait.ge [sflag:s4], $0x8000  }
0x9a: {  	[sflag:s4] =	ssyncset.done $0x0  }
0x9b: {  	[sflag:s4] =	ssyncadd.s32 $0xFFFF8000  }
0x9c: {  	[tilespmem:s2], [sflag:$0x1] =	stream.linear.gather [hbm4b:s16+s2], $0x8000, $0x38;
	[tilespmem:$0x10000] =	vst v63  }
0x9d: {  	_ = 	snop  }
0x9e: {  	[hbm4b:s17+s2] =	stream.linear.scatter [tilespmem:s31], [sflag:$0x4], $0x8000, $0x38;
	[tilespmem:$0x10000] =	vst v63  }
0x9f: {  	_ = 	snop  }
0xa0: {  	[hbm4b:s18+s2] =	stream.linear.scatter [tilespmem:s31], [sflag:$0x4], $0x8000, $0x38;
	[tilespmem:$0x10000] =	vst v63  }
0xa1: {  	_ = 	snop  }
0xa2: {  	[hbm4b:s19+s2] =	stream.linear.scatter [tilespmem:s31], [sflag:$0x4], $0x8000, $0x38;
	[tilespmem:$0x10000] =	vst v63  }
0xa3: {  	_ = 	snop  }
0xa4: {  	[hbm4b:s20+s2] =	stream.linear.scatter [tilespmem:s31], [sflag:$0x4], $0x8000, $0x38;
	[tilespmem:$0x10000] =	vst v63  }
0xa5: {  	_ =	swait.ge [sflag:s21], $0x8000  }
0xa6: {  	[sflag:s21] =	ssyncset.done $0x0  }
0xa7: {  	[sflag:s21] =	ssyncadd.s32 $0xFFFF8000  }
0xa8: {  	_ =	swait.ge [sflag:s3], $0x8000  }
0xa9: {  	[sflag:s3] =	ssyncset.done $0x0  }
0xaa: {  	[sflag:s3] =	ssyncadd.s32 $0xFFFF8000  }
0xab: {  	_ =	swait.ge [sflag:s3], $0x8000  }
0xac: {  	[sflag:s3] =	ssyncset.done $0x0  }
0xad: {  	[sflag:s3] =	ssyncadd.s32 $0xFFFF8000  }
0xae: {  	_ =	swait.ge [sflag:s3], $0x8000  }
0xaf: {  	[sflag:s3] =	ssyncset.done $0x0  }
0xb0: {  	[sflag:s3] =	ssyncadd.s32 $0xFFFF8000  }
0xb1: {  	_ =	swait.ge [sflag:s3], $0x8000  }
0xb2: {  	[sflag:s3] =	ssyncset.done $0x0  }
0xb3: {  	[sflag:s3] =	ssyncadd.s32 $0xFFFF8000  }
0xb4: {  	[tilespmem:s31], [sflag:$0x2] =	stream.linear.gather [hbm4b:s8+s2], $0x8000, $0x38;
	[tilespmem:$0x10000] =	vst v63  }
0xb5: {  	_ = 	snop  }
0xb6: {  	[hbm4b:s9+s2] =	stream.linear.scatter [tilespmem:s2], [sflag:$0x3], $0x8000, $0x38;
	[tilespmem:$0x10000] =	vst v63  }
0xb7: {  	_ = 	snop  }
0xb8: {  	[hbm4b:s10+s2] =	stream.linear.scatter [tilespmem:s2], [sflag:$0x3], $0x8000, $0x38;
	[tilespmem:$0x10000] =	vst v63  }
0xb9: {  	_ = 	snop  }
0xba: {  	[hbm4b:s11+s2] =	stream.linear.scatter [tilespmem:s2], [sflag:$0x3], $0x8000, $0x38;
	[tilespmem:$0x10000] =	vst v63  }
0xbb: {  	_ = 	snop  }
0xbc: {  	[hbm4b:s12+s2] =	stream.linear.scatter [tilespmem:s2], [sflag:$0x3], $0x8000, $0x38;
	[tilespmem:$0x10000] =	vst v63  }
0xbd: {  	_ =	swait.ge [sflag:s15], $0x8000  }
0xbe: {  	[sflag:s15] =	ssyncset.done $0x0  }
0xbf: {  	[sflag:s15] =	ssyncadd.s32 $0xFFFF8000  }
0xc0: {  	[hbm4b:s5+s2] =	stream.linear.scatter [tilespmem:s31], [sflag:$0x4], $0x8000, $0x38;
	[tilespmem:$0x10000] =	vst v63  }
0xc1: {  	_ = 	snop  }
0xc2: {  	[hbm4b:s6+s2] =	stream.linear.scatter [tilespmem:s31], [sflag:$0x4], $0x8000, $0x38;
	[tilespmem:$0x10000] =	vst v63  }
0xc3: {  	_ = 	snop  }
0xc4: {  	[hbm4b:s7+s2] =	stream.linear.scatter [tilespmem:s31], [sflag:$0x4], $0x8000, $0x38;
	[tilespmem:$0x10000] =	vst v63  }
0xc5: {  	_ = 	snop  }
0xc6: {  	[hbm4b:s13+s2] =	stream.linear.scatter [tilespmem:s31], [sflag:$0x4], $0x8000, $0x38;
	[tilespmem:$0x10000] =	vst v63  }
0xc7: {  	_ =	swait.ge [sflag:s4], $0x8000  }
0xc8: {  	[sflag:s4] =	ssyncset.done $0x0  }
0xc9: {  	[sflag:s4] =	ssyncadd.s32 $0xFFFF8000  }
0xca: {  	_ =	swait.ge [sflag:s4], $0x8000  }
0xcb: {  	[sflag:s4] =	ssyncset.done $0x0  }
0xcc: {  	[sflag:s4] =	ssyncadd.s32 $0xFFFF8000  }
0xcd: {  	_ =	swait.ge [sflag:s4], $0x8000  }
0xce: {  	[sflag:s4] =	ssyncset.done $0x0  }
0xcf: {  	[sflag:s4] =	ssyncadd.s32 $0xFFFF8000  }
0xd0: {  	_ =	swait.ge [sflag:s4], $0x8000  }
0xd1: {  	[sflag:s4] =	ssyncset.done $0x0  }
0xd2: {  	[sflag:s4] =	ssyncadd.s32 $0xFFFF8000  }
0xd3: {  	_ =	swait.ge [sflag:s3], $0x8000  }
0xd4: {  	[sflag:s3] =	ssyncset.done $0x0  }
0xd5: {  	[sflag:s3] =	ssyncadd.s32 $0xFFFF8000  }
0xd6: {  	_ =	swait.ge [sflag:s3], $0x8000  }
0xd7: {  	[sflag:s3] =	ssyncset.done $0x0  }
0xd8: {  	[sflag:s3] =	ssyncadd.s32 $0xFFFF8000  }
0xd9: {  	_ =	swait.ge [sflag:s3], $0x8000  }
0xda: {  	s1 =	rddreg [dreg:$0x15]  }
0xdb: {  	p1 =	sne.s32 s1, $0x1  }
.Ltmp1:
0xdc: {  	_ = 	snop;
	(pc) =	sbr.rel @!p1 .LBB2_3-.Ltmp1, $4  }
0xdd: {  	[sflag:s3] =	ssyncset.done $0x0  }
0xde: {  	[sflag:s3] =	ssyncadd.s32 $0xFFFF8000  }
0xdf: {  	p0 =	por $0x1, $0x1;
	_ =	swait.ge [sflag:s3], $0x8000;
	[dreg:$0x14] =	wrdreg s14  }
0xe0: {  	s0 =	sadd.s32 $0xFFFFFFFF, s1;
	s1 =	rddreg [dreg:$0x3];
	[sflag:s3] =	ssyncset.done $0x0  }
.LBB2_2:
0xe1: {  	[sflag:s3] =	ssyncadd.s32 $0xFFFF8000  }
0xe2: {  	[tilespmem:s2], [sflag:$0x1] =	stream.linear.gather [hbm4b:s1+s2], $0x8000, $0x38;
	[tilespmem:$0x10000] =	vst v63  }
0xe3: {  	_ =	swait.ge [sflag:s21], $0x8000  }
0xe4: {  	[sflag:s21] =	ssyncset.done $0x0  }
0xe5: {  	s15 =	rddreg [dreg:$0x4];
	[sflag:s21] =	ssyncadd.s32 $0xFFFF8000  }
0xe6: {  	[tilespmem:s31], [sflag:$0x2] =	stream.linear.gather [hbm4b:s15+s2], $0x8000, $0x38;
	[tilespmem:$0x10000] =	vst v63  }
0xe7: {  	s1 =	rddreg [dreg:$0x5];
	s15 =	smov.u32 s30;
	s30 =	smov.u32 s29  }
0xe8: {  	s29 =	smov.u32 s28;
	s28 =	smov.u32 s26;
	s26 =	smov.u32 s25  }
0xe9: {  	s25 =	smov.u32 s24;
	s24 =	smov.u32 s23;
	s23 =	smov.u32 s22  }
0xea: {  	s22 =	smov.u32 s20;
	s20 =	smov.u32 s19;
	s19 =	smov.u32 s18  }
0xeb: {  	s18 =	smov.u32 s17;
	s17 =	smov.u32 s16;
	s16 =	smov.u32 s13  }
0xec: {  	s13 =	smov.u32 s12;
	s12 =	smov.u32 s11;
	s11 =	smov.u32 s10  }
0xed: {  	[hbm4b:s14+s2] =	stream.linear.scatter [tilespmem:s2], [sflag:$0x3], $0x8000, $0x38;
	[tilespmem:$0x10000] =	vst v63  }
0xee: {  	s10 =	smov.u32 s9;
	s9 =	smov.u32 s8;
	s8 =	smov.u32 s7  }
0xef: {  	[hbm4b:s1+s2] =	stream.linear.scatter [tilespmem:s2], [sflag:$0x3], $0x8000, $0x38;
	[tilespmem:$0x10000] =	vst v63  }
0xf0: {  	s7 =	smov.u32 s6;
	s6 =	smov.u32 s5;
	s5 =	rddreg [dreg:$0x6]  }
0xf1: {  	[hbm4b:s5+s2] =	stream.linear.scatter [tilespmem:s2], [sflag:$0x3], $0x8000, $0x38;
	[tilespmem:$0x10000] =	vst v63  }
0xf2: {  	s21 =	simm.s32 $0x2;
	s1 =	rddreg [dreg:$0x7]  }
0xf3: {  	[hbm4b:s1+s2] =	stream.linear.scatter [tilespmem:s2], [sflag:$0x3], $0x8000, $0x38;
	[tilespmem:$0x10000] =	vst v63  }
0xf4: {  	_ =	swait.ge [sflag:s21], $0x8000  }
0xf5: {  	[sflag:s21] =	ssyncset.done $0x0  }
0xf6: {  	[sflag:s21] =	ssyncadd.s32 $0xFFFF8000  }
0xf7: {  	_ =	swait.ge [sflag:s4], $0x8000  }
0xf8: {  	[sflag:s4] =	ssyncset.done $0x0  }
0xf9: {  	[sflag:s4] =	ssyncadd.s32 $0xFFFF8000  }
0xfa: {  	_ =	swait.ge [sflag:s4], $0x8000  }
0xfb: {  	[sflag:s4] =	ssyncset.done $0x0  }
0xfc: {  	[sflag:s4] =	ssyncadd.s32 $0xFFFF8000  }
0xfd: {  	_ =	swait.ge [sflag:s4], $0x8000  }
0xfe: {  	[sflag:s4] =	ssyncset.done $0x0  }
0xff: {  	[sflag:s4] =	ssyncadd.s32 $0xFFFF8000  }
0x100: {  	_ =	swait.ge [sflag:s4], $0x8000  }
0x101: {  	[sflag:s4] =	ssyncset.done $0x0  }
0x102: {  	s1 =	rddreg [dreg:$0x8];
	[sflag:s4] =	ssyncadd.s32 $0xFFFF8000  }
0x103: {  	[tilespmem:s2], [sflag:$0x1] =	stream.linear.gather [hbm4b:s1+s2], $0x8000, $0x38;
	[tilespmem:$0x10000] =	vst v63  }
0x104: {  	s5 =	rddreg [dreg:$0x9]  }
0x105: {  	[hbm4b:s5+s2] =	stream.linear.scatter [tilespmem:s31], [sflag:$0x4], $0x8000, $0x38;
	[tilespmem:$0x10000] =	vst v63  }
0x106: {  	s1 =	rddreg [dreg:$0xa]  }
0x107: {  	[hbm4b:s1+s2] =	stream.linear.scatter [tilespmem:s31], [sflag:$0x4], $0x8000, $0x38;
	[tilespmem:$0x10000] =	vst v63  }
0x108: {  	s5 =	rddreg [dreg:$0xb]  }
0x109: {  	[hbm4b:s5+s2] =	stream.linear.scatter [tilespmem:s31], [sflag:$0x4], $0x8000, $0x38;
	[tilespmem:$0x10000] =	vst v63  }
0x10a: {  	s14 =	simm.s32 $0x1;
	s1 =	rddreg [dreg:$0xc]  }
0x10b: {  	[hbm4b:s1+s2] =	stream.linear.scatter [tilespmem:s31], [sflag:$0x4], $0x8000, $0x38;
	[tilespmem:$0x10000] =	vst v63  }
0x10c: {  	_ =	swait.ge [sflag:s14], $0x8000  }
0x10d: {  	[sflag:s14] =	ssyncset.done $0x0  }
0x10e: {  	[sflag:s14] =	ssyncadd.s32 $0xFFFF8000  }
0x10f: {  	_ =	swait.ge [sflag:s3], $0x8000  }
0x110: {  	[sflag:s3] =	ssyncset.done $0x0  }
0x111: {  	[sflag:s3] =	ssyncadd.s32 $0xFFFF8000  }
0x112: {  	_ =	swait.ge [sflag:s3], $0x8000  }
0x113: {  	[sflag:s3] =	ssyncset.done $0x0  }
0x114: {  	[sflag:s3] =	ssyncadd.s32 $0xFFFF8000  }
0x115: {  	_ =	swait.ge [sflag:s3], $0x8000  }
0x116: {  	[sflag:s3] =	ssyncset.done $0x0  }
0x117: {  	[sflag:s3] =	ssyncadd.s32 $0xFFFF8000  }
0x118: {  	_ =	swait.ge [sflag:s3], $0x8000  }
0x119: {  	[sflag:s3] =	ssyncset.done $0x0  }
0x11a: {  	s14 =	rddreg [dreg:$0xd];
	[sflag:s3] =	ssyncadd.s32 $0xFFFF8000  }
0x11b: {  	[tilespmem:s31], [sflag:$0x2] =	stream.linear.gather [hbm4b:s14+s2], $0x8000, $0x38;
	[tilespmem:$0x10000] =	vst v63  }
0x11c: {  	s5 =	rddreg [dreg:$0xe]  }
0x11d: {  	[hbm4b:s5+s2] =	stream.linear.scatter [tilespmem:s2], [sflag:$0x3], $0x8000, $0x38;
	[tilespmem:$0x10000] =	vst v63  }
0x11e: {  	s14 =	rddreg [dreg:$0xf]  }
0x11f: {  	[hbm4b:s14+s2] =	stream.linear.scatter [tilespmem:s2], [sflag:$0x3], $0x8000, $0x38;
	[tilespmem:$0x10000] =	vst v63  }
0x120: {  	s5 =	rddreg [dreg:$0x10]  }
0x121: {  	[hbm4b:s5+s2] =	stream.linear.scatter [tilespmem:s2], [sflag:$0x3], $0x8000, $0x38;
	[tilespmem:$0x10000] =	vst v63  }
0x122: {  	s14 =	rddreg [dreg:$0x11]  }
0x123: {  	[hbm4b:s14+s2] =	stream.linear.scatter [tilespmem:s2], [sflag:$0x3], $0x8000, $0x38;
	[tilespmem:$0x10000] =	vst v63  }
0x124: {  	_ =	swait.ge [sflag:s21], $0x8000  }
0x125: {  	[sflag:s21] =	ssyncset.done $0x0  }
0x126: {  	[sflag:s21] =	ssyncadd.s32 $0xFFFF8000  }
0x127: {  	_ =	swait.ge [sflag:s4], $0x8000  }
0x128: {  	[sflag:s4] =	ssyncset.done $0x0  }
0x129: {  	[sflag:s4] =	ssyncadd.s32 $0xFFFF8000  }
0x12a: {  	_ =	swait.ge [sflag:s4], $0x8000  }
0x12b: {  	s1 =	smov.u32 s7;
	[sflag:s4] =	ssyncset.done $0x0  }
0x12c: {  	s7 =	smov.u32 s8;
	s8 =	smov.u32 s9;
	[sflag:s4] =	ssyncadd.s32 $0xFFFF8000  }
0x12d: {  	s9 =	smov.u32 s10;
	s10 =	smov.u32 s11;
	_ =	swait.ge [sflag:s4], $0x8000  }
0x12e: {  	s11 =	smov.u32 s12;
	s12 =	smov.u32 s13;
	[sflag:s4] =	ssyncset.done $0x0  }
0x12f: {  	s13 =	smov.u32 s16;
	s16 =	smov.u32 s17;
	[sflag:s4] =	ssyncadd.s32 $0xFFFF8000  }
0x130: {  	s17 =	smov.u32 s18;
	s18 =	smov.u32 s19;
	_ =	swait.ge [sflag:s4], $0x8000  }
0x131: {  	s19 =	smov.u32 s20;
	s20 =	smov.u32 s22;
	[sflag:s4] =	ssyncset.done $0x0  }
0x132: {  	s22 =	smov.u32 s23;
	s5 =	rddreg [dreg:$0x12];
	[sflag:s4] =	ssyncadd.s32 $0xFFFF8000  }
0x133: {  	[tilespmem:s2], [sflag:$0x1] =	stream.linear.gather [hbm4b:s5+s2], $0x8000, $0x38;
	[tilespmem:$0x10000] =	vst v63  }
0x134: {  	s23 =	smov.u32 s24;
	s24 =	smov.u32 s25;
	s14 =	rddreg [dreg:$0x13]  }
0x135: {  	[hbm4b:s14+s2] =	stream.linear.scatter [tilespmem:s31], [sflag:$0x4], $0x8000, $0x38;
	[tilespmem:$0x10000] =	vst v63  }
0x136: {  	s25 =	smov.u32 s26;
	s26 =	smov.u32 s28;
	s28 =	smov.u32 s29  }
0x137: {  	[hbm4b:s28+s2] =	stream.linear.scatter [tilespmem:s31], [sflag:$0x4], $0x8000, $0x38;
	[tilespmem:$0x10000] =	vst v63  }
0x138: {  	s29 =	smov.u32 s30  }
0x139: {  	[hbm4b:s29+s2] =	stream.linear.scatter [tilespmem:s31], [sflag:$0x4], $0x8000, $0x38;
	[tilespmem:$0x10000] =	vst v63  }
0x13a: {  	s30 =	smov.u32 s15;
	s21 =	simm.s32 $0x1  }
0x13b: {  	[hbm4b:s30+s2] =	stream.linear.scatter [tilespmem:s31], [sflag:$0x4], $0x8000, $0x38;
	[tilespmem:$0x10000] =	vst v63  }
0x13c: {  	s14 =	rddreg [dreg:$0x14];
	_ =	swait.ge [sflag:s21], $0x8000  }
0x13d: {  	[sflag:s21] =	ssyncset.done $0x0  }
0x13e: {  	[sflag:s21] =	ssyncadd.s32 $0xFFFF8000  }
0x13f: {  	_ =	swait.ge [sflag:s3], $0x8000  }
0x140: {  	[sflag:s3] =	ssyncset.done $0x0  }
0x141: {  	[sflag:s3] =	ssyncadd.s32 $0xFFFF8000  }
0x142: {  	_ =	swait.ge [sflag:s3], $0x8000  }
0x143: {  	[sflag:s3] =	ssyncset.done $0x0  }
0x144: {  	[sflag:s3] =	ssyncadd.s32 $0xFFFF8000  }
0x145: {  	_ =	swait.ge [sflag:s3], $0x8000  }
0x146: {  	[sflag:s3] =	ssyncset.done $0x0  }
0x147: {  	[sflag:s3] =	ssyncadd.s32 $0xFFFF8000  }
0x148: {  	_ =	swait.ge [sflag:s3], $0x8000  }
0x149: {  	[sflag:s3] =	ssyncset.done $0x0  }
0x14a: {  	[sflag:s3] =	ssyncadd.s32 $0xFFFF8000  }
0x14b: {  	[tilespmem:s31], [sflag:$0x2] =	stream.linear.gather [hbm4b:s22+s2], $0x8000, $0x38;
	[tilespmem:$0x10000] =	vst v63  }
0x14c: {  	_ = 	snop  }
0x14d: {  	[hbm4b:s23+s2] =	stream.linear.scatter [tilespmem:s2], [sflag:$0x3], $0x8000, $0x38;
	[tilespmem:$0x10000] =	vst v63  }
0x14e: {  	_ = 	snop  }
0x14f: {  	[hbm4b:s24+s2] =	stream.linear.scatter [tilespmem:s2], [sflag:$0x3], $0x8000, $0x38;
	[tilespmem:$0x10000] =	vst v63  }
0x150: {  	_ = 	snop  }
0x151: {  	[hbm4b:s25+s2] =	stream.linear.scatter [tilespmem:s2], [sflag:$0x3], $0x8000, $0x38;
	[tilespmem:$0x10000] =	vst v63  }
0x152: {  	s15 =	simm.s32 $0x2  }
0x153: {  	[hbm4b:s26+s2] =	stream.linear.scatter [tilespmem:s2], [sflag:$0x3], $0x8000, $0x38;
	[tilespmem:$0x10000] =	vst v63  }
0x154: {  	_ =	swait.ge [sflag:s15], $0x8000  }
0x155: {  	[sflag:s15] =	ssyncset.done $0x0  }
0x156: {  	[sflag:s15] =	ssyncadd.s32 $0xFFFF8000  }
0x157: {  	_ =	swait.ge [sflag:s4], $0x8000  }
0x158: {  	[sflag:s4] =	ssyncset.done $0x0  }
0x159: {  	[sflag:s4] =	ssyncadd.s32 $0xFFFF8000  }
0x15a: {  	_ =	swait.ge [sflag:s4], $0x8000  }
0x15b: {  	[sflag:s4] =	ssyncset.done $0x0  }
0x15c: {  	[sflag:s4] =	ssyncadd.s32 $0xFFFF8000  }
0x15d: {  	_ =	swait.ge [sflag:s4], $0x8000  }
0x15e: {  	[sflag:s4] =	ssyncset.done $0x0  }
0x15f: {  	[sflag:s4] =	ssyncadd.s32 $0xFFFF8000  }
0x160: {  	_ =	swait.ge [sflag:s4], $0x8000  }
0x161: {  	[sflag:s4] =	ssyncset.done $0x0  }
0x162: {  	[sflag:s4] =	ssyncadd.s32 $0xFFFF8000  }
0x163: {  	[tilespmem:s2], [sflag:$0x1] =	stream.linear.gather [hbm4b:s16+s2], $0x8000, $0x38;
	[tilespmem:$0x10000] =	vst v63  }
0x164: {  	_ = 	snop  }
0x165: {  	[hbm4b:s17+s2] =	stream.linear.scatter [tilespmem:s31], [sflag:$0x4], $0x8000, $0x38;
	[tilespmem:$0x10000] =	vst v63  }
0x166: {  	_ = 	snop  }
0x167: {  	[hbm4b:s18+s2] =	stream.linear.scatter [tilespmem:s31], [sflag:$0x4], $0x8000, $0x38;
	[tilespmem:$0x10000] =	vst v63  }
0x168: {  	_ = 	snop  }
0x169: {  	[hbm4b:s19+s2] =	stream.linear.scatter [tilespmem:s31], [sflag:$0x4], $0x8000, $0x38;
	[tilespmem:$0x10000] =	vst v63  }
0x16a: {  	_ = 	snop  }
0x16b: {  	[hbm4b:s20+s2] =	stream.linear.scatter [tilespmem:s31], [sflag:$0x4], $0x8000, $0x38;
	[tilespmem:$0x10000] =	vst v63  }
0x16c: {  	_ =	swait.ge [sflag:s21], $0x8000  }
0x16d: {  	[sflag:s21] =	ssyncset.done $0x0  }
0x16e: {  	[sflag:s21] =	ssyncadd.s32 $0xFFFF8000  }
0x16f: {  	_ =	swait.ge [sflag:s3], $0x8000  }
0x170: {  	[sflag:s3] =	ssyncset.done $0x0  }
0x171: {  	[sflag:s3] =	ssyncadd.s32 $0xFFFF8000  }
0x172: {  	_ =	swait.ge [sflag:s3], $0x8000  }
0x173: {  	[sflag:s3] =	ssyncset.done $0x0  }
0x174: {  	[sflag:s3] =	ssyncadd.s32 $0xFFFF8000  }
0x175: {  	_ =	swait.ge [sflag:s3], $0x8000  }
0x176: {  	[sflag:s3] =	ssyncset.done $0x0  }
0x177: {  	[sflag:s3] =	ssyncadd.s32 $0xFFFF8000  }
0x178: {  	_ =	swait.ge [sflag:s3], $0x8000  }
0x179: {  	[sflag:s3] =	ssyncset.done $0x0  }
0x17a: {  	[sflag:s3] =	ssyncadd.s32 $0xFFFF8000  }
0x17b: {  	[tilespmem:s31], [sflag:$0x2] =	stream.linear.gather [hbm4b:s8+s2], $0x8000, $0x38;
	[tilespmem:$0x10000] =	vst v63  }
0x17c: {  	_ = 	snop  }
0x17d: {  	[hbm4b:s9+s2] =	stream.linear.scatter [tilespmem:s2], [sflag:$0x3], $0x8000, $0x38;
	[tilespmem:$0x10000] =	vst v63  }
0x17e: {  	_ = 	snop  }
0x17f: {  	[hbm4b:s10+s2] =	stream.linear.scatter [tilespmem:s2], [sflag:$0x3], $0x8000, $0x38;
	[tilespmem:$0x10000] =	vst v63  }
0x180: {  	_ = 	snop  }
0x181: {  	[hbm4b:s11+s2] =	stream.linear.scatter [tilespmem:s2], [sflag:$0x3], $0x8000, $0x38;
	[tilespmem:$0x10000] =	vst v63  }
0x182: {  	_ = 	snop  }
0x183: {  	[hbm4b:s12+s2] =	stream.linear.scatter [tilespmem:s2], [sflag:$0x3], $0x8000, $0x38;
	[tilespmem:$0x10000] =	vst v63  }
0x184: {  	_ =	swait.ge [sflag:s15], $0x8000  }
0x185: {  	[sflag:s15] =	ssyncset.done $0x0  }
0x186: {  	[sflag:s15] =	ssyncadd.s32 $0xFFFF8000  }
0x187: {  	[hbm4b:s6+s2] =	stream.linear.scatter [tilespmem:s31], [sflag:$0x4], $0x8000, $0x38;
	[tilespmem:$0x10000] =	vst v63  }
0x188: {  	_ = 	snop  }
0x189: {  	[hbm4b:s1+s2] =	stream.linear.scatter [tilespmem:s31], [sflag:$0x4], $0x8000, $0x38;
	[tilespmem:$0x10000] =	vst v63  }
0x18a: {  	_ = 	snop  }
0x18b: {  	[hbm4b:s7+s2] =	stream.linear.scatter [tilespmem:s31], [sflag:$0x4], $0x8000, $0x38;
	[tilespmem:$0x10000] =	vst v63  }
0x18c: {  	_ = 	snop  }
0x18d: {  	[hbm4b:s13+s2] =	stream.linear.scatter [tilespmem:s31], [sflag:$0x4], $0x8000, $0x38;
	[tilespmem:$0x10000] =	vst v63  }
0x18e: {  	_ =	swait.ge [sflag:s4], $0x8000  }
0x18f: {  	[sflag:s4] =	ssyncset.done $0x0  }
0x190: {  	[sflag:s4] =	ssyncadd.s32 $0xFFFF8000  }
0x191: {  	_ =	swait.ge [sflag:s4], $0x8000  }
0x192: {  	[sflag:s4] =	ssyncset.done $0x0  }
0x193: {  	[sflag:s4] =	ssyncadd.s32 $0xFFFF8000  }
0x194: {  	_ =	swait.ge [sflag:s4], $0x8000  }
0x195: {  	[sflag:s4] =	ssyncset.done $0x0  }
0x196: {  	[sflag:s4] =	ssyncadd.s32 $0xFFFF8000  }
0x197: {  	_ =	swait.ge [sflag:s4], $0x8000  }
0x198: {  	[sflag:s4] =	ssyncset.done $0x0  }
0x199: {  	[sflag:s4] =	ssyncadd.s32 $0xFFFF8000  }
0x19a: {  	_ =	swait.ge [sflag:s3], $0x8000  }
0x19b: {  	[sflag:s3] =	ssyncset.done $0x0  }
0x19c: {  	[sflag:s3] =	ssyncadd.s32 $0xFFFF8000  }
0x19d: {  	_ =	swait.ge [sflag:s3], $0x8000  }
0x19e: {  	[sflag:s3] =	ssyncset.done $0x0  }
0x19f: {  	p1 =	sne.s32 s0, $0x1;
	[sflag:s3] =	ssyncadd.s32 $0xFFFF8000  }
.Ltmp2:
0x1a0: {  	_ =	swait.ge [sflag:s3], $0x8000;
	(pc) =	sbr.rel @p1 .LBB2_2-.Ltmp2, $4  }
0x1a1: {  	[sflag:s3] =	ssyncset.done $0x0  }
0x1a2: {  	[sflag:s3] =	ssyncadd.s32 $0xFFFF8000  }
0x1a3: {  	s0 =	sadd.s32 $0xFFFFFFFF, s0;
	s5 =	smov.u32 s6;
	_ =	swait.ge [sflag:s3], $0x8000  }
0x1a4: {  	s6 =	smov.u32 s1;
	s1 =	rddreg [dreg:$0x3];
	[sflag:s3] =	ssyncset.done $0x0  }
.LBB2_3:
0x1a5: {  	[sflag:s3] =	ssyncadd.s32 @p0 $0xFFFF8000  }
0x1a6: {  	[tilespmem:s2], [sflag:$0x1] =	stream.linear.gather [hbm4b:s1+s2], $0x8000, $0x38;
	[tilespmem:$0x10000] =	vst v63  }
0x1a7: {  	_ =	swait.ge [sflag:s21], $0x8000  }
0x1a8: {  	[sflag:s21] =	ssyncset.done $0x0  }
0x1a9: {  	s0 =	rddreg [dreg:$0x4];
	[sflag:s21] =	ssyncadd.s32 $0xFFFF8000  }
0x1aa: {  	[tilespmem:s31], [sflag:$0x2] =	stream.linear.gather [hbm4b:s0+s2], $0x8000, $0x38;
	[tilespmem:$0x10000] =	vst v63  }
0x1ab: {  	_ = 	snop  }
0x1ac: {  	[hbm4b:s14+s2] =	stream.linear.scatter [tilespmem:s2], [sflag:$0x3], $0x8000, $0x38;
	[tilespmem:$0x10000] =	vst v63  }
0x1ad: {  	s0 =	rddreg [dreg:$0x5]  }
0x1ae: {  	[hbm4b:s0+s2] =	stream.linear.scatter [tilespmem:s2], [sflag:$0x3], $0x8000, $0x38;
	[tilespmem:$0x10000] =	vst v63  }
0x1af: {  	s1 =	rddreg [dreg:$0x6]  }
0x1b0: {  	[hbm4b:s1+s2] =	stream.linear.scatter [tilespmem:s2], [sflag:$0x3], $0x8000, $0x38;
	[tilespmem:$0x10000] =	vst v63  }
0x1b1: {  	s14 =	rddreg [dreg:$0x7]  }
0x1b2: {  	[hbm4b:s14+s2] =	stream.linear.scatter [tilespmem:s2], [sflag:$0x3], $0x8000, $0x38;
	[tilespmem:$0x10000] =	vst v63  }
0x1b3: {  	_ =	swait.ge [sflag:s15], $0x8000  }
0x1b4: {  	[sflag:s15] =	ssyncset.done $0x0  }
0x1b5: {  	[sflag:s15] =	ssyncadd.s32 $0xFFFF8000  }
0x1b6: {  	_ =	swait.ge [sflag:s4], $0x8000  }
0x1b7: {  	[sflag:s4] =	ssyncset.done $0x0  }
0x1b8: {  	[sflag:s4] =	ssyncadd.s32 $0xFFFF8000  }
0x1b9: {  	_ =	swait.ge [sflag:s4], $0x8000  }
0x1ba: {  	[sflag:s4] =	ssyncset.done $0x0  }
0x1bb: {  	[sflag:s4] =	ssyncadd.s32 $0xFFFF8000  }
0x1bc: {  	_ =	swait.ge [sflag:s4], $0x8000  }
0x1bd: {  	[sflag:s4] =	ssyncset.done $0x0  }
0x1be: {  	[sflag:s4] =	ssyncadd.s32 $0xFFFF8000  }
0x1bf: {  	_ =	swait.ge [sflag:s4], $0x8000  }
0x1c0: {  	[sflag:s4] =	ssyncset.done $0x0  }
0x1c1: {  	s14 =	rddreg [dreg:$0x8];
	[sflag:s4] =	ssyncadd.s32 $0xFFFF8000  }
0x1c2: {  	[tilespmem:s2], [sflag:$0x1] =	stream.linear.gather [hbm4b:s14+s2], $0x8000, $0x38;
	[tilespmem:$0x10000] =	vst v63  }
0x1c3: {  	s1 =	rddreg [dreg:$0x9]  }
0x1c4: {  	[hbm4b:s1+s2] =	stream.linear.scatter [tilespmem:s31], [sflag:$0x4], $0x8000, $0x38;
	[tilespmem:$0x10000] =	vst v63  }
0x1c5: {  	s14 =	rddreg [dreg:$0xa]  }
0x1c6: {  	[hbm4b:s14+s2] =	stream.linear.scatter [tilespmem:s31], [sflag:$0x4], $0x8000, $0x38;
	[tilespmem:$0x10000] =	vst v63  }
0x1c7: {  	s1 =	rddreg [dreg:$0xb]  }
0x1c8: {  	[hbm4b:s1+s2] =	stream.linear.scatter [tilespmem:s31], [sflag:$0x4], $0x8000, $0x38;
	[tilespmem:$0x10000] =	vst v63  }
0x1c9: {  	s14 =	rddreg [dreg:$0xc]  }
0x1ca: {  	[hbm4b:s14+s2] =	stream.linear.scatter [tilespmem:s31], [sflag:$0x4], $0x8000, $0x38;
	[tilespmem:$0x10000] =	vst v63  }
0x1cb: {  	_ =	swait.ge [sflag:s21], $0x8000  }
0x1cc: {  	[sflag:s21] =	ssyncset.done $0x0  }
0x1cd: {  	[sflag:s21] =	ssyncadd.s32 $0xFFFF8000  }
0x1ce: {  	_ =	swait.ge [sflag:s3], $0x8000  }
0x1cf: {  	[sflag:s3] =	ssyncset.done $0x0  }
0x1d0: {  	[sflag:s3] =	ssyncadd.s32 $0xFFFF8000  }
0x1d1: {  	_ =	swait.ge [sflag:s3], $0x8000  }
0x1d2: {  	[sflag:s3] =	ssyncset.done $0x0  }
0x1d3: {  	[sflag:s3] =	ssyncadd.s32 $0xFFFF8000  }
0x1d4: {  	_ =	swait.ge [sflag:s3], $0x8000  }
0x1d5: {  	[sflag:s3] =	ssyncset.done $0x0  }
0x1d6: {  	[sflag:s3] =	ssyncadd.s32 $0xFFFF8000  }
0x1d7: {  	_ =	swait.ge [sflag:s3], $0x8000  }
0x1d8: {  	[sflag:s3] =	ssyncset.done $0x0  }
0x1d9: {  	s14 =	rddreg [dreg:$0xd];
	[sflag:s3] =	ssyncadd.s32 $0xFFFF8000  }
0x1da: {  	[tilespmem:s31], [sflag:$0x2] =	stream.linear.gather [hbm4b:s14+s2], $0x8000, $0x38;
	[tilespmem:$0x10000] =	vst v63  }
0x1db: {  	s1 =	rddreg [dreg:$0xe]  }
0x1dc: {  	[hbm4b:s1+s2] =	stream.linear.scatter [tilespmem:s2], [sflag:$0x3], $0x8000, $0x38;
	[tilespmem:$0x10000] =	vst v63  }
0x1dd: {  	s14 =	rddreg [dreg:$0xf]  }
0x1de: {  	[hbm4b:s14+s2] =	stream.linear.scatter [tilespmem:s2], [sflag:$0x3], $0x8000, $0x38;
	[tilespmem:$0x10000] =	vst v63  }
0x1df: {  	s1 =	rddreg [dreg:$0x10]  }
0x1e0: {  	[hbm4b:s1+s2] =	stream.linear.scatter [tilespmem:s2], [sflag:$0x3], $0x8000, $0x38;
	[tilespmem:$0x10000] =	vst v63  }
0x1e1: {  	s14 =	rddreg [dreg:$0x11]  }
0x1e2: {  	[hbm4b:s14+s2] =	stream.linear.scatter [tilespmem:s2], [sflag:$0x3], $0x8000, $0x38;
	[tilespmem:$0x10000] =	vst v63  }
0x1e3: {  	_ =	swait.ge [sflag:s15], $0x8000  }
0x1e4: {  	[sflag:s15] =	ssyncset.done $0x0  }
0x1e5: {  	[sflag:s15] =	ssyncadd.s32 $0xFFFF8000  }
0x1e6: {  	_ =	swait.ge [sflag:s4], $0x8000  }
0x1e7: {  	[sflag:s4] =	ssyncset.done $0x0  }
0x1e8: {  	[sflag:s4] =	ssyncadd.s32 $0xFFFF8000  }
0x1e9: {  	_ =	swait.ge [sflag:s4], $0x8000  }
0x1ea: {  	[sflag:s4] =	ssyncset.done $0x0  }
0x1eb: {  	[sflag:s4] =	ssyncadd.s32 $0xFFFF8000  }
0x1ec: {  	_ =	swait.ge [sflag:s4], $0x8000  }
0x1ed: {  	[sflag:s4] =	ssyncset.done $0x0  }
0x1ee: {  	[sflag:s4] =	ssyncadd.s32 $0xFFFF8000  }
0x1ef: {  	_ =	swait.ge [sflag:s4], $0x8000  }
0x1f0: {  	[sflag:s4] =	ssyncset.done $0x0  }
0x1f1: {  	s1 =	rddreg [dreg:$0x12];
	[sflag:s4] =	ssyncadd.s32 $0xFFFF8000  }
0x1f2: {  	[tilespmem:s2], [sflag:$0x1] =	stream.linear.gather [hbm4b:s1+s2], $0x8000, $0x38;
	[tilespmem:$0x10000] =	vst v63  }
0x1f3: {  	s14 =	rddreg [dreg:$0x13]  }
0x1f4: {  	[hbm4b:s14+s2] =	stream.linear.scatter [tilespmem:s31], [sflag:$0x4], $0x8000, $0x38;
	[tilespmem:$0x10000] =	vst v63  }
0x1f5: {  	_ = 	snop  }
0x1f6: {  	[hbm4b:s28+s2] =	stream.linear.scatter [tilespmem:s31], [sflag:$0x4], $0x8000, $0x38;
	[tilespmem:$0x10000] =	vst v63  }
0x1f7: {  	_ = 	snop  }
0x1f8: {  	[hbm4b:s29+s2] =	stream.linear.scatter [tilespmem:s31], [sflag:$0x4], $0x8000, $0x38;
	[tilespmem:$0x10000] =	vst v63  }
0x1f9: {  	_ = 	snop  }
0x1fa: {  	[hbm4b:s30+s2] =	stream.linear.scatter [tilespmem:s31], [sflag:$0x4], $0x8000, $0x38;
	[tilespmem:$0x10000] =	vst v63  }
0x1fb: {  	_ =	swait.ge [sflag:s21], $0x8000  }
0x1fc: {  	[sflag:s21] =	ssyncset.done $0x0  }
0x1fd: {  	[sflag:s21] =	ssyncadd.s32 $0xFFFF8000  }
0x1fe: {  	_ =	swait.ge [sflag:s3], $0x8000  }
0x1ff: {  	[sflag:s3] =	ssyncset.done $0x0  }
0x200: {  	[sflag:s3] =	ssyncadd.s32 $0xFFFF8000  }
0x201: {  	_ =	swait.ge [sflag:s3], $0x8000  }
0x202: {  	[sflag:s3] =	ssyncset.done $0x0  }
0x203: {  	[sflag:s3] =	ssyncadd.s32 $0xFFFF8000  }
0x204: {  	_ =	swait.ge [sflag:s3], $0x8000  }
0x205: {  	[sflag:s3] =	ssyncset.done $0x0  }
0x206: {  	[sflag:s3] =	ssyncadd.s32 $0xFFFF8000  }
0x207: {  	_ =	swait.ge [sflag:s3], $0x8000  }
0x208: {  	[sflag:s3] =	ssyncset.done $0x0  }
0x209: {  	[sflag:s3] =	ssyncadd.s32 $0xFFFF8000  }
0x20a: {  	[tilespmem:s31], [sflag:$0x2] =	stream.linear.gather [hbm4b:s22+s2], $0x8000, $0x38;
	[tilespmem:$0x10000] =	vst v63  }
0x20b: {  	_ = 	snop  }
0x20c: {  	[hbm4b:s23+s2] =	stream.linear.scatter [tilespmem:s2], [sflag:$0x3], $0x8000, $0x38;
	[tilespmem:$0x10000] =	vst v63  }
0x20d: {  	_ = 	snop  }
0x20e: {  	[hbm4b:s24+s2] =	stream.linear.scatter [tilespmem:s2], [sflag:$0x3], $0x8000, $0x38;
	[tilespmem:$0x10000] =	vst v63  }
0x20f: {  	_ = 	snop  }
0x210: {  	[hbm4b:s25+s2] =	stream.linear.scatter [tilespmem:s2], [sflag:$0x3], $0x8000, $0x38;
	[tilespmem:$0x10000] =	vst v63  }
0x211: {  	_ = 	snop  }
0x212: {  	[hbm4b:s26+s2] =	stream.linear.scatter [tilespmem:s2], [sflag:$0x3], $0x8000, $0x38;
	[tilespmem:$0x10000] =	vst v63  }
0x213: {  	_ =	swait.ge [sflag:s15], $0x8000  }
0x214: {  	[sflag:s15] =	ssyncset.done $0x0  }
0x215: {  	[sflag:s15] =	ssyncadd.s32 $0xFFFF8000  }
0x216: {  	_ =	swait.ge [sflag:s4], $0x8000  }
0x217: {  	[sflag:s4] =	ssyncset.done $0x0  }
0x218: {  	[sflag:s4] =	ssyncadd.s32 $0xFFFF8000  }
0x219: {  	_ =	swait.ge [sflag:s4], $0x8000  }
0x21a: {  	[sflag:s4] =	ssyncset.done $0x0  }
0x21b: {  	[sflag:s4] =	ssyncadd.s32 $0xFFFF8000  }
0x21c: {  	_ =	swait.ge [sflag:s4], $0x8000  }
0x21d: {  	[sflag:s4] =	ssyncset.done $0x0  }
0x21e: {  	[sflag:s4] =	ssyncadd.s32 $0xFFFF8000  }
0x21f: {  	_ =	swait.ge [sflag:s4], $0x8000  }
0x220: {  	[sflag:s4] =	ssyncset.done $0x0  }
0x221: {  	[sflag:s4] =	ssyncadd.s32 $0xFFFF8000  }
0x222: {  	[tilespmem:s2], [sflag:$0x1] =	stream.linear.gather [hbm4b:s16+s2], $0x8000, $0x38;
	[tilespmem:$0x10000] =	vst v63  }
0x223: {  	_ = 	snop  }
0x224: {  	[hbm4b:s17+s2] =	stream.linear.scatter [tilespmem:s31], [sflag:$0x4], $0x8000, $0x38;
	[tilespmem:$0x10000] =	vst v63  }
0x225: {  	_ = 	snop  }
0x226: {  	[hbm4b:s18+s2] =	stream.linear.scatter [tilespmem:s31], [sflag:$0x4], $0x8000, $0x38;
	[tilespmem:$0x10000] =	vst v63  }
0x227: {  	_ = 	snop  }
0x228: {  	[hbm4b:s19+s2] =	stream.linear.scatter [tilespmem:s31], [sflag:$0x4], $0x8000, $0x38;
	[tilespmem:$0x10000] =	vst v63  }
0x229: {  	_ = 	snop  }
0x22a: {  	[hbm4b:s20+s2] =	stream.linear.scatter [tilespmem:s31], [sflag:$0x4], $0x8000, $0x38;
	[tilespmem:$0x10000] =	vst v63  }
0x22b: {  	_ =	swait.ge [sflag:s21], $0x8000  }
0x22c: {  	[sflag:s21] =	ssyncset.done $0x0  }
0x22d: {  	[sflag:s21] =	ssyncadd.s32 $0xFFFF8000  }
0x22e: {  	_ =	swait.ge [sflag:s3], $0x8000  }
0x22f: {  	[sflag:s3] =	ssyncset.done $0x0  }
0x230: {  	[sflag:s3] =	ssyncadd.s32 $0xFFFF8000  }
0x231: {  	_ =	swait.ge [sflag:s3], $0x8000  }
0x232: {  	[sflag:s3] =	ssyncset.done $0x0  }
0x233: {  	[sflag:s3] =	ssyncadd.s32 $0xFFFF8000  }
0x234: {  	_ =	swait.ge [sflag:s3], $0x8000  }
0x235: {  	[sflag:s3] =	ssyncset.done $0x0  }
0x236: {  	[sflag:s3] =	ssyncadd.s32 $0xFFFF8000  }
0x237: {  	_ =	swait.ge [sflag:s3], $0x8000  }
0x238: {  	[sflag:s3] =	ssyncset.done $0x0  }
0x239: {  	[sflag:s3] =	ssyncadd.s32 $0xFFFF8000  }
0x23a: {  	[tilespmem:s31], [sflag:$0x2] =	stream.linear.gather [hbm4b:s8+s2], $0x8000, $0x38;
	[tilespmem:$0x10000] =	vst v63  }
0x23b: {  	_ = 	snop  }
0x23c: {  	[hbm4b:s9+s2] =	stream.linear.scatter [tilespmem:s2], [sflag:$0x3], $0x8000, $0x38;
	[tilespmem:$0x10000] =	vst v63  }
0x23d: {  	_ = 	snop  }
0x23e: {  	[hbm4b:s10+s2] =	stream.linear.scatter [tilespmem:s2], [sflag:$0x3], $0x8000, $0x38;
	[tilespmem:$0x10000] =	vst v63  }
0x23f: {  	_ = 	snop  }
0x240: {  	[hbm4b:s11+s2] =	stream.linear.scatter [tilespmem:s2], [sflag:$0x3], $0x8000, $0x38;
	[tilespmem:$0x10000] =	vst v63  }
0x241: {  	_ = 	snop  }
0x242: {  	[hbm4b:s12+s2] =	stream.linear.scatter [tilespmem:s2], [sflag:$0x3], $0x8000, $0x38;
	[tilespmem:$0x10000] =	vst v63  }
0x243: {  	_ =	swait.ge [sflag:s15], $0x8000  }
0x244: {  	[sflag:s15] =	ssyncset.done $0x0  }
0x245: {  	[sflag:s15] =	ssyncadd.s32 $0xFFFF8000  }
0x246: {  	[hbm4b:s5+s2] =	stream.linear.scatter [tilespmem:s31], [sflag:$0x4], $0x8000, $0x38;
	[tilespmem:$0x10000] =	vst v63  }
0x247: {  	_ = 	snop  }
0x248: {  	[hbm4b:s6+s2] =	stream.linear.scatter [tilespmem:s31], [sflag:$0x4], $0x8000, $0x38;
	[tilespmem:$0x10000] =	vst v63  }
0x249: {  	_ = 	snop  }
0x24a: {  	[hbm4b:s7+s2] =	stream.linear.scatter [tilespmem:s31], [sflag:$0x4], $0x8000, $0x38;
	[tilespmem:$0x10000] =	vst v63  }
0x24b: {  	_ = 	snop  }
0x24c: {  	[hbm4b:s13+s2] =	stream.linear.scatter [tilespmem:s31], [sflag:$0x4], $0x8000, $0x38;
	[tilespmem:$0x10000] =	vst v63  }
0x24d: {  	_ =	swait.ge [sflag:s4], $0x8000  }
0x24e: {  	[sflag:s4] =	ssyncset.done $0x0  }
0x24f: {  	[sflag:s4] =	ssyncadd.s32 $0xFFFF8000  }
0x250: {  	_ =	swait.ge [sflag:s4], $0x8000  }
0x251: {  	[sflag:s4] =	ssyncset.done $0x0  }
0x252: {  	[sflag:s4] =	ssyncadd.s32 $0xFFFF8000  }
0x253: {  	_ =	swait.ge [sflag:s4], $0x8000  }
0x254: {  	[sflag:s4] =	ssyncset.done $0x0  }
0x255: {  	[sflag:s4] =	ssyncadd.s32 $0xFFFF8000  }
0x256: {  	_ =	swait.ge [sflag:s4], $0x8000  }
0x257: {  	[sflag:s4] =	ssyncset.done $0x0  }
0x258: {  	[sflag:s4] =	ssyncadd.s32 $0xFFFF8000  }
0x259: {  	_ =	swait.ge [sflag:s3], $0x8000  }
0x25a: {  	[sflag:s3] =	ssyncset.done $0x0  }
0x25b: {  	[sflag:s3] =	ssyncadd.s32 $0xFFFF8000  }
0x25c: {  	_ =	swait.ge [sflag:s3], $0x8000  }
0x25d: {  	[sflag:s3] =	ssyncset.done $0x0  }
0x25e: {  	[sflag:s3] =	ssyncadd.s32 $0xFFFF8000  }
0x25f: {  	_ =	swait.ge [sflag:s3], $0x8000  }
0x260: {  	[sflag:s3] =	ssyncset.done $0x0  }
0x261: {  	[sflag:s3] =	ssyncadd.s32 $0xFFFF8000  }
0x262: {  	_ =	swait.ge [sflag:s3], $0x8000  }
0x263: {  	[sflag:s3] =	ssyncset.done $0x0  }
0x264: {  	[sflag:s3] =	ssyncadd.s32 $0xFFFF8000  }
0x265: {  	_ =	sfence.sel $0x180000  }
0x266: {  	[bflag:$0x0] =	sbarrier.arrive $0xFFFF  }
0x267: {  	_ =	strace $0x90000047  }
0x268: {  	s31 =	stileid.u32;
	[bflag:$0x2] =	sbarrier.arrive $0xFFFF  }
0x269: {  	p0 =	sne.s32 s31, $0x0;
	s0 =	rddreg [dreg:$0x2]  }
0x26a: {  	s0 =	sadd.s32 @!p0 $0x100000, s0  }
0x26b: {  	[sflag:s0] =	ssyncadd.tile.s32 @!p0 $0x1;
	_ =	shalt  }
.Lfunc_end2:
_tile_overlayer_lowered:
.L_overlay_start_2:
0x26c: {  	(tag) =	ssettag $0x2  }
0x26d: {  	s0 =	rddreg [dreg:$0x0];
	s2 =	stileid.u32  }
0x26e: {  	s1 =	rddreg [dreg:$0x1];
	p0 =	sne.s32 s2, $0x0  }
0x26f: {  	s3 =	rddreg [dreg:$0x2];
	[bflag:$0x3] =	sbarrier.arrive $0xFFFF;
	s2 =	simm.s32 @!p0 $0x1C05  }
0x270: {  	[timem:s3], [sflag:s2] =	dma.local @!p0 [hbm:s0], s1  }
0x271: {  	s0 =	simm.s32 @!p0 $0x5  }
0x272: {  	_ =	swait.ge @!p0 [sflag:s0], s1  }
0x273: {  	s1 =	ssub.s32 @!p0 $0x0, s1;
	[sflag:s0] =	ssyncset.done @!p0 $0x0  }
0x274: {  	[sflag:s0] =	ssyncadd.s32 @!p0 s1  }
0x275: {  	[bflag:$0x3] =	sbarrier.arrive $0xFFFF  }
0x276: {  	_ =	shalt  }

</sc_bundles>
